<compile_context>
chip_gen: v7x
topology: tpu7x:2x2x1
jax: 0.10.2.dev20260603
libtpu: 0.0.44.dev20260713+nightly
codegen_flags: <defaults>
</compile_context>

<pallas_src>
import functools

import jax
import jax.numpy as jnp
from jax import lax
from jax.experimental import pallas as pl
from jax.experimental.pallas import tpu as pltpu
from jax.experimental.pallas import tpu_sc as plsc

N = 10000
E = 320000
D = 128
H = D // 2
L = 3
EDGE_DIM = 7

NC = 2
NS = 16
CHUNK = 80
EPT = E // NS
NCHUNK = 250
EPT_PAD = NCHUNK * CHUNK
E_TPAD = NS * EPT_PAD
NBUF = 2
NBUF_M = 2
N_PAD = 10240
ZROWS = 128
RPT = N_PAD // NS

_HIGHEST = jax.lax.Precision.HIGHEST


def _dot(a, b):
    return lax.dot_general(a, b, (((1,), (0,)), ((), ())),
                           preferred_element_type=jnp.float32)


def _edge_mlp_body(ea_ref, w_ref, brow_ref, out_ref, *, relu):
    z = _dot(ea_ref[...], w_ref[0]) + brow_ref[0]
    if relu:
        z = jnp.maximum(z, 0.0)
    out_ref[0] = z


def _edge_mlp(edge_attr, W, brow, relu):
    W2c = W.reshape(EDGE_DIM, NC, H).transpose(1, 0, 2)
    b2c = brow.reshape(1, NC, H).transpose(1, 0, 2)
    BE = 4000
    return pl.pallas_call(
        functools.partial(_edge_mlp_body, relu=relu),
        grid=(NC, E_TPAD // BE),
        in_specs=[
            pl.BlockSpec((BE, EDGE_DIM), lambda h, i: (i, 0)),
            pl.BlockSpec((1, EDGE_DIM, H), lambda h, i: (h, 0, 0)),
            pl.BlockSpec((1, 1, H), lambda h, i: (h, 0, 0)),
        ],
        out_specs=pl.BlockSpec((1, BE, H), lambda h, i: (h, i, 0)),
        out_shape=jax.ShapeDtypeStruct((NC, E_TPAD, H), jnp.float32),
    )(edge_attr, W2c, b2c)


def _dense_body(h_ref, p_ref, sc_ref, W1_ref, b1_ref, g1_ref, be1_ref,
                W2_ref, b2_ref, g2_ref, be2_ref, out_ref, *, h_is_row, split_out):
    agg = jnp.concatenate([p_ref[0, :N], p_ref[1, :N]], axis=1)
    if h_is_row:
        h = h_ref[...]
    else:
        h = jnp.concatenate([h_ref[:N], h_ref[N:]], axis=1)
    z = sc_ref[0, 0] * h + agg
    z = _dot(z, W1_ref[...]) + b1_ref[...]
    mu = jnp.mean(z, axis=0, keepdims=True)
    zc = z - mu
    var = jnp.mean(zc * zc, axis=0, keepdims=True)
    z = g1_ref[...] * zc * lax.rsqrt(var + 1e-5) + be1_ref[...]
    z = jnp.maximum(z, 0.0)
    z = _dot(z, W2_ref[...]) + b2_ref[...]
    mu2 = jnp.mean(z, axis=0, keepdims=True)
    zc2 = z - mu2
    var2 = jnp.mean(zc2 * zc2, axis=0, keepdims=True)
    z = g2_ref[...] * zc2 * lax.rsqrt(var2 + 1e-5) + be2_ref[...]
    if split_out:
        z = jnp.maximum(z, 0.0)
        out_ref[:N] = z[:, :H]
        out_ref[N:] = z[:, H:]
    else:
        out_ref[...] = z


def _dense(h, p, scale, W1, b1, g1, be1, W2, b2, g2, be2, h_is_row, split_out):
    out_shape = (jax.ShapeDtypeStruct((2 * N, H), jnp.float32) if split_out
                 else jax.ShapeDtypeStruct((N, D), jnp.float32))
    return pl.pallas_call(
        functools.partial(_dense_body, h_is_row=h_is_row, split_out=split_out),
        out_shape=out_shape,
    )(h, p, scale, W1, b1, g1, be1, W2, b2, g2, be2)


def _sc_scatter_body(ee4_hbm, dst_hbm, out_hbm, dst_v, msg_v, zbuf, agg_sh,
                     msems, ssems):
    cid = lax.axis_index("c")
    sid = lax.axis_index("s")

    @pl.loop(0, ZROWS)
    def _(r):
        for c in range(H // 16):
            zbuf[r, pl.ds(c * 16, 16)] = jnp.zeros((16,), jnp.float32)

    @pl.loop(0, RPT // ZROWS)
    def _(k):
        pltpu.sync_copy(zbuf, agg_sh.at[pl.ds(sid * RPT + k * ZROWS, ZROWS)])
    plsc.subcore_barrier()

    pltpu.sync_copy(dst_hbm.at[sid], dst_v)

    bufs = [msg_v.at[b] for b in range(NBUF)]

    def _load(k, buf, sem):
        eb = (sid * NCHUNK + k) * CHUNK
        return pltpu.make_async_copy(ee4_hbm.at[cid, pl.ds(eb, CHUNK)], buf, sem)

    def _scat(k, buf, sem):
        return pltpu.make_async_copy(buf, agg_sh.at[dst_v.at[k]], sem)

    for b in range(NBUF - 1):
        _load(b, bufs[b], msems[b]).start()

    @pl.loop(0, NCHUNK // NBUF)
    def _(j):
        for b in range(NBUF):
            k = NBUF * j + b
            bp = (b + NBUF - 1) % NBUF
            _load(k, bufs[b], msems[b]).wait()

            @pl.when(k >= 1)
            def _(bp=bp, k=k):
                _scat(k - 1, bufs[bp], ssems[bp]).wait()

            pltpu.async_copy(bufs[b], agg_sh.at[dst_v.at[k]], ssems[b], add=True)

            @pl.when(k + NBUF - 1 < NCHUNK)
            def _(b=b, bp=bp, k=k):
                _load(k + NBUF - 1, bufs[bp], msems[bp]).start()

    _scat(NCHUNK - 1, bufs[(NCHUNK - 1) % NBUF], ssems[(NCHUNK - 1) % NBUF]).wait()
    plsc.subcore_barrier()
    @pl.loop(0, RPT // ZROWS)
    def _(k):
        r0 = sid * RPT + k * ZROWS
        pltpu.sync_copy(agg_sh.at[pl.ds(r0, ZROWS)], out_hbm.at[cid, pl.ds(r0, ZROWS)])


def _sc_scatter(ee_all, dst3d):
    mesh = plsc.VectorSubcoreMesh(core_axis_name="c", subcore_axis_name="s")
    f = pl.kernel(
        _sc_scatter_body,
        out_type=jax.ShapeDtypeStruct((NC, N_PAD, H), jnp.float32),
        mesh=mesh,
        scratch_types=[
            pltpu.VMEM((NCHUNK, CHUNK), jnp.int32),
            pltpu.VMEM((NBUF, CHUNK, H), jnp.float32),
            pltpu.VMEM((ZROWS, H), jnp.float32),
            pltpu.VMEM_SHARED((N_PAD, H), jnp.float32),
            [pltpu.SemaphoreType.DMA] * NBUF,
            [pltpu.SemaphoreType.DMA] * NBUF,
        ],
        compiler_params=pltpu.CompilerParams(use_tc_tiling_on_sc=False),
    )
    return f(ee_all, dst3d)


def _sc_msg_body(h_hbm, ee_hbm, src_hbm, dst_hbm, out_hbm,
                 src_v, dst_v, rows_v, ee_v, zbuf, agg_sh,
                 gsems, esems, ssems):
    cid = lax.axis_index("c")
    sid = lax.axis_index("s")

    @pl.loop(0, ZROWS)
    def _(r):
        for c in range(H // 16):
            zbuf[r, pl.ds(c * 16, 16)] = jnp.zeros((16,), jnp.float32)

    @pl.loop(0, RPT // ZROWS)
    def _(k):
        pltpu.sync_copy(zbuf, agg_sh.at[pl.ds(sid * RPT + k * ZROWS, ZROWS)])
    plsc.subcore_barrier()

    pltpu.sync_copy(src_hbm.at[cid, sid], src_v)
    pltpu.sync_copy(dst_hbm.at[sid], dst_v)

    rbufs = [rows_v.at[b] for b in range(NBUF_M)]
    ebufs = [ee_v.at[b] for b in range(NBUF_M)]

    def _gat(k, buf, sem):
        return pltpu.make_async_copy(h_hbm.at[src_v.at[k]], buf, sem)

    def _lee(k, buf, sem):
        eb = (sid * NCHUNK + k) * CHUNK
        return pltpu.make_async_copy(ee_hbm.at[cid, pl.ds(eb, CHUNK)], buf, sem)

    def _scat(k, buf, sem):
        return pltpu.make_async_copy(buf, agg_sh.at[dst_v.at[k]], sem)

    def _compute(rows, eev):
        @pl.loop(0, CHUNK)
        def _(r):
            for c in range(H // 16):
                s = pl.ds(c * 16, 16)
                rows[r, s] = jnp.maximum(rows[r, s] + eev[r, s], 0.0)

    for b in range(NBUF_M - 1):
        _gat(b, rbufs[b], gsems[b]).start()
        _lee(b, ebufs[b], esems[b]).start()

    @pl.loop(0, NCHUNK // NBUF_M)
    def _(j):
        for b in range(NBUF_M):
            k = NBUF_M * j + b
            bp = (b + NBUF_M - 1) % NBUF_M
            _gat(k, rbufs[b], gsems[b]).wait()
            _lee(k, ebufs[b], esems[b]).wait()
            _compute(rbufs[b], ebufs[b])

            @pl.when(k >= 1)
            def _(bp=bp, k=k):
                _scat(k - 1, rbufs[bp], ssems[bp]).wait()

            pltpu.async_copy(rbufs[b], agg_sh.at[dst_v.at[k]], ssems[b], add=True)

            @pl.when(k + NBUF_M - 1 < NCHUNK)
            def _(b=b, bp=bp, k=k):
                _gat(k + NBUF_M - 1, rbufs[bp], gsems[bp]).start()
                _lee(k + NBUF_M - 1, ebufs[bp], esems[bp]).start()

    _scat(NCHUNK - 1, rbufs[(NCHUNK - 1) % NBUF_M], ssems[(NCHUNK - 1) % NBUF_M]).wait()
    plsc.subcore_barrier()
    @pl.loop(0, RPT // ZROWS)
    def _(k):
        r0 = sid * RPT + k * ZROWS
        pltpu.sync_copy(agg_sh.at[pl.ds(r0, ZROWS)], out_hbm.at[cid, pl.ds(r0, ZROWS)])


def _sc_msg(h_split, ee, src3d, dst3d):
    mesh = plsc.VectorSubcoreMesh(core_axis_name="c", subcore_axis_name="s")
    f = pl.kernel(
        _sc_msg_body,
        out_type=jax.ShapeDtypeStruct((NC, N_PAD, H), jnp.float32),
        mesh=mesh,
        scratch_types=[
            pltpu.VMEM((NCHUNK, CHUNK), jnp.int32),
            pltpu.VMEM((NCHUNK, CHUNK), jnp.int32),
            pltpu.VMEM((NBUF_M, CHUNK, H), jnp.float32),
            pltpu.VMEM((NBUF_M, CHUNK, H), jnp.float32),
            pltpu.VMEM((ZROWS, H), jnp.float32),
            pltpu.VMEM_SHARED((N_PAD, H), jnp.float32),
            [pltpu.SemaphoreType.DMA] * NBUF_M,
            [pltpu.SemaphoreType.DMA] * NBUF_M,
            [pltpu.SemaphoreType.DMA] * NBUF_M,
        ],
        compiler_params=pltpu.CompilerParams(use_tc_tiling_on_sc=False),
    )
    return f(h_split, ee, src3d, dst3d)


def kernel(x, edge_index, edge_attr, batch, node_emb, W_e, b_e, eps,
           W1, b1, bn1_gamma, bn1_beta, W2, b2, bn_gamma, bn_beta):
    src1 = edge_index[0].reshape(NS, NCHUNK, CHUNK)
    src3d = jnp.stack([src1, src1 + N])
    dst3d = edge_index[1].reshape(NS, NCHUNK, CHUNK)

    h0row = node_emb[0:1]

    scales = (1.0 + eps).reshape(L, 1, 1)

    msg0 = _edge_mlp(edge_attr, W_e[0], (b_e[0] + node_emb[0]).reshape(1, D), relu=True)
    p = _sc_scatter(msg0, dst3d)
    h = _dense(h0row, p, scales[0], W1[0], b1[0], bn1_gamma[0], bn1_beta[0],
               W2[0], b2[0], bn_gamma[0], bn_beta[0], h_is_row=True, split_out=True)

    for l in range(1, L):
        ee = _edge_mlp(edge_attr, W_e[l], b_e[l].reshape(1, D), relu=False)
        p = _sc_msg(h, ee, src3d, dst3d)
        h = _dense(h, p, scales[l], W1[l], b1[l], bn1_gamma[l], bn1_beta[l],
                   W2[l], b2[l], bn_gamma[l], bn_beta[l],
                   h_is_row=False, split_out=(l != L - 1))
    return h

# --- scband reference (transcript-rebuilt; emitter-appended) ---
"""Pipeline reference for scband-gnn-node-18433999635114 (READ-ONLY COPY).

The authoritative reference and input builder live on the scoring server;
editing this copy changes nothing except your own understanding.
"""

import jax, jax.numpy as jnp
import numpy as np

N = 10000
E = 320000
D = 128
L = 3
EDGE_DIM = 7


def setup_inputs(seed: int = 0) -> dict:
    key = jax.random.key(seed)
    ks = jax.random.split(key, 10)
    x = jnp.zeros((N,), dtype=jnp.int32)  # node_encoder Embedding has num_embeddings=1
    edge_index = jax.random.randint(ks[0], (2, E), 0, N, dtype=jnp.int32)
    edge_attr = jax.random.normal(ks[1], (E, EDGE_DIM), dtype=jnp.float32)
    batch = jnp.sort(jax.random.randint(ks[2], (N,), 0, 64, dtype=jnp.int32))
    # learned parameters, stacked over L layers
    node_emb = jax.random.normal(ks[3], (1, D), dtype=jnp.float32) * 0.02
    W_e = jax.random.normal(ks[4], (L, EDGE_DIM, D), dtype=jnp.float32) * (1.0 / np.sqrt(EDGE_DIM))
    b_e = jnp.zeros((L, D), dtype=jnp.float32)
    eps = jnp.zeros((L,), dtype=jnp.float32)
    W1 = jax.random.normal(ks[5], (L, D, 2 * D), dtype=jnp.float32) * (1.0 / np.sqrt(D))
    b1 = jnp.zeros((L, 2 * D), dtype=jnp.float32)
    bn1_gamma = jnp.ones((L, 2 * D), dtype=jnp.float32)
    bn1_beta = jnp.zeros((L, 2 * D), dtype=jnp.float32)
    W2 = jax.random.normal(ks[6], (L, 2 * D, D), dtype=jnp.float32) * (1.0 / np.sqrt(2 * D))
    b2 = jnp.zeros((L, D), dtype=jnp.float32)
    bn_gamma = jnp.ones((L, D), dtype=jnp.float32)
    bn_beta = jnp.zeros((L, D), dtype=jnp.float32)
    return {
        "x": x, "edge_index": edge_index, "edge_attr": edge_attr, "batch": batch,
        "node_emb": node_emb, "W_e": W_e, "b_e": b_e, "eps": eps,
        "W1": W1, "b1": b1, "bn1_gamma": bn1_gamma, "bn1_beta": bn1_beta,
        "W2": W2, "b2": b2, "bn_gamma": bn_gamma, "bn_beta": bn_beta,
    }


def _bn(z, gamma, beta):
    # BatchNorm1d with batch statistics (biased variance), dropout disabled (eval)
    mu = jnp.mean(z, axis=0)
    var = jnp.var(z, axis=0)
    return gamma * (z - mu) / jnp.sqrt(var + 1e-5) + beta


def reference(x, edge_index, edge_attr, batch, node_emb, W_e, b_e, eps,
              W1, b1, bn1_gamma, bn1_beta, W2, b2, bn_gamma, bn_beta):
    h = jnp.take(node_emb, x, axis=0)  # node_encoder(x) -> [N, D]
    src = edge_index[0]
    dst = edge_index[1]
    for l in range(L):
        # GINConv2
        ee = edge_attr @ W_e[l] + b_e[l]                      # edge_encoder
        msg = jax.nn.relu(jnp.take(h, src, axis=0) + ee)      # message(x_j, edge_attr)
        agg = jax.ops.segment_sum(msg, dst, num_segments=N)   # aggr='add'
        z = (1.0 + eps[l]) * h + agg
        z = z @ W1[l] + b1[l]
        z = _bn(z, bn1_gamma[l], bn1_beta[l])                 # BN inside mlp
        z = jax.nn.relu(z)
        z = z @ W2[l] + b2[l]
        hn = _bn(z, bn_gamma[l], bn_beta[l])                  # outer batch_norms[layer]
        if l == L - 1:
            h = hn  # dropout is identity in eval mode
        else:
            h = jax.nn.relu(hn)
    return h

if __name__ == "__main__":
    import jax
    _d = setup_inputs()
    print(jax.jit(kernel)(*tuple(_d.values())))

</pallas_src>

<mosaic_0001>
#map = affine_map<(d0, d1) -> (0, 0)>
#map1 = affine_map<(d0, d1) -> (0, 0, 0)>
#map2 = affine_map<(d0, d1) -> (0, 0, 0, 0)>
module attributes {stable_mosaic.version = 14 : i64} {
  func.func @_sc_msg_body(%arg0: i32, %arg1: i32, %arg2: memref<20000x64xf32, #tpu.memory_space<hbm>>, %arg3: memref<2x320000x64xf32, #tpu.memory_space<hbm>>, %arg4: memref<2x16x250x80xi32, #tpu.memory_space<hbm>>, %arg5: memref<16x250x80xi32, #tpu.memory_space<hbm>>, %arg6: memref<2x10240x64xf32, #tpu.memory_space<hbm>>, %arg7: memref<250x80xi32, #tpu.memory_space<vmem>>, %arg8: memref<250x80xi32, #tpu.memory_space<vmem>>, %arg9: memref<2x80x64xf32, #tpu.memory_space<vmem>>, %arg10: memref<2x80x64xf32, #tpu.memory_space<vmem>>, %arg11: memref<128x64xf32, #tpu.memory_space<vmem>>, %arg12: memref<10240x64xf32, #tpu.memory_space<vmem_shared>>, %arg13: memref<!tpu.dma_semaphore, #tpu.memory_space<semaphore_mem>>, %arg14: memref<!tpu.dma_semaphore, #tpu.memory_space<semaphore_mem>>, %arg15: memref<!tpu.dma_semaphore, #tpu.memory_space<semaphore_mem>>, %arg16: memref<!tpu.dma_semaphore, #tpu.memory_space<semaphore_mem>>, %arg17: memref<!tpu.dma_semaphore, #tpu.memory_space<semaphore_mem>>, %arg18: memref<!tpu.dma_semaphore, #tpu.memory_space<semaphore_mem>>) attributes {dimension_semantics = [#tpu.dimension_semantics<core_parallel>, #tpu.dimension_semantics<subcore_parallel>], iteration_bounds = array<i64: 2, 16>, scalar_prefetch = 0 : i64, scratch_operands = 12 : i64, tpu.core_type = #tpu.core_type<sc_vector_subcore>, window_params = [{transform_indices = #map}, {transform_indices = #map1}, {transform_indices = #map2}, {transform_indices = #map1}, {transform_indices = #map1}]} {
    %scan3A = arith.constant 0 : i32
    %scan3A_0 = arith.constant 128 : i32
    %scan3A_1 = arith.addi %scan3A, %scan3A_0 : i32
    %scan3A_2 = arith.constant 1 : i32
    scf.for %scan3A_65 = %scan3A to %scan3A_1 step %scan3A_2  : i32 {
      %mul3A_66 = arith.constant 1 : i32
      %mul3A_67 = arith.muli %scan3A_65, %mul3A_66 : i32
      %add3A_68 = arith.constant 0 : i32
      %add3A_69 = arith.addi %add3A_68, %mul3A_67 : i32
      %broadcast_in_dim3A = arith.constant 0.000000e+00 : f32
      %broadcast_in_dim3A_70 = vector.broadcast %broadcast_in_dim3A : f32 to vector<16xf32>
      %swap3A = arith.index_cast %add3A_69 : i32 to index
      %swap3A_71 = arith.constant 0 : index
      %swap3A_72 = tpu.vector_load %arg11[%swap3A, %swap3A_71] {strides = array<i32>} : memref<128x64xf32, #tpu.memory_space<vmem>>, vector<1x16xf32>,
      %swap3A_73 = vector.shape_cast %swap3A_72 : vector<1x16xf32> to vector<16xf32>
      %swap3A_74 = vector.shape_cast %broadcast_in_dim3A_70 : vector<16xf32> to vector<1x16xf32>
      tpu.vector_store %arg11[%swap3A, %swap3A_71], %swap3A_74 {strides = array<i32>} : memref<128x64xf32, #tpu.memory_space<vmem>>, vector<1x16xf32>,
      %broadcast_in_dim3A_75 = arith.constant 0.000000e+00 : f32
      %broadcast_in_dim3A_76 = vector.broadcast %broadcast_in_dim3A_75 : f32 to vector<16xf32>
      %swap3A_77 = arith.index_cast %add3A_69 : i32 to index
      %swap3A_78 = arith.constant 16 : index
      %swap3A_79 = tpu.vector_load %arg11[%swap3A_77, %swap3A_78] {strides = array<i32>} : memref<128x64xf32, #tpu.memory_space<vmem>>, vector<1x16xf32>,
      %swap3A_80 = vector.shape_cast %swap3A_79 : vector<1x16xf32> to vector<16xf32>
      %swap3A_81 = vector.shape_cast %broadcast_in_dim3A_76 : vector<16xf32> to vector<1x16xf32>
      tpu.vector_store %arg11[%swap3A_77, %swap3A_78], %swap3A_81 {strides = array<i32>} : memref<128x64xf32, #tpu.memory_space<vmem>>, vector<1x16xf32>,
      %broadcast_in_dim3A_82 = arith.constant 0.000000e+00 : f32
      %broadcast_in_dim3A_83 = vector.broadcast %broadcast_in_dim3A_82 : f32 to vector<16xf32>
      %swap3A_84 = arith.index_cast %add3A_69 : i32 to index
      %swap3A_85 = arith.constant 32 : index
      %swap3A_86 = tpu.vector_load %arg11[%swap3A_84, %swap3A_85] {strides = array<i32>} : memref<128x64xf32, #tpu.memory_space<vmem>>, vector<1x16xf32>,
      %swap3A_87 = vector.shape_cast %swap3A_86 : vector<1x16xf32> to vector<16xf32>
      %swap3A_88 = vector.shape_cast %broadcast_in_dim3A_83 : vector<16xf32> to vector<1x16xf32>
      tpu.vector_store %arg11[%swap3A_84, %swap3A_85], %swap3A_88 {strides = array<i32>} : memref<128x64xf32, #tpu.memory_space<vmem>>, vector<1x16xf32>,
      %broadcast_in_dim3A_89 = arith.constant 0.000000e+00 : f32
      %broadcast_in_dim3A_90 = vector.broadcast %broadcast_in_dim3A_89 : f32 to vector<16xf32>
      %swap3A_91 = arith.index_cast %add3A_69 : i32 to index
      %swap3A_92 = arith.constant 48 : index
      %swap3A_93 = tpu.vector_load %arg11[%swap3A_91, %swap3A_92] {strides = array<i32>} : memref<128x64xf32, #tpu.memory_space<vmem>>, vector<1x16xf32>,
      %swap3A_94 = vector.shape_cast %swap3A_93 : vector<1x16xf32> to vector<16xf32>
      %swap3A_95 = vector.shape_cast %broadcast_in_dim3A_90 : vector<16xf32> to vector<1x16xf32>
      tpu.vector_store %arg11[%swap3A_91, %swap3A_92], %swap3A_95 {strides = array<i32>} : memref<128x64xf32, #tpu.memory_space<vmem>>, vector<1x16xf32>,
    }
    %scan3A_3 = arith.constant 128 : i32
    %scan3A_4 = arith.constant 0 : i32
    %scan3A_5 = arith.constant 5 : i32
    %scan3A_6 = arith.addi %scan3A_4, %scan3A_5 : i32
    %scan3A_7 = arith.constant 1 : i32
    scf.for %scan3A_65 = %scan3A_4 to %scan3A_6 step %scan3A_7  : i32 {
      %mul3A_66 = arith.constant 1 : i32
      %mul3A_67 = arith.muli %scan3A_65, %mul3A_66 : i32
      %add3A_68 = arith.constant 0 : i32
      %add3A_69 = arith.addi %add3A_68, %mul3A_67 : i32
      %mul3A_70 = arith.constant 640 : i32
      %mul3A_71 = arith.muli %arg1, %mul3A_70 : i32
      %mul3A_72 = arith.constant 128 : i32
      %mul3A_73 = arith.muli %add3A_69, %mul3A_72 : i32
      %add3A_74 = arith.addi %mul3A_71, %mul3A_73 : i32
      "tpu.region"() ({
        %run_scoped3A = tpu.sem_alloc : memref<!tpu.dma_semaphore, #tpu.memory_space<semaphore_mem>>
        %dma_start3A_75 = arith.constant 0 : i32
        %dma_start3A_76 = tpu.memref_slice %arg12[%add3A_74, %dma_start3A_75] : memref<10240x64xf32, #tpu.memory_space<vmem_shared>> -> memref<128x64xf32, #tpu.memory_space<vmem_shared>>
        %dma_start3A_77 = arith.constant 0 : i32
        %dma_start3A_78 = tpu.memref_slice %arg12[%add3A_74, %dma_start3A_77] : memref<10240x64xf32, #tpu.memory_space<vmem_shared>> -> memref<128x64xf32, #tpu.memory_space<vmem_shared>>
        tpu.enqueue_dma source(%arg11 : memref<128x64xf32, #tpu.memory_space<vmem>>) target(%dma_start3A_78 : memref<128x64xf32, #tpu.memory_space<vmem_shared>>) target_semaphore(%run_scoped3A : memref<!tpu.dma_semaphore, #tpu.memory_space<semaphore_mem>>)
        %dma_wait3A_79 = arith.constant 0 : i32
        %dma_wait3A_80 = tpu.memref_slice %arg12[%add3A_74, %dma_wait3A_79] : memref<10240x64xf32, #tpu.memory_space<vmem_shared>> -> memref<128x64xf32, #tpu.memory_space<vmem_shared>>
        %dma_wait3A_81 = arith.constant 0 : i32
        %dma_wait3A_82 = tpu.memref_slice %arg12[%add3A_74, %dma_wait3A_81] : memref<10240x64xf32, #tpu.memory_space<vmem_shared>> -> memref<128x64xf32, #tpu.memory_space<vmem_shared>>
        tpu.wait_dma2 semaphore(%run_scoped3A : memref<!tpu.dma_semaphore, #tpu.memory_space<semaphore_mem>>) src(%arg11 : memref<128x64xf32, #tpu.memory_space<vmem>>) dst(%dma_wait3A_82 : memref<128x64xf32, #tpu.memory_space<vmem_shared>>)
        tpu.yield
      }) : () -> ()
    }
    %scan3A_8 = arith.constant 5 : i32
    %barrier3A = arith.constant 0 : index
    tpu.barrier barrier_id(%barrier3A)
    "tpu.region"() ({
      %run_scoped3A = tpu.sem_alloc : memref<!tpu.dma_semaphore, #tpu.memory_space<semaphore_mem>>
      %dma_start3A_65 = arith.constant 0 : i32
      %dma_start3A_66 = arith.constant 0 : i32
      %dma_start3A_67 = tpu.memref_slice %arg4[%arg0, %arg1, %dma_start3A_65, %dma_start3A_66] : memref<2x16x250x80xi32, #tpu.memory_space<hbm>> -> memref<1x1x250x80xi32, #tpu.memory_space<hbm>>
      %dma_start3A_68 = tpu.memref_squeeze %dma_start3A_67 : memref<1x1x250x80xi32, #tpu.memory_space<hbm>> -> memref<250x80xi32, #tpu.memory_space<hbm>>
      %dma_start3A_69 = arith.constant 0 : i32
      %dma_start3A_70 = arith.constant 0 : i32
      %dma_start3A_71 = tpu.memref_slice %arg4[%arg0, %arg1, %dma_start3A_69, %dma_start3A_70] : memref<2x16x250x80xi32, #tpu.memory_space<hbm>> -> memref<1x1x250x80xi32, #tpu.memory_space<hbm>>
      %dma_start3A_72 = tpu.memref_squeeze %dma_start3A_71 : memref<1x1x250x80xi32, #tpu.memory_space<hbm>> -> memref<250x80xi32, #tpu.memory_space<hbm>>
      tpu.enqueue_dma source(%dma_start3A_72 : memref<250x80xi32, #tpu.memory_space<hbm>>) target(%arg7 : memref<250x80xi32, #tpu.memory_space<vmem>>) target_semaphore(%run_scoped3A : memref<!tpu.dma_semaphore, #tpu.memory_space<semaphore_mem>>)
      %dma_wait3A_73 = arith.constant 0 : i32
      %dma_wait3A_74 = arith.constant 0 : i32
      %dma_wait3A_75 = tpu.memref_slice %arg4[%arg0, %arg1, %dma_wait3A_73, %dma_wait3A_74] : memref<2x16x250x80xi32, #tpu.memory_space<hbm>> -> memref<1x1x250x80xi32, #tpu.memory_space<hbm>>
      %dma_wait3A_76 = tpu.memref_squeeze %dma_wait3A_75 : memref<1x1x250x80xi32, #tpu.memory_space<hbm>> -> memref<250x80xi32, #tpu.memory_space<hbm>>
      %dma_wait3A_77 = arith.constant 0 : i32
      %dma_wait3A_78 = arith.constant 0 : i32
      %dma_wait3A_79 = tpu.memref_slice %arg4[%arg0, %arg1, %dma_wait3A_77, %dma_wait3A_78] : memref<2x16x250x80xi32, #tpu.memory_space<hbm>> -> memref<1x1x250x80xi32, #tpu.memory_space<hbm>>
      %dma_wait3A_80 = tpu.memref_squeeze %dma_wait3A_79 : memref<1x1x250x80xi32, #tpu.memory_space<hbm>> -> memref<250x80xi32, #tpu.memory_space<hbm>>
      tpu.wait_dma2 semaphore(%run_scoped3A : memref<!tpu.dma_semaphore, #tpu.memory_space<semaphore_mem>>) src(%dma_wait3A_80 : memref<250x80xi32, #tpu.memory_space<hbm>>) dst(%arg7 : memref<250x80xi32, #tpu.memory_space<vmem>>)
      tpu.yield
    }) : () -> ()
    "tpu.region"() ({
      %run_scoped3A = tpu.sem_alloc : memref<!tpu.dma_semaphore, #tpu.memory_space<semaphore_mem>>
      %dma_start3A_65 = arith.constant 0 : i32
      %dma_start3A_66 = arith.constant 0 : i32
      %dma_start3A_67 = tpu.memref_slice %arg5[%arg1, %dma_start3A_65, %dma_start3A_66] : memref<16x250x80xi32, #tpu.memory_space<hbm>> -> memref<1x250x80xi32, #tpu.memory_space<hbm>>
      %dma_start3A_68 = tpu.memref_squeeze %dma_start3A_67 : memref<1x250x80xi32, #tpu.memory_space<hbm>> -> memref<250x80xi32, #tpu.memory_space<hbm>>
      %dma_start3A_69 = arith.constant 0 : i32
      %dma_start3A_70 = arith.constant 0 : i32
      %dma_start3A_71 = tpu.memref_slice %arg5[%arg1, %dma_start3A_69, %dma_start3A_70] : memref<16x250x80xi32, #tpu.memory_space<hbm>> -> memref<1x250x80xi32, #tpu.memory_space<hbm>>
      %dma_start3A_72 = tpu.memref_squeeze %dma_start3A_71 : memref<1x250x80xi32, #tpu.memory_space<hbm>> -> memref<250x80xi32, #tpu.memory_space<hbm>>
      tpu.enqueue_dma source(%dma_start3A_72 : memref<250x80xi32, #tpu.memory_space<hbm>>) target(%arg8 : memref<250x80xi32, #tpu.memory_space<vmem>>) target_semaphore(%run_scoped3A : memref<!tpu.dma_semaphore, #tpu.memory_space<semaphore_mem>>)
      %dma_wait3A_73 = arith.constant 0 : i32
      %dma_wait3A_74 = arith.constant 0 : i32
      %dma_wait3A_75 = tpu.memref_slice %arg5[%arg1, %dma_wait3A_73, %dma_wait3A_74] : memref<16x250x80xi32, #tpu.memory_space<hbm>> -> memref<1x250x80xi32, #tpu.memory_space<hbm>>
      %dma_wait3A_76 = tpu.memref_squeeze %dma_wait3A_75 : memref<1x250x80xi32, #tpu.memory_space<hbm>> -> memref<250x80xi32, #tpu.memory_space<hbm>>
      %dma_wait3A_77 = arith.constant 0 : i32
      %dma_wait3A_78 = arith.constant 0 : i32
      %dma_wait3A_79 = tpu.memref_slice %arg5[%arg1, %dma_wait3A_77, %dma_wait3A_78] : memref<16x250x80xi32, #tpu.memory_space<hbm>> -> memref<1x250x80xi32, #tpu.memory_space<hbm>>
      %dma_wait3A_80 = tpu.memref_squeeze %dma_wait3A_79 : memref<1x250x80xi32, #tpu.memory_space<hbm>> -> memref<250x80xi32, #tpu.memory_space<hbm>>
      tpu.wait_dma2 semaphore(%run_scoped3A : memref<!tpu.dma_semaphore, #tpu.memory_space<semaphore_mem>>) src(%dma_wait3A_80 : memref<250x80xi32, #tpu.memory_space<hbm>>) dst(%arg8 : memref<250x80xi32, #tpu.memory_space<vmem>>)
      tpu.yield
    }) : () -> ()
    %dma_start3A = arith.constant 0 : i32
    %dma_start3A_9 = arith.constant 0 : i32
    %dma_start3A_10 = arith.constant 0 : i32
    %dma_start3A_11 = arith.constant 0 : i32
    %dma_start3A_12 = tpu.memref_slice %arg9[%dma_start3A_9, %dma_start3A_10, %dma_start3A_11] : memref<2x80x64xf32, #tpu.memory_space<vmem>> -> memref<1x80x64xf32, #tpu.memory_space<vmem>>
    %dma_start3A_13 = tpu.memref_squeeze %dma_start3A_12 : memref<1x80x64xf32, #tpu.memory_space<vmem>> -> memref<80x64xf32, #tpu.memory_space<vmem>>
    %dma_start3A_14 = arith.constant 0 : i32
    %dma_start3A_15 = tpu.memref_slice %arg7[%dma_start3A, %dma_start3A_14] : memref<250x80xi32, #tpu.memory_space<vmem>> -> memref<1x80xi32, #tpu.memory_space<vmem>>
    %dma_start3A_16 = tpu.memref_squeeze %dma_start3A_15 : memref<1x80xi32, #tpu.memory_space<vmem>> -> memref<80xi32, #tpu.memory_space<vmem>>
    %dma_start3A_17 = arith.constant 0 : i32
    %dma_start3A_18 = arith.constant 0 : i32
    %dma_start3A_19 = tpu.memref_slice %arg2[%dma_start3A_17, %dma_start3A_18] : memref<20000x64xf32, #tpu.memory_space<hbm>> -> memref<20000x64xf32, #tpu.memory_space<hbm>>
    tpu.enqueue_indirect_dma source(%dma_start3A_19 : memref<20000x64xf32, #tpu.memory_space<hbm>>) target(%dma_start3A_13 : memref<80x64xf32, #tpu.memory_space<vmem>>) offsets(%dma_start3A_16 : memref<80xi32, #tpu.memory_space<vmem>>) semaphore(%arg13 : memref<!tpu.dma_semaphore, #tpu.memory_space<semaphore_mem>>)
    %mul3A = arith.constant 250 : i32
    %mul3A_20 = arith.muli %arg1, %mul3A : i32
    %add3A = arith.constant 0 : i32
    %add3A_21 = arith.addi %mul3A_20, %add3A : i32
    %mul3A_22 = arith.constant 80 : i32
    %mul3A_23 = arith.muli %add3A_21, %mul3A_22 : i32
    %dma_start3A_24 = arith.constant 0 : i32
    %dma_start3A_25 = arith.constant 0 : i32
    %dma_start3A_26 = arith.constant 0 : i32
    %dma_start3A_27 = tpu.memref_slice %arg10[%dma_start3A_24, %dma_start3A_25, %dma_start3A_26] : memref<2x80x64xf32, #tpu.memory_space<vmem>> -> memref<1x80x64xf32, #tpu.memory_space<vmem>>
    %dma_start3A_28 = tpu.memref_squeeze %dma_start3A_27 : memref<1x80x64xf32, #tpu.memory_space<vmem>> -> memref<80x64xf32, #tpu.memory_space<vmem>>
    %dma_start3A_29 = arith.constant 0 : i32
    %dma_start3A_30 = tpu.memref_slice %arg3[%arg0, %mul3A_23, %dma_start3A_29] : memref<2x320000x64xf32, #tpu.memory_space<hbm>> -> memref<1x80x64xf32, #tpu.memory_space<hbm>>
    %dma_start3A_31 = tpu.memref_squeeze %dma_start3A_30 : memref<1x80x64xf32, #tpu.memory_space<hbm>> -> memref<80x64xf32, #tpu.memory_space<hbm>>
    %dma_start3A_32 = arith.constant 0 : i32
    %dma_start3A_33 = arith.constant 0 : i32
    %dma_start3A_34 = tpu.memref_slice %arg10[%dma_start3A_24, %dma_start3A_32, %dma_start3A_33] : memref<2x80x64xf32, #tpu.memory_space<vmem>> -> memref<1x80x64xf32, #tpu.memory_space<vmem>>
    %dma_start3A_35 = tpu.memref_squeeze %dma_start3A_34 : memref<1x80x64xf32, #tpu.memory_space<vmem>> -> memref<80x64xf32, #tpu.memory_space<vmem>>
    %dma_start3A_36 = arith.constant 0 : i32
    %dma_start3A_37 = tpu.memref_slice %arg3[%arg0, %mul3A_23, %dma_start3A_36] : memref<2x320000x64xf32, #tpu.memory_space<hbm>> -> memref<1x80x64xf32, #tpu.memory_space<hbm>>
    %dma_start3A_38 = tpu.memref_squeeze %dma_start3A_37 : memref<1x80x64xf32, #tpu.memory_space<hbm>> -> memref<80x64xf32, #tpu.memory_space<hbm>>
    tpu.enqueue_dma source(%dma_start3A_38 : memref<80x64xf32, #tpu.memory_space<hbm>>) target(%dma_start3A_35 : memref<80x64xf32, #tpu.memory_space<vmem>>) target_semaphore(%arg15 : memref<!tpu.dma_semaphore, #tpu.memory_space<semaphore_mem>>)
    %scan3A_39 = arith.constant 0 : i32
    %scan3A_40 = arith.constant 0 : i32
    %scan3A_41 = arith.constant 1 : i32
    %scan3A_42 = arith.constant 1 : i32
    %scan3A_43 = arith.constant 0 : i32
    %scan3A_44 = arith.constant 125 : i32
    %scan3A_45 = arith.addi %scan3A_43, %scan3A_44 : i32
    %scan3A_46 = arith.constant 1 : i32
    scf.for %scan3A_65 = %scan3A_43 to %scan3A_45 step %scan3A_46  : i32 {
      %mul3A_66 = arith.constant 1 : i32
      %mul3A_67 = arith.muli %scan3A_65, %mul3A_66 : i32
      %add3A_68 = arith.constant 0 : i32
      %add3A_69 = arith.addi %add3A_68, %mul3A_67 : i32
      %mul3A_70 = arith.constant 2 : i32
      %mul3A_71 = arith.muli %mul3A_70, %add3A_69 : i32
      %add3A_72 = arith.constant 0 : i32
      %add3A_73 = arith.addi %mul3A_71, %add3A_72 : i32
      %dma_wait3A_74 = arith.constant 0 : i32
      %dma_wait3A_75 = arith.constant 0 : i32
      %dma_wait3A_76 = tpu.memref_slice %arg9[%scan3A_39, %dma_wait3A_74, %dma_wait3A_75] : memref<2x80x64xf32, #tpu.memory_space<vmem>> -> memref<1x80x64xf32, #tpu.memory_space<vmem>>
      %dma_wait3A_77 = tpu.memref_squeeze %dma_wait3A_76 : memref<1x80x64xf32, #tpu.memory_space<vmem>> -> memref<80x64xf32, #tpu.memory_space<vmem>>
      %dma_wait3A_78 = arith.constant 0 : i32
      %dma_wait3A_79 = tpu.memref_slice %arg7[%add3A_73, %dma_wait3A_78] : memref<250x80xi32, #tpu.memory_space<vmem>> -> memref<1x80xi32, #tpu.memory_space<vmem>>
      %dma_wait3A_80 = tpu.memref_squeeze %dma_wait3A_79 : memref<1x80xi32, #tpu.memory_space<vmem>> -> memref<80xi32, #tpu.memory_space<vmem>>
      %dma_wait3A_81 = arith.constant 0 : i32
      %dma_wait3A_82 = arith.constant 0 : i32
      %dma_wait3A_83 = tpu.memref_slice %arg2[%dma_wait3A_81, %dma_wait3A_82] : memref<20000x64xf32, #tpu.memory_space<hbm>> -> memref<20000x64xf32, #tpu.memory_space<hbm>>
      tpu.wait_indirect_dma semaphore(%arg13 : memref<!tpu.dma_semaphore, #tpu.memory_space<semaphore_mem>>) src(%dma_wait3A_83 : memref<20000x64xf32, #tpu.memory_space<hbm>>) dst(%dma_wait3A_77 : memref<80x64xf32, #tpu.memory_space<vmem>>)
      %mul3A_84 = arith.constant 250 : i32
      %mul3A_85 = arith.muli %arg1, %mul3A_84 : i32
      %add3A_86 = arith.addi %mul3A_85, %add3A_73 : i32
      %mul3A_87 = arith.constant 80 : i32
      %mul3A_88 = arith.muli %add3A_86, %mul3A_87 : i32
      %dma_wait3A_89 = arith.constant 0 : i32
      %dma_wait3A_90 = arith.constant 0 : i32
      %dma_wait3A_91 = tpu.memref_slice %arg10[%scan3A_40, %dma_wait3A_89, %dma_wait3A_90] : memref<2x80x64xf32, #tpu.memory_space<vmem>> -> memref<1x80x64xf32, #tpu.memory_space<vmem>>
      %dma_wait3A_92 = tpu.memref_squeeze %dma_wait3A_91 : memref<1x80x64xf32, #tpu.memory_space<vmem>> -> memref<80x64xf32, #tpu.memory_space<vmem>>
      %dma_wait3A_93 = arith.constant 0 : i32
      %dma_wait3A_94 = tpu.memref_slice %arg3[%arg0, %mul3A_88, %dma_wait3A_93] : memref<2x320000x64xf32, #tpu.memory_space<hbm>> -> memref<1x80x64xf32, #tpu.memory_space<hbm>>
      %dma_wait3A_95 = tpu.memref_squeeze %dma_wait3A_94 : memref<1x80x64xf32, #tpu.memory_space<hbm>> -> memref<80x64xf32, #tpu.memory_space<hbm>>
      %dma_wait3A_96 = arith.constant 0 : i32
      %dma_wait3A_97 = arith.constant 0 : i32
      %dma_wait3A_98 = tpu.memref_slice %arg10[%scan3A_40, %dma_wait3A_96, %dma_wait3A_97] : memref<2x80x64xf32, #tpu.memory_space<vmem>> -> memref<1x80x64xf32, #tpu.memory_space<vmem>>
      %dma_wait3A_99 = tpu.memref_squeeze %dma_wait3A_98 : memref<1x80x64xf32, #tpu.memory_space<vmem>> -> memref<80x64xf32, #tpu.memory_space<vmem>>
      %dma_wait3A_100 = arith.constant 0 : i32
      %dma_wait3A_101 = tpu.memref_slice %arg3[%arg0, %mul3A_88, %dma_wait3A_100] : memref<2x320000x64xf32, #tpu.memory_space<hbm>> -> memref<1x80x64xf32, #tpu.memory_space<hbm>>
      %dma_wait3A_102 = tpu.memref_squeeze %dma_wait3A_101 : memref<1x80x64xf32, #tpu.memory_space<hbm>> -> memref<80x64xf32, #tpu.memory_space<hbm>>
      tpu.wait_dma2 semaphore(%arg15 : memref<!tpu.dma_semaphore, #tpu.memory_space<semaphore_mem>>) src(%dma_wait3A_102 : memref<80x64xf32, #tpu.memory_space<hbm>>) dst(%dma_wait3A_99 : memref<80x64xf32, #tpu.memory_space<vmem>>)
      %scan3A_103 = arith.constant 0 : i32
      %scan3A_104 = arith.constant 80 : i32
      %scan3A_105 = arith.addi %scan3A_103, %scan3A_104 : i32
      %scan3A_106 = arith.constant 1 : i32
      scf.for %scan3A_189 = %scan3A_103 to %scan3A_105 step %scan3A_106  : i32 {
        %mul3A_190 = arith.constant 1 : i32
        %mul3A_191 = arith.muli %scan3A_189, %mul3A_190 : i32
        %add3A_192 = arith.constant 0 : i32
        %add3A_193 = arith.addi %add3A_192, %mul3A_191 : i32
        %get3A = arith.constant 0 : i32
        %get3A_194 = arith.constant 0 : i32
        %get3A_195 = tpu.memref_slice %arg9[%scan3A_39, %get3A, %get3A_194] : memref<2x80x64xf32, #tpu.memory_space<vmem>> -> memref<1x80x64xf32, #tpu.memory_space<vmem>>
        %get3A_196 = tpu.memref_squeeze %get3A_195 : memref<1x80x64xf32, #tpu.memory_space<vmem>> -> memref<80x64xf32, #tpu.memory_space<vmem>>
        %get3A_197 = arith.index_cast %add3A_193 : i32 to index
        %get3A_198 = arith.constant 0 : index
        %get3A_199 = tpu.vector_load %get3A_196[%get3A_197, %get3A_198] {strides = array<i32>} : memref<80x64xf32, #tpu.memory_space<vmem>>, vector<1x16xf32>,
        %get3A_200 = vector.shape_cast %get3A_199 : vector<1x16xf32> to vector<16xf32>
        %get3A_201 = arith.constant 0 : i32
        %get3A_202 = arith.constant 0 : i32
        %get3A_203 = tpu.memref_slice %arg10[%scan3A_40, %get3A_201, %get3A_202] : memref<2x80x64xf32, #tpu.memory_space<vmem>> -> memref<1x80x64xf32, #tpu.memory_space<vmem>>
        %get3A_204 = tpu.memref_squeeze %get3A_203 : memref<1x80x64xf32, #tpu.memory_space<vmem>> -> memref<80x64xf32, #tpu.memory_space<vmem>>
        %get3A_205 = arith.index_cast %add3A_193 : i32 to index
        %get3A_206 = arith.constant 0 : index
        %get3A_207 = tpu.vector_load %get3A_204[%get3A_205, %get3A_206] {strides = array<i32>} : memref<80x64xf32, #tpu.memory_space<vmem>>, vector<1x16xf32>,
        %get3A_208 = vector.shape_cast %get3A_207 : vector<1x16xf32> to vector<16xf32>
        %add3A_209 = arith.addf %get3A_200, %get3A_208 : vector<16xf32>
        %max3A = arith.constant 0.000000e+00 : f32
        %max3A_210 = vector.broadcast %max3A : f32 to vector<16xf32>
        %max3A_211 = arith.maximumf %add3A_209, %max3A_210 : vector<16xf32>
        %swap3A = arith.constant 0 : i32
        %swap3A_212 = arith.constant 0 : i32
        %swap3A_213 = tpu.memref_slice %arg9[%scan3A_39, %swap3A, %swap3A_212] : memref<2x80x64xf32, #tpu.memory_space<vmem>> -> memref<1x80x64xf32, #tpu.memory_space<vmem>>
        %swap3A_214 = tpu.memref_squeeze %swap3A_213 : memref<1x80x64xf32, #tpu.memory_space<vmem>> -> memref<80x64xf32, #tpu.memory_space<vmem>>
        %swap3A_215 = arith.index_cast %add3A_193 : i32 to index
        %swap3A_216 = arith.constant 0 : index
        %swap3A_217 = tpu.vector_load %swap3A_214[%swap3A_215, %swap3A_216] {strides = array<i32>} : memref<80x64xf32, #tpu.memory_space<vmem>>, vector<1x16xf32>,
        %swap3A_218 = vector.shape_cast %swap3A_217 : vector<1x16xf32> to vector<16xf32>
        %swap3A_219 = vector.shape_cast %max3A_211 : vector<16xf32> to vector<1x16xf32>
        tpu.vector_store %swap3A_214[%swap3A_215, %swap3A_216], %swap3A_219 {strides = array<i32>} : memref<80x64xf32, #tpu.memory_space<vmem>>, vector<1x16xf32>,
        %get3A_220 = arith.constant 0 : i32
        %get3A_221 = arith.constant 0 : i32
        %get3A_222 = tpu.memref_slice %arg9[%scan3A_39, %get3A_220, %get3A_221] : memref<2x80x64xf32, #tpu.memory_space<vmem>> -> memref<1x80x64xf32, #tpu.memory_space<vmem>>
        %get3A_223 = tpu.memref_squeeze %get3A_222 : memref<1x80x64xf32, #tpu.memory_space<vmem>> -> memref<80x64xf32, #tpu.memory_space<vmem>>
        %get3A_224 = arith.index_cast %add3A_193 : i32 to index
        %get3A_225 = arith.constant 16 : index
        %get3A_226 = tpu.vector_load %get3A_223[%get3A_224, %get3A_225] {strides = array<i32>} : memref<80x64xf32, #tpu.memory_space<vmem>>, vector<1x16xf32>,
        %get3A_227 = vector.shape_cast %get3A_226 : vector<1x16xf32> to vector<16xf32>
        %get3A_228 = arith.constant 0 : i32
        %get3A_229 = arith.constant 0 : i32
        %get3A_230 = tpu.memref_slice %arg10[%scan3A_40, %get3A_228, %get3A_229] : memref<2x80x64xf32, #tpu.memory_space<vmem>> -> memref<1x80x64xf32, #tpu.memory_space<vmem>>
        %get3A_231 = tpu.memref_squeeze %get3A_230 : memref<1x80x64xf32, #tpu.memory_space<vmem>> -> memref<80x64xf32, #tpu.memory_space<vmem>>
        %get3A_232 = arith.index_cast %add3A_193 : i32 to index
        %get3A_233 = arith.constant 16 : index
        %get3A_234 = tpu.vector_load %get3A_231[%get3A_232, %get3A_233] {strides = array<i32>} : memref<80x64xf32, #tpu.memory_space<vmem>>, vector<1x16xf32>,
        %get3A_235 = vector.shape_cast %get3A_234 : vector<1x16xf32> to vector<16xf32>
        %add3A_236 = arith.addf %get3A_227, %get3A_235 : vector<16xf32>
        %max3A_237 = arith.constant 0.000000e+00 : f32
        %max3A_238 = vector.broadcast %max3A_237 : f32 to vector<16xf32>
        %max3A_239 = arith.maximumf %add3A_236, %max3A_238 : vector<16xf32>
        %swap3A_240 = arith.constant 0 : i32
        %swap3A_241 = arith.constant 0 : i32
        %swap3A_242 = tpu.memref_slice %arg9[%scan3A_39, %swap3A_240, %swap3A_241] : memref<2x80x64xf32, #tpu.memory_space<vmem>> -> memref<1x80x64xf32, #tpu.memory_space<vmem>>
        %swap3A_243 = tpu.memref_squeeze %swap3A_242 : memref<1x80x64xf32, #tpu.memory_space<vmem>> -> memref<80x64xf32, #tpu.memory_space<vmem>>
        %swap3A_244 = arith.index_cast %add3A_193 : i32 to index
        %swap3A_245 = arith.constant 16 : index
        %swap3A_246 = tpu.vector_load %swap3A_243[%swap3A_244, %swap3A_245] {strides = array<i32>} : memref<80x64xf32, #tpu.memory_space<vmem>>, vector<1x16xf32>,
        %swap3A_247 = vector.shape_cast %swap3A_246 : vector<1x16xf32> to vector<16xf32>
        %swap3A_248 = vector.shape_cast %max3A_239 : vector<16xf32> to vector<1x16xf32>
        tpu.vector_store %swap3A_243[%swap3A_244, %swap3A_245], %swap3A_248 {strides = array<i32>} : memref<80x64xf32, #tpu.memory_space<vmem>>, vector<1x16xf32>,
        %get3A_249 = arith.constant 0 : i32
        %get3A_250 = arith.constant 0 : i32
        %get3A_251 = tpu.memref_slice %arg9[%scan3A_39, %get3A_249, %get3A_250] : memref<2x80x64xf32, #tpu.memory_space<vmem>> -> memref<1x80x64xf32, #tpu.memory_space<vmem>>
        %get3A_252 = tpu.memref_squeeze %get3A_251 : memref<1x80x64xf32, #tpu.memory_space<vmem>> -> memref<80x64xf32, #tpu.memory_space<vmem>>
        %get3A_253 = arith.index_cast %add3A_193 : i32 to index
        %get3A_254 = arith.constant 32 : index
        %get3A_255 = tpu.vector_load %get3A_252[%get3A_253, %get3A_254] {strides = array<i32>} : memref<80x64xf32, #tpu.memory_space<vmem>>, vector<1x16xf32>,
        %get3A_256 = vector.shape_cast %get3A_255 : vector<1x16xf32> to vector<16xf32>
        %get3A_257 = arith.constant 0 : i32
        %get3A_258 = arith.constant 0 : i32
        %get3A_259 = tpu.memref_slice %arg10[%scan3A_40, %get3A_257, %get3A_258] : memref<2x80x64xf32, #tpu.memory_space<vmem>> -> memref<1x80x64xf32, #tpu.memory_space<vmem>>
        %get3A_260 = tpu.memref_squeeze %get3A_259 : memref<1x80x64xf32, #tpu.memory_space<vmem>> -> memref<80x64xf32, #tpu.memory_space<vmem>>
        %get3A_261 = arith.index_cast %add3A_193 : i32 to index
        %get3A_262 = arith.constant 32 : index
        %get3A_263 = tpu.vector_load %get3A_260[%get3A_261, %get3A_262] {strides = array<i32>} : memref<80x64xf32, #tpu.memory_space<vmem>>, vector<1x16xf32>,
        %get3A_264 = vector.shape_cast %get3A_263 : vector<1x16xf32> to vector<16xf32>
        %add3A_265 = arith.addf %get3A_256, %get3A_264 : vector<16xf32>
        %max3A_266 = arith.constant 0.000000e+00 : f32
        %max3A_267 = vector.broadcast %max3A_266 : f32 to vector<16xf32>
        %max3A_268 = arith.maximumf %add3A_265, %max3A_267 : vector<16xf32>
        %swap3A_269 = arith.constant 0 : i32
        %swap3A_270 = arith.constant 0 : i32
        %swap3A_271 = tpu.memref_slice %arg9[%scan3A_39, %swap3A_269, %swap3A_270] : memref<2x80x64xf32, #tpu.memory_space<vmem>> -> memref<1x80x64xf32, #tpu.memory_space<vmem>>
        %swap3A_272 = tpu.memref_squeeze %swap3A_271 : memref<1x80x64xf32, #tpu.memory_space<vmem>> -> memref<80x64xf32, #tpu.memory_space<vmem>>
        %swap3A_273 = arith.index_cast %add3A_193 : i32 to index
        %swap3A_274 = arith.constant 32 : index
        %swap3A_275 = tpu.vector_load %swap3A_272[%swap3A_273, %swap3A_274] {strides = array<i32>} : memref<80x64xf32, #tpu.memory_space<vmem>>, vector<1x16xf32>,
        %swap3A_276 = vector.shape_cast %swap3A_275 : vector<1x16xf32> to vector<16xf32>
        %swap3A_277 = vector.shape_cast %max3A_268 : vector<16xf32> to vector<1x16xf32>
        tpu.vector_store %swap3A_272[%swap3A_273, %swap3A_274], %swap3A_277 {strides = array<i32>} : memref<80x64xf32, #tpu.memory_space<vmem>>, vector<1x16xf32>,
        %get3A_278 = arith.constant 0 : i32
        %get3A_279 = arith.constant 0 : i32
        %get3A_280 = tpu.memref_slice %arg9[%scan3A_39, %get3A_278, %get3A_279] : memref<2x80x64xf32, #tpu.memory_space<vmem>> -> memref<1x80x64xf32, #tpu.memory_space<vmem>>
        %get3A_281 = tpu.memref_squeeze %get3A_280 : memref<1x80x64xf32, #tpu.memory_space<vmem>> -> memref<80x64xf32, #tpu.memory_space<vmem>>
        %get3A_282 = arith.index_cast %add3A_193 : i32 to index
        %get3A_283 = arith.constant 48 : index
        %get3A_284 = tpu.vector_load %get3A_281[%get3A_282, %get3A_283] {strides = array<i32>} : memref<80x64xf32, #tpu.memory_space<vmem>>, vector<1x16xf32>,
        %get3A_285 = vector.shape_cast %get3A_284 : vector<1x16xf32> to vector<16xf32>
        %get3A_286 = arith.constant 0 : i32
        %get3A_287 = arith.constant 0 : i32
        %get3A_288 = tpu.memref_slice %arg10[%scan3A_40, %get3A_286, %get3A_287] : memref<2x80x64xf32, #tpu.memory_space<vmem>> -> memref<1x80x64xf32, #tpu.memory_space<vmem>>
        %get3A_289 = tpu.memref_squeeze %get3A_288 : memref<1x80x64xf32, #tpu.memory_space<vmem>> -> memref<80x64xf32, #tpu.memory_space<vmem>>
        %get3A_290 = arith.index_cast %add3A_193 : i32 to index
        %get3A_291 = arith.constant 48 : index
        %get3A_292 = tpu.vector_load %get3A_289[%get3A_290, %get3A_291] {strides = array<i32>} : memref<80x64xf32, #tpu.memory_space<vmem>>, vector<1x16xf32>,
        %get3A_293 = vector.shape_cast %get3A_292 : vector<1x16xf32> to vector<16xf32>
        %add3A_294 = arith.addf %get3A_285, %get3A_293 : vector<16xf32>
        %max3A_295 = arith.constant 0.000000e+00 : f32
        %max3A_296 = vector.broadcast %max3A_295 : f32 to vector<16xf32>
        %max3A_297 = arith.maximumf %add3A_294, %max3A_296 : vector<16xf32>
        %swap3A_298 = arith.constant 0 : i32
        %swap3A_299 = arith.constant 0 : i32
        %swap3A_300 = tpu.memref_slice %arg9[%scan3A_39, %swap3A_298, %swap3A_299] : memref<2x80x64xf32, #tpu.memory_space<vmem>> -> memref<1x80x64xf32, #tpu.memory_space<vmem>>
        %swap3A_301 = tpu.memref_squeeze %swap3A_300 : memref<1x80x64xf32, #tpu.memory_space<vmem>> -> memref<80x64xf32, #tpu.memory_space<vmem>>
        %swap3A_302 = arith.index_cast %add3A_193 : i32 to index
        %swap3A_303 = arith.constant 48 : index
        %swap3A_304 = tpu.vector_load %swap3A_301[%swap3A_302, %swap3A_303] {strides = array<i32>} : memref<80x64xf32, #tpu.memory_space<vmem>>, vector<1x16xf32>,
        %swap3A_305 = vector.shape_cast %swap3A_304 : vector<1x16xf32> to vector<16xf32>
        %swap3A_306 = vector.shape_cast %max3A_297 : vector<16xf32> to vector<1x16xf32>
        tpu.vector_store %swap3A_301[%swap3A_302, %swap3A_303], %swap3A_306 {strides = array<i32>} : memref<80x64xf32, #tpu.memory_space<vmem>>, vector<1x16xf32>,
      }
      %scan3A_107 = arith.constant 80 : i32
      %ge3A = arith.constant 1 : i32
      %ge3A_108 = arith.cmpi sge, %add3A_73, %ge3A : i32
      %convert_element_type3A = arith.extui %ge3A_108 : i1 to i32
      %cond3A = arith.constant 0 : i32
      %cond3A_109 = arith.cmpi ne, %convert_element_type3A, %cond3A : i32
      scf.if %cond3A_109 {
        %sub3A_189 = arith.constant 1 : i32
        %sub3A_190 = arith.subi %add3A_73, %sub3A_189 : i32
        %dma_wait3A_191 = arith.constant 0 : i32
        %dma_wait3A_192 = arith.constant 0 : i32
        %dma_wait3A_193 = tpu.memref_slice %arg9[%scan3A_41, %dma_wait3A_191, %dma_wait3A_192] : memref<2x80x64xf32, #tpu.memory_space<vmem>> -> memref<1x80x64xf32, #tpu.memory_space<vmem>>
        %dma_wait3A_194 = tpu.memref_squeeze %dma_wait3A_193 : memref<1x80x64xf32, #tpu.memory_space<vmem>> -> memref<80x64xf32, #tpu.memory_space<vmem>>
        %dma_wait3A_195 = arith.constant 0 : i32
        %dma_wait3A_196 = tpu.memref_slice %arg8[%sub3A_190, %dma_wait3A_195] : memref<250x80xi32, #tpu.memory_space<vmem>> -> memref<1x80xi32, #tpu.memory_space<vmem>>
        %dma_wait3A_197 = tpu.memref_squeeze %dma_wait3A_196 : memref<1x80xi32, #tpu.memory_space<vmem>> -> memref<80xi32, #tpu.memory_space<vmem>>
        %dma_wait3A_198 = arith.constant 0 : i32
        %dma_wait3A_199 = arith.constant 0 : i32
        %dma_wait3A_200 = tpu.memref_slice %arg12[%dma_wait3A_198, %dma_wait3A_199] : memref<10240x64xf32, #tpu.memory_space<vmem_shared>> -> memref<10240x64xf32, #tpu.memory_space<vmem_shared>>
        tpu.wait_indirect_dma semaphore(%arg18 : memref<!tpu.dma_semaphore, #tpu.memory_space<semaphore_mem>>) src(%dma_wait3A_194 : memref<80x64xf32, #tpu.memory_space<vmem>>) dst(%dma_wait3A_200 : memref<10240x64xf32, #tpu.memory_space<vmem_shared>>)
      } else {
      }
      %dma_start3A_110 = arith.constant 0 : i32
      %dma_start3A_111 = arith.constant 0 : i32
      %dma_start3A_112 = tpu.memref_slice %arg9[%scan3A_39, %dma_start3A_110, %dma_start3A_111] : memref<2x80x64xf32, #tpu.memory_space<vmem>> -> memref<1x80x64xf32, #tpu.memory_space<vmem>>
      %dma_start3A_113 = tpu.memref_squeeze %dma_start3A_112 : memref<1x80x64xf32, #tpu.memory_space<vmem>> -> memref<80x64xf32, #tpu.memory_space<vmem>>
      %dma_start3A_114 = arith.constant 0 : i32
      %dma_start3A_115 = tpu.memref_slice %arg8[%add3A_73, %dma_start3A_114] : memref<250x80xi32, #tpu.memory_space<vmem>> -> memref<1x80xi32, #tpu.memory_space<vmem>>
      %dma_start3A_116 = tpu.memref_squeeze %dma_start3A_115 : memref<1x80xi32, #tpu.memory_space<vmem>> -> memref<80xi32, #tpu.memory_space<vmem>>
      %dma_start3A_117 = arith.constant 0 : i32
      %dma_start3A_118 = arith.constant 0 : i32
      %dma_start3A_119 = tpu.memref_slice %arg12[%dma_start3A_117, %dma_start3A_118] : memref<10240x64xf32, #tpu.memory_space<vmem_shared>> -> memref<10240x64xf32, #tpu.memory_space<vmem_shared>>
      tpu.enqueue_indirect_dma source(%dma_start3A_113 : memref<80x64xf32, #tpu.memory_space<vmem>>) target(%dma_start3A_119 : memref<10240x64xf32, #tpu.memory_space<vmem_shared>>) offsets(%dma_start3A_116 : memref<80xi32, #tpu.memory_space<vmem>>) semaphore(%arg17 : memref<!tpu.dma_semaphore, #tpu.memory_space<semaphore_mem>>) {add = true}
      %add3A_120 = arith.constant 2 : i32
      %add3A_121 = arith.addi %add3A_73, %add3A_120 : i32
      %sub3A = arith.constant 1 : i32
      %sub3A_122 = arith.subi %add3A_121, %sub3A : i32
      %lt3A = arith.constant 250 : i32
      %lt3A_123 = arith.cmpi slt, %sub3A_122, %lt3A : i32
      %convert_element_type3A_124 = arith.extui %lt3A_123 : i1 to i32
      %cond3A_125 = arith.constant 0 : i32
      %cond3A_126 = arith.cmpi ne, %convert_element_type3A_124, %cond3A_125 : i32
      scf.if %cond3A_126 {
        %add3A_189 = arith.constant 2 : i32
        %add3A_190 = arith.addi %add3A_73, %add3A_189 : i32
        %sub3A_191 = arith.constant 1 : i32
        %sub3A_192 = arith.subi %add3A_190, %sub3A_191 : i32
        %dma_start3A_193 = arith.constant 0 : i32
        %dma_start3A_194 = arith.constant 0 : i32
        %dma_start3A_195 = tpu.memref_slice %arg9[%scan3A_41, %dma_start3A_193, %dma_start3A_194] : memref<2x80x64xf32, #tpu.memory_space<vmem>> -> memref<1x80x64xf32, #tpu.memory_space<vmem>>
        %dma_start3A_196 = tpu.memref_squeeze %dma_start3A_195 : memref<1x80x64xf32, #tpu.memory_space<vmem>> -> memref<80x64xf32, #tpu.memory_space<vmem>>
        %dma_start3A_197 = arith.constant 0 : i32
        %dma_start3A_198 = tpu.memref_slice %arg7[%sub3A_192, %dma_start3A_197] : memref<250x80xi32, #tpu.memory_space<vmem>> -> memref<1x80xi32, #tpu.memory_space<vmem>>
        %dma_start3A_199 = tpu.memref_squeeze %dma_start3A_198 : memref<1x80xi32, #tpu.memory_space<vmem>> -> memref<80xi32, #tpu.memory_space<vmem>>
        %dma_start3A_200 = arith.constant 0 : i32
        %dma_start3A_201 = arith.constant 0 : i32
        %dma_start3A_202 = tpu.memref_slice %arg2[%dma_start3A_200, %dma_start3A_201] : memref<20000x64xf32, #tpu.memory_space<hbm>> -> memref<20000x64xf32, #tpu.memory_space<hbm>>
        tpu.enqueue_indirect_dma source(%dma_start3A_202 : memref<20000x64xf32, #tpu.memory_space<hbm>>) target(%dma_start3A_196 : memref<80x64xf32, #tpu.memory_space<vmem>>) offsets(%dma_start3A_199 : memref<80xi32, #tpu.memory_space<vmem>>) semaphore(%arg14 : memref<!tpu.dma_semaphore, #tpu.memory_space<semaphore_mem>>)
        %add3A_203 = arith.constant 2 : i32
        %add3A_204 = arith.addi %add3A_73, %add3A_203 : i32
        %sub3A_205 = arith.constant 1 : i32
        %sub3A_206 = arith.subi %add3A_204, %sub3A_205 : i32
        %mul3A_207 = arith.constant 250 : i32
        %mul3A_208 = arith.muli %arg1, %mul3A_207 : i32
        %add3A_209 = arith.addi %mul3A_208, %sub3A_206 : i32
        %mul3A_210 = arith.constant 80 : i32
        %mul3A_211 = arith.muli %add3A_209, %mul3A_210 : i32
        %dma_start3A_212 = arith.constant 0 : i32
        %dma_start3A_213 = arith.constant 0 : i32
        %dma_start3A_214 = tpu.memref_slice %arg10[%scan3A_42, %dma_start3A_212, %dma_start3A_213] : memref<2x80x64xf32, #tpu.memory_space<vmem>> -> memref<1x80x64xf32, #tpu.memory_space<vmem>>
        %dma_start3A_215 = tpu.memref_squeeze %dma_start3A_214 : memref<1x80x64xf32, #tpu.memory_space<vmem>> -> memref<80x64xf32, #tpu.memory_space<vmem>>
        %dma_start3A_216 = arith.constant 0 : i32
        %dma_start3A_217 = tpu.memref_slice %arg3[%arg0, %mul3A_211, %dma_start3A_216] : memref<2x320000x64xf32, #tpu.memory_space<hbm>> -> memref<1x80x64xf32, #tpu.memory_space<hbm>>
        %dma_start3A_218 = tpu.memref_squeeze %dma_start3A_217 : memref<1x80x64xf32, #tpu.memory_space<hbm>> -> memref<80x64xf32, #tpu.memory_space<hbm>>
        %dma_start3A_219 = arith.constant 0 : i32
        %dma_start3A_220 = arith.constant 0 : i32
        %dma_start3A_221 = tpu.memref_slice %arg10[%scan3A_42, %dma_start3A_219, %dma_start3A_220] : memref<2x80x64xf32, #tpu.memory_space<vmem>> -> memref<1x80x64xf32, #tpu.memory_space<vmem>>
        %dma_start3A_222 = tpu.memref_squeeze %dma_start3A_221 : memref<1x80x64xf32, #tpu.memory_space<vmem>> -> memref<80x64xf32, #tpu.memory_space<vmem>>
        %dma_start3A_223 = arith.constant 0 : i32
        %dma_start3A_224 = tpu.memref_slice %arg3[%arg0, %mul3A_211, %dma_start3A_223] : memref<2x320000x64xf32, #tpu.memory_space<hbm>> -> memref<1x80x64xf32, #tpu.memory_space<hbm>>
        %dma_start3A_225 = tpu.memref_squeeze %dma_start3A_224 : memref<1x80x64xf32, #tpu.memory_space<hbm>> -> memref<80x64xf32, #tpu.memory_space<hbm>>
        tpu.enqueue_dma source(%dma_start3A_225 : memref<80x64xf32, #tpu.memory_space<hbm>>) target(%dma_start3A_222 : memref<80x64xf32, #tpu.memory_space<vmem>>) target_semaphore(%arg16 : memref<!tpu.dma_semaphore, #tpu.memory_space<semaphore_mem>>)
      } else {
      }
      %mul3A_127 = arith.constant 2 : i32
      %mul3A_128 = arith.muli %mul3A_127, %add3A_69 : i32
      %add3A_129 = arith.constant 1 : i32
      %add3A_130 = arith.addi %mul3A_128, %add3A_129 : i32
      %dma_wait3A_131 = arith.constant 0 : i32
      %dma_wait3A_132 = arith.constant 0 : i32
      %dma_wait3A_133 = tpu.memref_slice %arg9[%scan3A_41, %dma_wait3A_131, %dma_wait3A_132] : memref<2x80x64xf32, #tpu.memory_space<vmem>> -> memref<1x80x64xf32, #tpu.memory_space<vmem>>
      %dma_wait3A_134 = tpu.memref_squeeze %dma_wait3A_133 : memref<1x80x64xf32, #tpu.memory_space<vmem>> -> memref<80x64xf32, #tpu.memory_space<vmem>>
      %dma_wait3A_135 = arith.constant 0 : i32
      %dma_wait3A_136 = tpu.memref_slice %arg7[%add3A_130, %dma_wait3A_135] : memref<250x80xi32, #tpu.memory_space<vmem>> -> memref<1x80xi32, #tpu.memory_space<vmem>>
      %dma_wait3A_137 = tpu.memref_squeeze %dma_wait3A_136 : memref<1x80xi32, #tpu.memory_space<vmem>> -> memref<80xi32, #tpu.memory_space<vmem>>
      %dma_wait3A_138 = arith.constant 0 : i32
      %dma_wait3A_139 = arith.constant 0 : i32
      %dma_wait3A_140 = tpu.memref_slice %arg2[%dma_wait3A_138, %dma_wait3A_139] : memref<20000x64xf32, #tpu.memory_space<hbm>> -> memref<20000x64xf32, #tpu.memory_space<hbm>>
      tpu.wait_indirect_dma semaphore(%arg14 : memref<!tpu.dma_semaphore, #tpu.memory_space<semaphore_mem>>) src(%dma_wait3A_140 : memref<20000x64xf32, #tpu.memory_space<hbm>>) dst(%dma_wait3A_134 : memref<80x64xf32, #tpu.memory_space<vmem>>)
      %mul3A_141 = arith.constant 250 : i32
      %mul3A_142 = arith.muli %arg1, %mul3A_141 : i32
      %add3A_143 = arith.addi %mul3A_142, %add3A_130 : i32
      %mul3A_144 = arith.constant 80 : i32
      %mul3A_145 = arith.muli %add3A_143, %mul3A_144 : i32
      %dma_wait3A_146 = arith.constant 0 : i32
      %dma_wait3A_147 = arith.constant 0 : i32
      %dma_wait3A_148 = tpu.memref_slice %arg10[%scan3A_42, %dma_wait3A_146, %dma_wait3A_147] : memref<2x80x64xf32, #tpu.memory_space<vmem>> -> memref<1x80x64xf32, #tpu.memory_space<vmem>>
      %dma_wait3A_149 = tpu.memref_squeeze %dma_wait3A_148 : memref<1x80x64xf32, #tpu.memory_space<vmem>> -> memref<80x64xf32, #tpu.memory_space<vmem>>
      %dma_wait3A_150 = arith.constant 0 : i32
      %dma_wait3A_151 = tpu.memref_slice %arg3[%arg0, %mul3A_145, %dma_wait3A_150] : memref<2x320000x64xf32, #tpu.memory_space<hbm>> -> memref<1x80x64xf32, #tpu.memory_space<hbm>>
      %dma_wait3A_152 = tpu.memref_squeeze %dma_wait3A_151 : memref<1x80x64xf32, #tpu.memory_space<hbm>> -> memref<80x64xf32, #tpu.memory_space<hbm>>
      %dma_wait3A_153 = arith.constant 0 : i32
      %dma_wait3A_154 = arith.constant 0 : i32
      %dma_wait3A_155 = tpu.memref_slice %arg10[%scan3A_42, %dma_wait3A_153, %dma_wait3A_154] : memref<2x80x64xf32, #tpu.memory_space<vmem>> -> memref<1x80x64xf32, #tpu.memory_space<vmem>>
      %dma_wait3A_156 = tpu.memref_squeeze %dma_wait3A_155 : memref<1x80x64xf32, #tpu.memory_space<vmem>> -> memref<80x64xf32, #tpu.memory_space<vmem>>
      %dma_wait3A_157 = arith.constant 0 : i32
      %dma_wait3A_158 = tpu.memref_slice %arg3[%arg0, %mul3A_145, %dma_wait3A_157] : memref<2x320000x64xf32, #tpu.memory_space<hbm>> -> memref<1x80x64xf32, #tpu.memory_space<hbm>>
      %dma_wait3A_159 = tpu.memref_squeeze %dma_wait3A_158 : memref<1x80x64xf32, #tpu.memory_space<hbm>> -> memref<80x64xf32, #tpu.memory_space<hbm>>
      tpu.wait_dma2 semaphore(%arg16 : memref<!tpu.dma_semaphore, #tpu.memory_space<semaphore_mem>>) src(%dma_wait3A_159 : memref<80x64xf32, #tpu.memory_space<hbm>>) dst(%dma_wait3A_156 : memref<80x64xf32, #tpu.memory_space<vmem>>)
      %scan3A_160 = arith.constant 0 : i32
      %scan3A_161 = arith.constant 80 : i32
      %scan3A_162 = arith.addi %scan3A_160, %scan3A_161 : i32
      %scan3A_163 = arith.constant 1 : i32
      scf.for %scan3A_189 = %scan3A_160 to %scan3A_162 step %scan3A_163  : i32 {
        %mul3A_190 = arith.constant 1 : i32
        %mul3A_191 = arith.muli %scan3A_189, %mul3A_190 : i32
        %add3A_192 = arith.constant 0 : i32
        %add3A_193 = arith.addi %add3A_192, %mul3A_191 : i32
        %get3A = arith.constant 0 : i32
        %get3A_194 = arith.constant 0 : i32
        %get3A_195 = tpu.memref_slice %arg9[%scan3A_41, %get3A, %get3A_194] : memref<2x80x64xf32, #tpu.memory_space<vmem>> -> memref<1x80x64xf32, #tpu.memory_space<vmem>>
        %get3A_196 = tpu.memref_squeeze %get3A_195 : memref<1x80x64xf32, #tpu.memory_space<vmem>> -> memref<80x64xf32, #tpu.memory_space<vmem>>
        %get3A_197 = arith.index_cast %add3A_193 : i32 to index
        %get3A_198 = arith.constant 0 : index
        %get3A_199 = tpu.vector_load %get3A_196[%get3A_197, %get3A_198] {strides = array<i32>} : memref<80x64xf32, #tpu.memory_space<vmem>>, vector<1x16xf32>,
        %get3A_200 = vector.shape_cast %get3A_199 : vector<1x16xf32> to vector<16xf32>
        %get3A_201 = arith.constant 0 : i32
        %get3A_202 = arith.constant 0 : i32
        %get3A_203 = tpu.memref_slice %arg10[%scan3A_42, %get3A_201, %get3A_202] : memref<2x80x64xf32, #tpu.memory_space<vmem>> -> memref<1x80x64xf32, #tpu.memory_space<vmem>>
        %get3A_204 = tpu.memref_squeeze %get3A_203 : memref<1x80x64xf32, #tpu.memory_space<vmem>> -> memref<80x64xf32, #tpu.memory_space<vmem>>
        %get3A_205 = arith.index_cast %add3A_193 : i32 to index
        %get3A_206 = arith.constant 0 : index
        %get3A_207 = tpu.vector_load %get3A_204[%get3A_205, %get3A_206] {strides = array<i32>} : memref<80x64xf32, #tpu.memory_space<vmem>>, vector<1x16xf32>,
        %get3A_208 = vector.shape_cast %get3A_207 : vector<1x16xf32> to vector<16xf32>
        %add3A_209 = arith.addf %get3A_200, %get3A_208 : vector<16xf32>
        %max3A = arith.constant 0.000000e+00 : f32
        %max3A_210 = vector.broadcast %max3A : f32 to vector<16xf32>
        %max3A_211 = arith.maximumf %add3A_209, %max3A_210 : vector<16xf32>
        %swap3A = arith.constant 0 : i32
        %swap3A_212 = arith.constant 0 : i32
        %swap3A_213 = tpu.memref_slice %arg9[%scan3A_41, %swap3A, %swap3A_212] : memref<2x80x64xf32, #tpu.memory_space<vmem>> -> memref<1x80x64xf32, #tpu.memory_space<vmem>>
        %swap3A_214 = tpu.memref_squeeze %swap3A_213 : memref<1x80x64xf32, #tpu.memory_space<vmem>> -> memref<80x64xf32, #tpu.memory_space<vmem>>
        %swap3A_215 = arith.index_cast %add3A_193 : i32 to index
        %swap3A_216 = arith.constant 0 : index
        %swap3A_217 = tpu.vector_load %swap3A_214[%swap3A_215, %swap3A_216] {strides = array<i32>} : memref<80x64xf32, #tpu.memory_space<vmem>>, vector<1x16xf32>,
        %swap3A_218 = vector.shape_cast %swap3A_217 : vector<1x16xf32> to vector<16xf32>
        %swap3A_219 = vector.shape_cast %max3A_211 : vector<16xf32> to vector<1x16xf32>
        tpu.vector_store %swap3A_214[%swap3A_215, %swap3A_216], %swap3A_219 {strides = array<i32>} : memref<80x64xf32, #tpu.memory_space<vmem>>, vector<1x16xf32>,
        %get3A_220 = arith.constant 0 : i32
        %get3A_221 = arith.constant 0 : i32
        %get3A_222 = tpu.memref_slice %arg9[%scan3A_41, %get3A_220, %get3A_221] : memref<2x80x64xf32, #tpu.memory_space<vmem>> -> memref<1x80x64xf32, #tpu.memory_space<vmem>>
        %get3A_223 = tpu.memref_squeeze %get3A_222 : memref<1x80x64xf32, #tpu.memory_space<vmem>> -> memref<80x64xf32, #tpu.memory_space<vmem>>
        %get3A_224 = arith.index_cast %add3A_193 : i32 to index
        %get3A_225 = arith.constant 16 : index
        %get3A_226 = tpu.vector_load %get3A_223[%get3A_224, %get3A_225] {strides = array<i32>} : memref<80x64xf32, #tpu.memory_space<vmem>>, vector<1x16xf32>,
        %get3A_227 = vector.shape_cast %get3A_226 : vector<1x16xf32> to vector<16xf32>
        %get3A_228 = arith.constant 0 : i32
        %get3A_229 = arith.constant 0 : i32
        %get3A_230 = tpu.memref_slice %arg10[%scan3A_42, %get3A_228, %get3A_229] : memref<2x80x64xf32, #tpu.memory_space<vmem>> -> memref<1x80x64xf32, #tpu.memory_space<vmem>>
        %get3A_231 = tpu.memref_squeeze %get3A_230 : memref<1x80x64xf32, #tpu.memory_space<vmem>> -> memref<80x64xf32, #tpu.memory_space<vmem>>
        %get3A_232 = arith.index_cast %add3A_193 : i32 to index
        %get3A_233 = arith.constant 16 : index
        %get3A_234 = tpu.vector_load %get3A_231[%get3A_232, %get3A_233] {strides = array<i32>} : memref<80x64xf32, #tpu.memory_space<vmem>>, vector<1x16xf32>,
        %get3A_235 = vector.shape_cast %get3A_234 : vector<1x16xf32> to vector<16xf32>
        %add3A_236 = arith.addf %get3A_227, %get3A_235 : vector<16xf32>
        %max3A_237 = arith.constant 0.000000e+00 : f32
        %max3A_238 = vector.broadcast %max3A_237 : f32 to vector<16xf32>
        %max3A_239 = arith.maximumf %add3A_236, %max3A_238 : vector<16xf32>
        %swap3A_240 = arith.constant 0 : i32
        %swap3A_241 = arith.constant 0 : i32
        %swap3A_242 = tpu.memref_slice %arg9[%scan3A_41, %swap3A_240, %swap3A_241] : memref<2x80x64xf32, #tpu.memory_space<vmem>> -> memref<1x80x64xf32, #tpu.memory_space<vmem>>
        %swap3A_243 = tpu.memref_squeeze %swap3A_242 : memref<1x80x64xf32, #tpu.memory_space<vmem>> -> memref<80x64xf32, #tpu.memory_space<vmem>>
        %swap3A_244 = arith.index_cast %add3A_193 : i32 to index
        %swap3A_245 = arith.constant 16 : index
        %swap3A_246 = tpu.vector_load %swap3A_243[%swap3A_244, %swap3A_245] {strides = array<i32>} : memref<80x64xf32, #tpu.memory_space<vmem>>, vector<1x16xf32>,
        %swap3A_247 = vector.shape_cast %swap3A_246 : vector<1x16xf32> to vector<16xf32>
        %swap3A_248 = vector.shape_cast %max3A_239 : vector<16xf32> to vector<1x16xf32>
        tpu.vector_store %swap3A_243[%swap3A_244, %swap3A_245], %swap3A_248 {strides = array<i32>} : memref<80x64xf32, #tpu.memory_space<vmem>>, vector<1x16xf32>,
        %get3A_249 = arith.constant 0 : i32
        %get3A_250 = arith.constant 0 : i32
        %get3A_251 = tpu.memref_slice %arg9[%scan3A_41, %get3A_249, %get3A_250] : memref<2x80x64xf32, #tpu.memory_space<vmem>> -> memref<1x80x64xf32, #tpu.memory_space<vmem>>
        %get3A_252 = tpu.memref_squeeze %get3A_251 : memref<1x80x64xf32, #tpu.memory_space<vmem>> -> memref<80x64xf32, #tpu.memory_space<vmem>>
        %get3A_253 = arith.index_cast %add3A_193 : i32 to index
        %get3A_254 = arith.constant 32 : index
        %get3A_255 = tpu.vector_load %get3A_252[%get3A_253, %get3A_254] {strides = array<i32>} : memref<80x64xf32, #tpu.memory_space<vmem>>, vector<1x16xf32>,
        %get3A_256 = vector.shape_cast %get3A_255 : vector<1x16xf32> to vector<16xf32>
        %get3A_257 = arith.constant 0 : i32
        %get3A_258 = arith.constant 0 : i32
        %get3A_259 = tpu.memref_slice %arg10[%scan3A_42, %get3A_257, %get3A_258] : memref<2x80x64xf32, #tpu.memory_space<vmem>> -> memref<1x80x64xf32, #tpu.memory_space<vmem>>
        %get3A_260 = tpu.memref_squeeze %get3A_259 : memref<1x80x64xf32, #tpu.memory_space<vmem>> -> memref<80x64xf32, #tpu.memory_space<vmem>>
        %get3A_261 = arith.index_cast %add3A_193 : i32 to index
        %get3A_262 = arith.constant 32 : index
        %get3A_263 = tpu.vector_load %get3A_260[%get3A_261, %get3A_262] {strides = array<i32>} : memref<80x64xf32, #tpu.memory_space<vmem>>, vector<1x16xf32>,
        %get3A_264 = vector.shape_cast %get3A_263 : vector<1x16xf32> to vector<16xf32>
        %add3A_265 = arith.addf %get3A_256, %get3A_264 : vector<16xf32>
        %max3A_266 = arith.constant 0.000000e+00 : f32
        %max3A_267 = vector.broadcast %max3A_266 : f32 to vector<16xf32>
        %max3A_268 = arith.maximumf %add3A_265, %max3A_267 : vector<16xf32>
        %swap3A_269 = arith.constant 0 : i32
        %swap3A_270 = arith.constant 0 : i32
        %swap3A_271 = tpu.memref_slice %arg9[%scan3A_41, %swap3A_269, %swap3A_270] : memref<2x80x64xf32, #tpu.memory_space<vmem>> -> memref<1x80x64xf32, #tpu.memory_space<vmem>>
        %swap3A_272 = tpu.memref_squeeze %swap3A_271 : memref<1x80x64xf32, #tpu.memory_space<vmem>> -> memref<80x64xf32, #tpu.memory_space<vmem>>
        %swap3A_273 = arith.index_cast %add3A_193 : i32 to index
        %swap3A_274 = arith.constant 32 : index
        %swap3A_275 = tpu.vector_load %swap3A_272[%swap3A_273, %swap3A_274] {strides = array<i32>} : memref<80x64xf32, #tpu.memory_space<vmem>>, vector<1x16xf32>,
        %swap3A_276 = vector.shape_cast %swap3A_275 : vector<1x16xf32> to vector<16xf32>
        %swap3A_277 = vector.shape_cast %max3A_268 : vector<16xf32> to vector<1x16xf32>
        tpu.vector_store %swap3A_272[%swap3A_273, %swap3A_274], %swap3A_277 {strides = array<i32>} : memref<80x64xf32, #tpu.memory_space<vmem>>, vector<1x16xf32>,
        %get3A_278 = arith.constant 0 : i32
        %get3A_279 = arith.constant 0 : i32
        %get3A_280 = tpu.memref_slice %arg9[%scan3A_41, %get3A_278, %get3A_279] : memref<2x80x64xf32, #tpu.memory_space<vmem>> -> memref<1x80x64xf32, #tpu.memory_space<vmem>>
        %get3A_281 = tpu.memref_squeeze %get3A_280 : memref<1x80x64xf32, #tpu.memory_space<vmem>> -> memref<80x64xf32, #tpu.memory_space<vmem>>
        %get3A_282 = arith.index_cast %add3A_193 : i32 to index
        %get3A_283 = arith.constant 48 : index
        %get3A_284 = tpu.vector_load %get3A_281[%get3A_282, %get3A_283] {strides = array<i32>} : memref<80x64xf32, #tpu.memory_space<vmem>>, vector<1x16xf32>,
        %get3A_285 = vector.shape_cast %get3A_284 : vector<1x16xf32> to vector<16xf32>
        %get3A_286 = arith.constant 0 : i32
        %get3A_287 = arith.constant 0 : i32
        %get3A_288 = tpu.memref_slice %arg10[%scan3A_42, %get3A_286, %get3A_287] : memref<2x80x64xf32, #tpu.memory_space<vmem>> -> memref<1x80x64xf32, #tpu.memory_space<vmem>>
        %get3A_289 = tpu.memref_squeeze %get3A_288 : memref<1x80x64xf32, #tpu.memory_space<vmem>> -> memref<80x64xf32, #tpu.memory_space<vmem>>
        %get3A_290 = arith.index_cast %add3A_193 : i32 to index
        %get3A_291 = arith.constant 48 : index
        %get3A_292 = tpu.vector_load %get3A_289[%get3A_290, %get3A_291] {strides = array<i32>} : memref<80x64xf32, #tpu.memory_space<vmem>>, vector<1x16xf32>,
        %get3A_293 = vector.shape_cast %get3A_292 : vector<1x16xf32> to vector<16xf32>
        %add3A_294 = arith.addf %get3A_285, %get3A_293 : vector<16xf32>
        %max3A_295 = arith.constant 0.000000e+00 : f32
        %max3A_296 = vector.broadcast %max3A_295 : f32 to vector<16xf32>
        %max3A_297 = arith.maximumf %add3A_294, %max3A_296 : vector<16xf32>
        %swap3A_298 = arith.constant 0 : i32
        %swap3A_299 = arith.constant 0 : i32
        %swap3A_300 = tpu.memref_slice %arg9[%scan3A_41, %swap3A_298, %swap3A_299] : memref<2x80x64xf32, #tpu.memory_space<vmem>> -> memref<1x80x64xf32, #tpu.memory_space<vmem>>
        %swap3A_301 = tpu.memref_squeeze %swap3A_300 : memref<1x80x64xf32, #tpu.memory_space<vmem>> -> memref<80x64xf32, #tpu.memory_space<vmem>>
        %swap3A_302 = arith.index_cast %add3A_193 : i32 to index
        %swap3A_303 = arith.constant 48 : index
        %swap3A_304 = tpu.vector_load %swap3A_301[%swap3A_302, %swap3A_303] {strides = array<i32>} : memref<80x64xf32, #tpu.memory_space<vmem>>, vector<1x16xf32>,
        %swap3A_305 = vector.shape_cast %swap3A_304 : vector<1x16xf32> to vector<16xf32>
        %swap3A_306 = vector.shape_cast %max3A_297 : vector<16xf32> to vector<1x16xf32>
        tpu.vector_store %swap3A_301[%swap3A_302, %swap3A_303], %swap3A_306 {strides = array<i32>} : memref<80x64xf32, #tpu.memory_space<vmem>>, vector<1x16xf32>,
      }
      %scan3A_164 = arith.constant 80 : i32
      %ge3A_165 = arith.constant 1 : i32
      %ge3A_166 = arith.cmpi sge, %add3A_130, %ge3A_165 : i32
      %convert_element_type3A_167 = arith.extui %ge3A_166 : i1 to i32
      %cond3A_168 = arith.constant 0 : i32
      %cond3A_169 = arith.cmpi ne, %convert_element_type3A_167, %cond3A_168 : i32
      scf.if %cond3A_169 {
        %sub3A_189 = arith.constant 1 : i32
        %sub3A_190 = arith.subi %add3A_130, %sub3A_189 : i32
        %dma_wait3A_191 = arith.constant 0 : i32
        %dma_wait3A_192 = arith.constant 0 : i32
        %dma_wait3A_193 = tpu.memref_slice %arg9[%scan3A_39, %dma_wait3A_191, %dma_wait3A_192] : memref<2x80x64xf32, #tpu.memory_space<vmem>> -> memref<1x80x64xf32, #tpu.memory_space<vmem>>
        %dma_wait3A_194 = tpu.memref_squeeze %dma_wait3A_193 : memref<1x80x64xf32, #tpu.memory_space<vmem>> -> memref<80x64xf32, #tpu.memory_space<vmem>>
        %dma_wait3A_195 = arith.constant 0 : i32
        %dma_wait3A_196 = tpu.memref_slice %arg8[%sub3A_190, %dma_wait3A_195] : memref<250x80xi32, #tpu.memory_space<vmem>> -> memref<1x80xi32, #tpu.memory_space<vmem>>
        %dma_wait3A_197 = tpu.memref_squeeze %dma_wait3A_196 : memref<1x80xi32, #tpu.memory_space<vmem>> -> memref<80xi32, #tpu.memory_space<vmem>>
        %dma_wait3A_198 = arith.constant 0 : i32
        %dma_wait3A_199 = arith.constant 0 : i32
        %dma_wait3A_200 = tpu.memref_slice %arg12[%dma_wait3A_198, %dma_wait3A_199] : memref<10240x64xf32, #tpu.memory_space<vmem_shared>> -> memref<10240x64xf32, #tpu.memory_space<vmem_shared>>
        tpu.wait_indirect_dma semaphore(%arg17 : memref<!tpu.dma_semaphore, #tpu.memory_space<semaphore_mem>>) src(%dma_wait3A_194 : memref<80x64xf32, #tpu.memory_space<vmem>>) dst(%dma_wait3A_200 : memref<10240x64xf32, #tpu.memory_space<vmem_shared>>)
      } else {
      }
      %dma_start3A_170 = arith.constant 0 : i32
      %dma_start3A_171 = arith.constant 0 : i32
      %dma_start3A_172 = tpu.memref_slice %arg9[%scan3A_41, %dma_start3A_170, %dma_start3A_171] : memref<2x80x64xf32, #tpu.memory_space<vmem>> -> memref<1x80x64xf32, #tpu.memory_space<vmem>>
      %dma_start3A_173 = tpu.memref_squeeze %dma_start3A_172 : memref<1x80x64xf32, #tpu.memory_space<vmem>> -> memref<80x64xf32, #tpu.memory_space<vmem>>
      %dma_start3A_174 = arith.constant 0 : i32
      %dma_start3A_175 = tpu.memref_slice %arg8[%add3A_130, %dma_start3A_174] : memref<250x80xi32, #tpu.memory_space<vmem>> -> memref<1x80xi32, #tpu.memory_space<vmem>>
      %dma_start3A_176 = tpu.memref_squeeze %dma_start3A_175 : memref<1x80xi32, #tpu.memory_space<vmem>> -> memref<80xi32, #tpu.memory_space<vmem>>
      %dma_start3A_177 = arith.constant 0 : i32
      %dma_start3A_178 = arith.constant 0 : i32
      %dma_start3A_179 = tpu.memref_slice %arg12[%dma_start3A_177, %dma_start3A_178] : memref<10240x64xf32, #tpu.memory_space<vmem_shared>> -> memref<10240x64xf32, #tpu.memory_space<vmem_shared>>
      tpu.enqueue_indirect_dma source(%dma_start3A_173 : memref<80x64xf32, #tpu.memory_space<vmem>>) target(%dma_start3A_179 : memref<10240x64xf32, #tpu.memory_space<vmem_shared>>) offsets(%dma_start3A_176 : memref<80xi32, #tpu.memory_space<vmem>>) semaphore(%arg18 : memref<!tpu.dma_semaphore, #tpu.memory_space<semaphore_mem>>) {add = true}
      %add3A_180 = arith.constant 2 : i32
      %add3A_181 = arith.addi %add3A_130, %add3A_180 : i32
      %sub3A_182 = arith.constant 1 : i32
      %sub3A_183 = arith.subi %add3A_181, %sub3A_182 : i32
      %lt3A_184 = arith.constant 250 : i32
      %lt3A_185 = arith.cmpi slt, %sub3A_183, %lt3A_184 : i32
      %convert_element_type3A_186 = arith.extui %lt3A_185 : i1 to i32
      %cond3A_187 = arith.constant 0 : i32
      %cond3A_188 = arith.cmpi ne, %convert_element_type3A_186, %cond3A_187 : i32
      scf.if %cond3A_188 {
        %add3A_189 = arith.constant 2 : i32
        %add3A_190 = arith.addi %add3A_130, %add3A_189 : i32
        %sub3A_191 = arith.constant 1 : i32
        %sub3A_192 = arith.subi %add3A_190, %sub3A_191 : i32
        %dma_start3A_193 = arith.constant 0 : i32
        %dma_start3A_194 = arith.constant 0 : i32
        %dma_start3A_195 = tpu.memref_slice %arg9[%scan3A_39, %dma_start3A_193, %dma_start3A_194] : memref<2x80x64xf32, #tpu.memory_space<vmem>> -> memref<1x80x64xf32, #tpu.memory_space<vmem>>
        %dma_start3A_196 = tpu.memref_squeeze %dma_start3A_195 : memref<1x80x64xf32, #tpu.memory_space<vmem>> -> memref<80x64xf32, #tpu.memory_space<vmem>>
        %dma_start3A_197 = arith.constant 0 : i32
        %dma_start3A_198 = tpu.memref_slice %arg7[%sub3A_192, %dma_start3A_197] : memref<250x80xi32, #tpu.memory_space<vmem>> -> memref<1x80xi32, #tpu.memory_space<vmem>>
        %dma_start3A_199 = tpu.memref_squeeze %dma_start3A_198 : memref<1x80xi32, #tpu.memory_space<vmem>> -> memref<80xi32, #tpu.memory_space<vmem>>
        %dma_start3A_200 = arith.constant 0 : i32
        %dma_start3A_201 = arith.constant 0 : i32
        %dma_start3A_202 = tpu.memref_slice %arg2[%dma_start3A_200, %dma_start3A_201] : memref<20000x64xf32, #tpu.memory_space<hbm>> -> memref<20000x64xf32, #tpu.memory_space<hbm>>
        tpu.enqueue_indirect_dma source(%dma_start3A_202 : memref<20000x64xf32, #tpu.memory_space<hbm>>) target(%dma_start3A_196 : memref<80x64xf32, #tpu.memory_space<vmem>>) offsets(%dma_start3A_199 : memref<80xi32, #tpu.memory_space<vmem>>) semaphore(%arg13 : memref<!tpu.dma_semaphore, #tpu.memory_space<semaphore_mem>>)
        %add3A_203 = arith.constant 2 : i32
        %add3A_204 = arith.addi %add3A_130, %add3A_203 : i32
        %sub3A_205 = arith.constant 1 : i32
        %sub3A_206 = arith.subi %add3A_204, %sub3A_205 : i32
        %mul3A_207 = arith.constant 250 : i32
        %mul3A_208 = arith.muli %arg1, %mul3A_207 : i32
        %add3A_209 = arith.addi %mul3A_208, %sub3A_206 : i32
        %mul3A_210 = arith.constant 80 : i32
        %mul3A_211 = arith.muli %add3A_209, %mul3A_210 : i32
        %dma_start3A_212 = arith.constant 0 : i32
        %dma_start3A_213 = arith.constant 0 : i32
        %dma_start3A_214 = tpu.memref_slice %arg10[%scan3A_40, %dma_start3A_212, %dma_start3A_213] : memref<2x80x64xf32, #tpu.memory_space<vmem>> -> memref<1x80x64xf32, #tpu.memory_space<vmem>>
        %dma_start3A_215 = tpu.memref_squeeze %dma_start3A_214 : memref<1x80x64xf32, #tpu.memory_space<vmem>> -> memref<80x64xf32, #tpu.memory_space<vmem>>
        %dma_start3A_216 = arith.constant 0 : i32
        %dma_start3A_217 = tpu.memref_slice %arg3[%arg0, %mul3A_211, %dma_start3A_216] : memref<2x320000x64xf32, #tpu.memory_space<hbm>> -> memref<1x80x64xf32, #tpu.memory_space<hbm>>
        %dma_start3A_218 = tpu.memref_squeeze %dma_start3A_217 : memref<1x80x64xf32, #tpu.memory_space<hbm>> -> memref<80x64xf32, #tpu.memory_space<hbm>>
        %dma_start3A_219 = arith.constant 0 : i32
        %dma_start3A_220 = arith.constant 0 : i32
        %dma_start3A_221 = tpu.memref_slice %arg10[%scan3A_40, %dma_start3A_219, %dma_start3A_220] : memref<2x80x64xf32, #tpu.memory_space<vmem>> -> memref<1x80x64xf32, #tpu.memory_space<vmem>>
        %dma_start3A_222 = tpu.memref_squeeze %dma_start3A_221 : memref<1x80x64xf32, #tpu.memory_space<vmem>> -> memref<80x64xf32, #tpu.memory_space<vmem>>
        %dma_start3A_223 = arith.constant 0 : i32
        %dma_start3A_224 = tpu.memref_slice %arg3[%arg0, %mul3A_211, %dma_start3A_223] : memref<2x320000x64xf32, #tpu.memory_space<hbm>> -> memref<1x80x64xf32, #tpu.memory_space<hbm>>
        %dma_start3A_225 = tpu.memref_squeeze %dma_start3A_224 : memref<1x80x64xf32, #tpu.memory_space<hbm>> -> memref<80x64xf32, #tpu.memory_space<hbm>>
        tpu.enqueue_dma source(%dma_start3A_225 : memref<80x64xf32, #tpu.memory_space<hbm>>) target(%dma_start3A_222 : memref<80x64xf32, #tpu.memory_space<vmem>>) target_semaphore(%arg15 : memref<!tpu.dma_semaphore, #tpu.memory_space<semaphore_mem>>)
      } else {
      }
    }
    %scan3A_47 = arith.constant 125 : i32
    %dma_wait3A = arith.constant 1 : i32
    %dma_wait3A_48 = arith.constant 249 : i32
    %dma_wait3A_49 = arith.constant 0 : i32
    %dma_wait3A_50 = arith.constant 0 : i32
    %dma_wait3A_51 = tpu.memref_slice %arg9[%dma_wait3A, %dma_wait3A_49, %dma_wait3A_50] : memref<2x80x64xf32, #tpu.memory_space<vmem>> -> memref<1x80x64xf32, #tpu.memory_space<vmem>>
    %dma_wait3A_52 = tpu.memref_squeeze %dma_wait3A_51 : memref<1x80x64xf32, #tpu.memory_space<vmem>> -> memref<80x64xf32, #tpu.memory_space<vmem>>
    %dma_wait3A_53 = arith.constant 0 : i32
    %dma_wait3A_54 = tpu.memref_slice %arg8[%dma_wait3A_48, %dma_wait3A_53] : memref<250x80xi32, #tpu.memory_space<vmem>> -> memref<1x80xi32, #tpu.memory_space<vmem>>
    %dma_wait3A_55 = tpu.memref_squeeze %dma_wait3A_54 : memref<1x80xi32, #tpu.memory_space<vmem>> -> memref<80xi32, #tpu.memory_space<vmem>>
    %dma_wait3A_56 = arith.constant 0 : i32
    %dma_wait3A_57 = arith.constant 0 : i32
    %dma_wait3A_58 = tpu.memref_slice %arg12[%dma_wait3A_56, %dma_wait3A_57] : memref<10240x64xf32, #tpu.memory_space<vmem_shared>> -> memref<10240x64xf32, #tpu.memory_space<vmem_shared>>
    tpu.wait_indirect_dma semaphore(%arg18 : memref<!tpu.dma_semaphore, #tpu.memory_space<semaphore_mem>>) src(%dma_wait3A_52 : memref<80x64xf32, #tpu.memory_space<vmem>>) dst(%dma_wait3A_58 : memref<10240x64xf32, #tpu.memory_space<vmem_shared>>)
    %barrier3A_59 = arith.constant 0 : index
    tpu.barrier barrier_id(%barrier3A_59)
    %scan3A_60 = arith.constant 0 : i32
    %scan3A_61 = arith.constant 5 : i32
    %scan3A_62 = arith.addi %scan3A_60, %scan3A_61 : i32
    %scan3A_63 = arith.constant 1 : i32
    scf.for %scan3A_65 = %scan3A_60 to %scan3A_62 step %scan3A_63  : i32 {
      %mul3A_66 = arith.constant 1 : i32
      %mul3A_67 = arith.muli %scan3A_65, %mul3A_66 : i32
      %add3A_68 = arith.constant 0 : i32
      %add3A_69 = arith.addi %add3A_68, %mul3A_67 : i32
      %mul3A_70 = arith.constant 640 : i32
      %mul3A_71 = arith.muli %arg1, %mul3A_70 : i32
      %mul3A_72 = arith.constant 128 : i32
      %mul3A_73 = arith.muli %add3A_69, %mul3A_72 : i32
      %add3A_74 = arith.addi %mul3A_71, %mul3A_73 : i32
      "tpu.region"() ({
        %run_scoped3A = tpu.sem_alloc : memref<!tpu.dma_semaphore, #tpu.memory_space<semaphore_mem>>
        %dma_start3A_75 = arith.constant 0 : i32
        %dma_start3A_76 = tpu.memref_slice %arg6[%arg0, %add3A_74, %dma_start3A_75] : memref<2x10240x64xf32, #tpu.memory_space<hbm>> -> memref<1x128x64xf32, #tpu.memory_space<hbm>>
        %dma_start3A_77 = tpu.memref_squeeze %dma_start3A_76 : memref<1x128x64xf32, #tpu.memory_space<hbm>> -> memref<128x64xf32, #tpu.memory_space<hbm>>
        %dma_start3A_78 = arith.constant 0 : i32
        %dma_start3A_79 = tpu.memref_slice %arg12[%add3A_74, %dma_start3A_78] : memref<10240x64xf32, #tpu.memory_space<vmem_shared>> -> memref<128x64xf32, #tpu.memory_space<vmem_shared>>
        tpu.enqueue_dma source(%dma_start3A_79 : memref<128x64xf32, #tpu.memory_space<vmem_shared>>) target(%dma_start3A_77 : memref<128x64xf32, #tpu.memory_space<hbm>>) target_semaphore(%run_scoped3A : memref<!tpu.dma_semaphore, #tpu.memory_space<semaphore_mem>>)
        %dma_wait3A_80 = arith.constant 0 : i32
        %dma_wait3A_81 = tpu.memref_slice %arg6[%arg0, %add3A_74, %dma_wait3A_80] : memref<2x10240x64xf32, #tpu.memory_space<hbm>> -> memref<1x128x64xf32, #tpu.memory_space<hbm>>
        %dma_wait3A_82 = tpu.memref_squeeze %dma_wait3A_81 : memref<1x128x64xf32, #tpu.memory_space<hbm>> -> memref<128x64xf32, #tpu.memory_space<hbm>>
        %dma_wait3A_83 = arith.constant 0 : i32
        %dma_wait3A_84 = tpu.memref_slice %arg12[%add3A_74, %dma_wait3A_83] : memref<10240x64xf32, #tpu.memory_space<vmem_shared>> -> memref<128x64xf32, #tpu.memory_space<vmem_shared>>
        tpu.wait_dma2 semaphore(%run_scoped3A : memref<!tpu.dma_semaphore, #tpu.memory_space<semaphore_mem>>) src(%dma_wait3A_84 : memref<128x64xf32, #tpu.memory_space<vmem_shared>>) dst(%dma_wait3A_82 : memref<128x64xf32, #tpu.memory_space<hbm>>)
        tpu.yield
      }) : () -> ()
    }
    %scan3A_64 = arith.constant 5 : i32
    return
  }
}

#map = affine_map<(d0, d1) -> (0, 0, 0)>
module attributes {stable_mosaic.version = 14 : i64} {
  func.func @_sc_scatter_body(%arg0: i32, %arg1: i32, %arg2: memref<2x320000x64xf32, #tpu.memory_space<hbm>>, %arg3: memref<16x250x80xi32, #tpu.memory_space<hbm>>, %arg4: memref<2x10240x64xf32, #tpu.memory_space<hbm>>, %arg5: memref<250x80xi32, #tpu.memory_space<vmem>>, %arg6: memref<2x80x64xf32, #tpu.memory_space<vmem>>, %arg7: memref<128x64xf32, #tpu.memory_space<vmem>>, %arg8: memref<10240x64xf32, #tpu.memory_space<vmem_shared>>, %arg9: memref<!tpu.dma_semaphore, #tpu.memory_space<semaphore_mem>>, %arg10: memref<!tpu.dma_semaphore, #tpu.memory_space<semaphore_mem>>, %arg11: memref<!tpu.dma_semaphore, #tpu.memory_space<semaphore_mem>>, %arg12: memref<!tpu.dma_semaphore, #tpu.memory_space<semaphore_mem>>) attributes {dimension_semantics = [#tpu.dimension_semantics<core_parallel>, #tpu.dimension_semantics<subcore_parallel>], iteration_bounds = array<i64: 2, 16>, scalar_prefetch = 0 : i64, scratch_operands = 8 : i64, tpu.core_type = #tpu.core_type<sc_vector_subcore>, window_params = [{transform_indices = #map}, {transform_indices = #map}, {transform_indices = #map}]} {
    %scan3A = arith.constant 0 : i32
    %scan3A_0 = arith.constant 128 : i32
    %scan3A_1 = arith.addi %scan3A, %scan3A_0 : i32
    %scan3A_2 = arith.constant 1 : i32
    scf.for %scan3A_51 = %scan3A to %scan3A_1 step %scan3A_2  : i32 {
      %mul3A_52 = arith.constant 1 : i32
      %mul3A_53 = arith.muli %scan3A_51, %mul3A_52 : i32
      %add3A_54 = arith.constant 0 : i32
      %add3A_55 = arith.addi %add3A_54, %mul3A_53 : i32
      %broadcast_in_dim3A = arith.constant 0.000000e+00 : f32
      %broadcast_in_dim3A_56 = vector.broadcast %broadcast_in_dim3A : f32 to vector<16xf32>
      %swap3A = arith.index_cast %add3A_55 : i32 to index
      %swap3A_57 = arith.constant 0 : index
      %swap3A_58 = tpu.vector_load %arg7[%swap3A, %swap3A_57] {strides = array<i32>} : memref<128x64xf32, #tpu.memory_space<vmem>>, vector<1x16xf32>,
      %swap3A_59 = vector.shape_cast %swap3A_58 : vector<1x16xf32> to vector<16xf32>
      %swap3A_60 = vector.shape_cast %broadcast_in_dim3A_56 : vector<16xf32> to vector<1x16xf32>
      tpu.vector_store %arg7[%swap3A, %swap3A_57], %swap3A_60 {strides = array<i32>} : memref<128x64xf32, #tpu.memory_space<vmem>>, vector<1x16xf32>,
      %broadcast_in_dim3A_61 = arith.constant 0.000000e+00 : f32
      %broadcast_in_dim3A_62 = vector.broadcast %broadcast_in_dim3A_61 : f32 to vector<16xf32>
      %swap3A_63 = arith.index_cast %add3A_55 : i32 to index
      %swap3A_64 = arith.constant 16 : index
      %swap3A_65 = tpu.vector_load %arg7[%swap3A_63, %swap3A_64] {strides = array<i32>} : memref<128x64xf32, #tpu.memory_space<vmem>>, vector<1x16xf32>,
      %swap3A_66 = vector.shape_cast %swap3A_65 : vector<1x16xf32> to vector<16xf32>
      %swap3A_67 = vector.shape_cast %broadcast_in_dim3A_62 : vector<16xf32> to vector<1x16xf32>
      tpu.vector_store %arg7[%swap3A_63, %swap3A_64], %swap3A_67 {strides = array<i32>} : memref<128x64xf32, #tpu.memory_space<vmem>>, vector<1x16xf32>,
      %broadcast_in_dim3A_68 = arith.constant 0.000000e+00 : f32
      %broadcast_in_dim3A_69 = vector.broadcast %broadcast_in_dim3A_68 : f32 to vector<16xf32>
      %swap3A_70 = arith.index_cast %add3A_55 : i32 to index
      %swap3A_71 = arith.constant 32 : index
      %swap3A_72 = tpu.vector_load %arg7[%swap3A_70, %swap3A_71] {strides = array<i32>} : memref<128x64xf32, #tpu.memory_space<vmem>>, vector<1x16xf32>,
      %swap3A_73 = vector.shape_cast %swap3A_72 : vector<1x16xf32> to vector<16xf32>
      %swap3A_74 = vector.shape_cast %broadcast_in_dim3A_69 : vector<16xf32> to vector<1x16xf32>
      tpu.vector_store %arg7[%swap3A_70, %swap3A_71], %swap3A_74 {strides = array<i32>} : memref<128x64xf32, #tpu.memory_space<vmem>>, vector<1x16xf32>,
      %broadcast_in_dim3A_75 = arith.constant 0.000000e+00 : f32
      %broadcast_in_dim3A_76 = vector.broadcast %broadcast_in_dim3A_75 : f32 to vector<16xf32>
      %swap3A_77 = arith.index_cast %add3A_55 : i32 to index
      %swap3A_78 = arith.constant 48 : index
      %swap3A_79 = tpu.vector_load %arg7[%swap3A_77, %swap3A_78] {strides = array<i32>} : memref<128x64xf32, #tpu.memory_space<vmem>>, vector<1x16xf32>,
      %swap3A_80 = vector.shape_cast %swap3A_79 : vector<1x16xf32> to vector<16xf32>
      %swap3A_81 = vector.shape_cast %broadcast_in_dim3A_76 : vector<16xf32> to vector<1x16xf32>
      tpu.vector_store %arg7[%swap3A_77, %swap3A_78], %swap3A_81 {strides = array<i32>} : memref<128x64xf32, #tpu.memory_space<vmem>>, vector<1x16xf32>,
    }
    %scan3A_3 = arith.constant 128 : i32
    %scan3A_4 = arith.constant 0 : i32
    %scan3A_5 = arith.constant 5 : i32
    %scan3A_6 = arith.addi %scan3A_4, %scan3A_5 : i32
    %scan3A_7 = arith.constant 1 : i32
    scf.for %scan3A_51 = %scan3A_4 to %scan3A_6 step %scan3A_7  : i32 {
      %mul3A_52 = arith.constant 1 : i32
      %mul3A_53 = arith.muli %scan3A_51, %mul3A_52 : i32
      %add3A_54 = arith.constant 0 : i32
      %add3A_55 = arith.addi %add3A_54, %mul3A_53 : i32
      %mul3A_56 = arith.constant 640 : i32
      %mul3A_57 = arith.muli %arg1, %mul3A_56 : i32
      %mul3A_58 = arith.constant 128 : i32
      %mul3A_59 = arith.muli %add3A_55, %mul3A_58 : i32
      %add3A_60 = arith.addi %mul3A_57, %mul3A_59 : i32
      "tpu.region"() ({
        %run_scoped3A = tpu.sem_alloc : memref<!tpu.dma_semaphore, #tpu.memory_space<semaphore_mem>>
        %dma_start3A_61 = arith.constant 0 : i32
        %dma_start3A_62 = tpu.memref_slice %arg8[%add3A_60, %dma_start3A_61] : memref<10240x64xf32, #tpu.memory_space<vmem_shared>> -> memref<128x64xf32, #tpu.memory_space<vmem_shared>>
        %dma_start3A_63 = arith.constant 0 : i32
        %dma_start3A_64 = tpu.memref_slice %arg8[%add3A_60, %dma_start3A_63] : memref<10240x64xf32, #tpu.memory_space<vmem_shared>> -> memref<128x64xf32, #tpu.memory_space<vmem_shared>>
        tpu.enqueue_dma source(%arg7 : memref<128x64xf32, #tpu.memory_space<vmem>>) target(%dma_start3A_64 : memref<128x64xf32, #tpu.memory_space<vmem_shared>>) target_semaphore(%run_scoped3A : memref<!tpu.dma_semaphore, #tpu.memory_space<semaphore_mem>>)
        %dma_wait3A_65 = arith.constant 0 : i32
        %dma_wait3A_66 = tpu.memref_slice %arg8[%add3A_60, %dma_wait3A_65] : memref<10240x64xf32, #tpu.memory_space<vmem_shared>> -> memref<128x64xf32, #tpu.memory_space<vmem_shared>>
        %dma_wait3A_67 = arith.constant 0 : i32
        %dma_wait3A_68 = tpu.memref_slice %arg8[%add3A_60, %dma_wait3A_67] : memref<10240x64xf32, #tpu.memory_space<vmem_shared>> -> memref<128x64xf32, #tpu.memory_space<vmem_shared>>
        tpu.wait_dma2 semaphore(%run_scoped3A : memref<!tpu.dma_semaphore, #tpu.memory_space<semaphore_mem>>) src(%arg7 : memref<128x64xf32, #tpu.memory_space<vmem>>) dst(%dma_wait3A_68 : memref<128x64xf32, #tpu.memory_space<vmem_shared>>)
        tpu.yield
      }) : () -> ()
    }
    %scan3A_8 = arith.constant 5 : i32
    %barrier3A = arith.constant 0 : index
    tpu.barrier barrier_id(%barrier3A)
    "tpu.region"() ({
      %run_scoped3A = tpu.sem_alloc : memref<!tpu.dma_semaphore, #tpu.memory_space<semaphore_mem>>
      %dma_start3A_51 = arith.constant 0 : i32
      %dma_start3A_52 = arith.constant 0 : i32
      %dma_start3A_53 = tpu.memref_slice %arg3[%arg1, %dma_start3A_51, %dma_start3A_52] : memref<16x250x80xi32, #tpu.memory_space<hbm>> -> memref<1x250x80xi32, #tpu.memory_space<hbm>>
      %dma_start3A_54 = tpu.memref_squeeze %dma_start3A_53 : memref<1x250x80xi32, #tpu.memory_space<hbm>> -> memref<250x80xi32, #tpu.memory_space<hbm>>
      %dma_start3A_55 = arith.constant 0 : i32
      %dma_start3A_56 = arith.constant 0 : i32
      %dma_start3A_57 = tpu.memref_slice %arg3[%arg1, %dma_start3A_55, %dma_start3A_56] : memref<16x250x80xi32, #tpu.memory_space<hbm>> -> memref<1x250x80xi32, #tpu.memory_space<hbm>>
      %dma_start3A_58 = tpu.memref_squeeze %dma_start3A_57 : memref<1x250x80xi32, #tpu.memory_space<hbm>> -> memref<250x80xi32, #tpu.memory_space<hbm>>
      tpu.enqueue_dma source(%dma_start3A_58 : memref<250x80xi32, #tpu.memory_space<hbm>>) target(%arg5 : memref<250x80xi32, #tpu.memory_space<vmem>>) target_semaphore(%run_scoped3A : memref<!tpu.dma_semaphore, #tpu.memory_space<semaphore_mem>>)
      %dma_wait3A_59 = arith.constant 0 : i32
      %dma_wait3A_60 = arith.constant 0 : i32
      %dma_wait3A_61 = tpu.memref_slice %arg3[%arg1, %dma_wait3A_59, %dma_wait3A_60] : memref<16x250x80xi32, #tpu.memory_space<hbm>> -> memref<1x250x80xi32, #tpu.memory_space<hbm>>
      %dma_wait3A_62 = tpu.memref_squeeze %dma_wait3A_61 : memref<1x250x80xi32, #tpu.memory_space<hbm>> -> memref<250x80xi32, #tpu.memory_space<hbm>>
      %dma_wait3A_63 = arith.constant 0 : i32
      %dma_wait3A_64 = arith.constant 0 : i32
      %dma_wait3A_65 = tpu.memref_slice %arg3[%arg1, %dma_wait3A_63, %dma_wait3A_64] : memref<16x250x80xi32, #tpu.memory_space<hbm>> -> memref<1x250x80xi32, #tpu.memory_space<hbm>>
      %dma_wait3A_66 = tpu.memref_squeeze %dma_wait3A_65 : memref<1x250x80xi32, #tpu.memory_space<hbm>> -> memref<250x80xi32, #tpu.memory_space<hbm>>
      tpu.wait_dma2 semaphore(%run_scoped3A : memref<!tpu.dma_semaphore, #tpu.memory_space<semaphore_mem>>) src(%dma_wait3A_66 : memref<250x80xi32, #tpu.memory_space<hbm>>) dst(%arg5 : memref<250x80xi32, #tpu.memory_space<vmem>>)
      tpu.yield
    }) : () -> ()
    %mul3A = arith.constant 250 : i32
    %mul3A_9 = arith.muli %arg1, %mul3A : i32
    %add3A = arith.constant 0 : i32
    %add3A_10 = arith.addi %mul3A_9, %add3A : i32
    %mul3A_11 = arith.constant 80 : i32
    %mul3A_12 = arith.muli %add3A_10, %mul3A_11 : i32
    %dma_start3A = arith.constant 0 : i32
    %dma_start3A_13 = arith.constant 0 : i32
    %dma_start3A_14 = arith.constant 0 : i32
    %dma_start3A_15 = tpu.memref_slice %arg6[%dma_start3A, %dma_start3A_13, %dma_start3A_14] : memref<2x80x64xf32, #tpu.memory_space<vmem>> -> memref<1x80x64xf32, #tpu.memory_space<vmem>>
    %dma_start3A_16 = tpu.memref_squeeze %dma_start3A_15 : memref<1x80x64xf32, #tpu.memory_space<vmem>> -> memref<80x64xf32, #tpu.memory_space<vmem>>
    %dma_start3A_17 = arith.constant 0 : i32
    %dma_start3A_18 = tpu.memref_slice %arg2[%arg0, %mul3A_12, %dma_start3A_17] : memref<2x320000x64xf32, #tpu.memory_space<hbm>> -> memref<1x80x64xf32, #tpu.memory_space<hbm>>
    %dma_start3A_19 = tpu.memref_squeeze %dma_start3A_18 : memref<1x80x64xf32, #tpu.memory_space<hbm>> -> memref<80x64xf32, #tpu.memory_space<hbm>>
    %dma_start3A_20 = arith.constant 0 : i32
    %dma_start3A_21 = arith.constant 0 : i32
    %dma_start3A_22 = tpu.memref_slice %arg6[%dma_start3A, %dma_start3A_20, %dma_start3A_21] : memref<2x80x64xf32, #tpu.memory_space<vmem>> -> memref<1x80x64xf32, #tpu.memory_space<vmem>>
    %dma_start3A_23 = tpu.memref_squeeze %dma_start3A_22 : memref<1x80x64xf32, #tpu.memory_space<vmem>> -> memref<80x64xf32, #tpu.memory_space<vmem>>
    %dma_start3A_24 = arith.constant 0 : i32
    %dma_start3A_25 = tpu.memref_slice %arg2[%arg0, %mul3A_12, %dma_start3A_24] : memref<2x320000x64xf32, #tpu.memory_space<hbm>> -> memref<1x80x64xf32, #tpu.memory_space<hbm>>
    %dma_start3A_26 = tpu.memref_squeeze %dma_start3A_25 : memref<1x80x64xf32, #tpu.memory_space<hbm>> -> memref<80x64xf32, #tpu.memory_space<hbm>>
    tpu.enqueue_dma source(%dma_start3A_26 : memref<80x64xf32, #tpu.memory_space<hbm>>) target(%dma_start3A_23 : memref<80x64xf32, #tpu.memory_space<vmem>>) target_semaphore(%arg9 : memref<!tpu.dma_semaphore, #tpu.memory_space<semaphore_mem>>)
    %scan3A_27 = arith.constant 0 : i32
    %scan3A_28 = arith.constant 1 : i32
    %scan3A_29 = arith.constant 0 : i32
    %scan3A_30 = arith.constant 125 : i32
    %scan3A_31 = arith.addi %scan3A_29, %scan3A_30 : i32
    %scan3A_32 = arith.constant 1 : i32
    scf.for %scan3A_51 = %scan3A_29 to %scan3A_31 step %scan3A_32  : i32 {
      %mul3A_52 = arith.constant 1 : i32
      %mul3A_53 = arith.muli %scan3A_51, %mul3A_52 : i32
      %add3A_54 = arith.constant 0 : i32
      %add3A_55 = arith.addi %add3A_54, %mul3A_53 : i32
      %mul3A_56 = arith.constant 2 : i32
      %mul3A_57 = arith.muli %mul3A_56, %add3A_55 : i32
      %add3A_58 = arith.constant 0 : i32
      %add3A_59 = arith.addi %mul3A_57, %add3A_58 : i32
      %mul3A_60 = arith.constant 250 : i32
      %mul3A_61 = arith.muli %arg1, %mul3A_60 : i32
      %add3A_62 = arith.addi %mul3A_61, %add3A_59 : i32
      %mul3A_63 = arith.constant 80 : i32
      %mul3A_64 = arith.muli %add3A_62, %mul3A_63 : i32
      %dma_wait3A_65 = arith.constant 0 : i32
      %dma_wait3A_66 = arith.constant 0 : i32
      %dma_wait3A_67 = tpu.memref_slice %arg6[%scan3A_27, %dma_wait3A_65, %dma_wait3A_66] : memref<2x80x64xf32, #tpu.memory_space<vmem>> -> memref<1x80x64xf32, #tpu.memory_space<vmem>>
      %dma_wait3A_68 = tpu.memref_squeeze %dma_wait3A_67 : memref<1x80x64xf32, #tpu.memory_space<vmem>> -> memref<80x64xf32, #tpu.memory_space<vmem>>
      %dma_wait3A_69 = arith.constant 0 : i32
      %dma_wait3A_70 = tpu.memref_slice %arg2[%arg0, %mul3A_64, %dma_wait3A_69] : memref<2x320000x64xf32, #tpu.memory_space<hbm>> -> memref<1x80x64xf32, #tpu.memory_space<hbm>>
      %dma_wait3A_71 = tpu.memref_squeeze %dma_wait3A_70 : memref<1x80x64xf32, #tpu.memory_space<hbm>> -> memref<80x64xf32, #tpu.memory_space<hbm>>
      %dma_wait3A_72 = arith.constant 0 : i32
      %dma_wait3A_73 = arith.constant 0 : i32
      %dma_wait3A_74 = tpu.memref_slice %arg6[%scan3A_27, %dma_wait3A_72, %dma_wait3A_73] : memref<2x80x64xf32, #tpu.memory_space<vmem>> -> memref<1x80x64xf32, #tpu.memory_space<vmem>>
      %dma_wait3A_75 = tpu.memref_squeeze %dma_wait3A_74 : memref<1x80x64xf32, #tpu.memory_space<vmem>> -> memref<80x64xf32, #tpu.memory_space<vmem>>
      %dma_wait3A_76 = arith.constant 0 : i32
      %dma_wait3A_77 = tpu.memref_slice %arg2[%arg0, %mul3A_64, %dma_wait3A_76] : memref<2x320000x64xf32, #tpu.memory_space<hbm>> -> memref<1x80x64xf32, #tpu.memory_space<hbm>>
      %dma_wait3A_78 = tpu.memref_squeeze %dma_wait3A_77 : memref<1x80x64xf32, #tpu.memory_space<hbm>> -> memref<80x64xf32, #tpu.memory_space<hbm>>
      tpu.wait_dma2 semaphore(%arg9 : memref<!tpu.dma_semaphore, #tpu.memory_space<semaphore_mem>>) src(%dma_wait3A_78 : memref<80x64xf32, #tpu.memory_space<hbm>>) dst(%dma_wait3A_75 : memref<80x64xf32, #tpu.memory_space<vmem>>)
      %ge3A = arith.constant 1 : i32
      %ge3A_79 = arith.cmpi sge, %add3A_59, %ge3A : i32
      %convert_element_type3A = arith.extui %ge3A_79 : i1 to i32
      %cond3A = arith.constant 0 : i32
      %cond3A_80 = arith.cmpi ne, %convert_element_type3A, %cond3A : i32
      scf.if %cond3A_80 {
        %sub3A_145 = arith.constant 1 : i32
        %sub3A_146 = arith.subi %add3A_59, %sub3A_145 : i32
        %dma_wait3A_147 = arith.constant 0 : i32
        %dma_wait3A_148 = arith.constant 0 : i32
        %dma_wait3A_149 = tpu.memref_slice %arg6[%scan3A_28, %dma_wait3A_147, %dma_wait3A_148] : memref<2x80x64xf32, #tpu.memory_space<vmem>> -> memref<1x80x64xf32, #tpu.memory_space<vmem>>
        %dma_wait3A_150 = tpu.memref_squeeze %dma_wait3A_149 : memref<1x80x64xf32, #tpu.memory_space<vmem>> -> memref<80x64xf32, #tpu.memory_space<vmem>>
        %dma_wait3A_151 = arith.constant 0 : i32
        %dma_wait3A_152 = tpu.memref_slice %arg5[%sub3A_146, %dma_wait3A_151] : memref<250x80xi32, #tpu.memory_space<vmem>> -> memref<1x80xi32, #tpu.memory_space<vmem>>
        %dma_wait3A_153 = tpu.memref_squeeze %dma_wait3A_152 : memref<1x80xi32, #tpu.memory_space<vmem>> -> memref<80xi32, #tpu.memory_space<vmem>>
        %dma_wait3A_154 = arith.constant 0 : i32
        %dma_wait3A_155 = arith.constant 0 : i32
        %dma_wait3A_156 = tpu.memref_slice %arg8[%dma_wait3A_154, %dma_wait3A_155] : memref<10240x64xf32, #tpu.memory_space<vmem_shared>> -> memref<10240x64xf32, #tpu.memory_space<vmem_shared>>
        tpu.wait_indirect_dma semaphore(%arg12 : memref<!tpu.dma_semaphore, #tpu.memory_space<semaphore_mem>>) src(%dma_wait3A_150 : memref<80x64xf32, #tpu.memory_space<vmem>>) dst(%dma_wait3A_156 : memref<10240x64xf32, #tpu.memory_space<vmem_shared>>)
      } else {
      }
      %dma_start3A_81 = arith.constant 0 : i32
      %dma_start3A_82 = arith.constant 0 : i32
      %dma_start3A_83 = tpu.memref_slice %arg6[%scan3A_27, %dma_start3A_81, %dma_start3A_82] : memref<2x80x64xf32, #tpu.memory_space<vmem>> -> memref<1x80x64xf32, #tpu.memory_space<vmem>>
      %dma_start3A_84 = tpu.memref_squeeze %dma_start3A_83 : memref<1x80x64xf32, #tpu.memory_space<vmem>> -> memref<80x64xf32, #tpu.memory_space<vmem>>
      %dma_start3A_85 = arith.constant 0 : i32
      %dma_start3A_86 = tpu.memref_slice %arg5[%add3A_59, %dma_start3A_85] : memref<250x80xi32, #tpu.memory_space<vmem>> -> memref<1x80xi32, #tpu.memory_space<vmem>>
      %dma_start3A_87 = tpu.memref_squeeze %dma_start3A_86 : memref<1x80xi32, #tpu.memory_space<vmem>> -> memref<80xi32, #tpu.memory_space<vmem>>
      %dma_start3A_88 = arith.constant 0 : i32
      %dma_start3A_89 = arith.constant 0 : i32
      %dma_start3A_90 = tpu.memref_slice %arg8[%dma_start3A_88, %dma_start3A_89] : memref<10240x64xf32, #tpu.memory_space<vmem_shared>> -> memref<10240x64xf32, #tpu.memory_space<vmem_shared>>
      tpu.enqueue_indirect_dma source(%dma_start3A_84 : memref<80x64xf32, #tpu.memory_space<vmem>>) target(%dma_start3A_90 : memref<10240x64xf32, #tpu.memory_space<vmem_shared>>) offsets(%dma_start3A_87 : memref<80xi32, #tpu.memory_space<vmem>>) semaphore(%arg11 : memref<!tpu.dma_semaphore, #tpu.memory_space<semaphore_mem>>) {add = true}
      %add3A_91 = arith.constant 2 : i32
      %add3A_92 = arith.addi %add3A_59, %add3A_91 : i32
      %sub3A = arith.constant 1 : i32
      %sub3A_93 = arith.subi %add3A_92, %sub3A : i32
      %lt3A = arith.constant 250 : i32
      %lt3A_94 = arith.cmpi slt, %sub3A_93, %lt3A : i32
      %convert_element_type3A_95 = arith.extui %lt3A_94 : i1 to i32
      %cond3A_96 = arith.constant 0 : i32
      %cond3A_97 = arith.cmpi ne, %convert_element_type3A_95, %cond3A_96 : i32
      scf.if %cond3A_97 {
        %add3A_145 = arith.constant 2 : i32
        %add3A_146 = arith.addi %add3A_59, %add3A_145 : i32
        %sub3A_147 = arith.constant 1 : i32
        %sub3A_148 = arith.subi %add3A_146, %sub3A_147 : i32
        %mul3A_149 = arith.constant 250 : i32
        %mul3A_150 = arith.muli %arg1, %mul3A_149 : i32
        %add3A_151 = arith.addi %mul3A_150, %sub3A_148 : i32
        %mul3A_152 = arith.constant 80 : i32
        %mul3A_153 = arith.muli %add3A_151, %mul3A_152 : i32
        %dma_start3A_154 = arith.constant 0 : i32
        %dma_start3A_155 = arith.constant 0 : i32
        %dma_start3A_156 = tpu.memref_slice %arg6[%scan3A_28, %dma_start3A_154, %dma_start3A_155] : memref<2x80x64xf32, #tpu.memory_space<vmem>> -> memref<1x80x64xf32, #tpu.memory_space<vmem>>
        %dma_start3A_157 = tpu.memref_squeeze %dma_start3A_156 : memref<1x80x64xf32, #tpu.memory_space<vmem>> -> memref<80x64xf32, #tpu.memory_space<vmem>>
        %dma_start3A_158 = arith.constant 0 : i32
        %dma_start3A_159 = tpu.memref_slice %arg2[%arg0, %mul3A_153, %dma_start3A_158] : memref<2x320000x64xf32, #tpu.memory_space<hbm>> -> memref<1x80x64xf32, #tpu.memory_space<hbm>>
        %dma_start3A_160 = tpu.memref_squeeze %dma_start3A_159 : memref<1x80x64xf32, #tpu.memory_space<hbm>> -> memref<80x64xf32, #tpu.memory_space<hbm>>
        %dma_start3A_161 = arith.constant 0 : i32
        %dma_start3A_162 = arith.constant 0 : i32
        %dma_start3A_163 = tpu.memref_slice %arg6[%scan3A_28, %dma_start3A_161, %dma_start3A_162] : memref<2x80x64xf32, #tpu.memory_space<vmem>> -> memref<1x80x64xf32, #tpu.memory_space<vmem>>
        %dma_start3A_164 = tpu.memref_squeeze %dma_start3A_163 : memref<1x80x64xf32, #tpu.memory_space<vmem>> -> memref<80x64xf32, #tpu.memory_space<vmem>>
        %dma_start3A_165 = arith.constant 0 : i32
        %dma_start3A_166 = tpu.memref_slice %arg2[%arg0, %mul3A_153, %dma_start3A_165] : memref<2x320000x64xf32, #tpu.memory_space<hbm>> -> memref<1x80x64xf32, #tpu.memory_space<hbm>>
        %dma_start3A_167 = tpu.memref_squeeze %dma_start3A_166 : memref<1x80x64xf32, #tpu.memory_space<hbm>> -> memref<80x64xf32, #tpu.memory_space<hbm>>
        tpu.enqueue_dma source(%dma_start3A_167 : memref<80x64xf32, #tpu.memory_space<hbm>>) target(%dma_start3A_164 : memref<80x64xf32, #tpu.memory_space<vmem>>) target_semaphore(%arg10 : memref<!tpu.dma_semaphore, #tpu.memory_space<semaphore_mem>>)
      } else {
      }
      %mul3A_98 = arith.constant 2 : i32
      %mul3A_99 = arith.muli %mul3A_98, %add3A_55 : i32
      %add3A_100 = arith.constant 1 : i32
      %add3A_101 = arith.addi %mul3A_99, %add3A_100 : i32
      %mul3A_102 = arith.constant 250 : i32
      %mul3A_103 = arith.muli %arg1, %mul3A_102 : i32
      %add3A_104 = arith.addi %mul3A_103, %add3A_101 : i32
      %mul3A_105 = arith.constant 80 : i32
      %mul3A_106 = arith.muli %add3A_104, %mul3A_105 : i32
      %dma_wait3A_107 = arith.constant 0 : i32
      %dma_wait3A_108 = arith.constant 0 : i32
      %dma_wait3A_109 = tpu.memref_slice %arg6[%scan3A_28, %dma_wait3A_107, %dma_wait3A_108] : memref<2x80x64xf32, #tpu.memory_space<vmem>> -> memref<1x80x64xf32, #tpu.memory_space<vmem>>
      %dma_wait3A_110 = tpu.memref_squeeze %dma_wait3A_109 : memref<1x80x64xf32, #tpu.memory_space<vmem>> -> memref<80x64xf32, #tpu.memory_space<vmem>>
      %dma_wait3A_111 = arith.constant 0 : i32
      %dma_wait3A_112 = tpu.memref_slice %arg2[%arg0, %mul3A_106, %dma_wait3A_111] : memref<2x320000x64xf32, #tpu.memory_space<hbm>> -> memref<1x80x64xf32, #tpu.memory_space<hbm>>
      %dma_wait3A_113 = tpu.memref_squeeze %dma_wait3A_112 : memref<1x80x64xf32, #tpu.memory_space<hbm>> -> memref<80x64xf32, #tpu.memory_space<hbm>>
      %dma_wait3A_114 = arith.constant 0 : i32
      %dma_wait3A_115 = arith.constant 0 : i32
      %dma_wait3A_116 = tpu.memref_slice %arg6[%scan3A_28, %dma_wait3A_114, %dma_wait3A_115] : memref<2x80x64xf32, #tpu.memory_space<vmem>> -> memref<1x80x64xf32, #tpu.memory_space<vmem>>
      %dma_wait3A_117 = tpu.memref_squeeze %dma_wait3A_116 : memref<1x80x64xf32, #tpu.memory_space<vmem>> -> memref<80x64xf32, #tpu.memory_space<vmem>>
      %dma_wait3A_118 = arith.constant 0 : i32
      %dma_wait3A_119 = tpu.memref_slice %arg2[%arg0, %mul3A_106, %dma_wait3A_118] : memref<2x320000x64xf32, #tpu.memory_space<hbm>> -> memref<1x80x64xf32, #tpu.memory_space<hbm>>
      %dma_wait3A_120 = tpu.memref_squeeze %dma_wait3A_119 : memref<1x80x64xf32, #tpu.memory_space<hbm>> -> memref<80x64xf32, #tpu.memory_space<hbm>>
      tpu.wait_dma2 semaphore(%arg10 : memref<!tpu.dma_semaphore, #tpu.memory_space<semaphore_mem>>) src(%dma_wait3A_120 : memref<80x64xf32, #tpu.memory_space<hbm>>) dst(%dma_wait3A_117 : memref<80x64xf32, #tpu.memory_space<vmem>>)
      %ge3A_121 = arith.constant 1 : i32
      %ge3A_122 = arith.cmpi sge, %add3A_101, %ge3A_121 : i32
      %convert_element_type3A_123 = arith.extui %ge3A_122 : i1 to i32
      %cond3A_124 = arith.constant 0 : i32
      %cond3A_125 = arith.cmpi ne, %convert_element_type3A_123, %cond3A_124 : i32
      scf.if %cond3A_125 {
        %sub3A_145 = arith.constant 1 : i32
        %sub3A_146 = arith.subi %add3A_101, %sub3A_145 : i32
        %dma_wait3A_147 = arith.constant 0 : i32
        %dma_wait3A_148 = arith.constant 0 : i32
        %dma_wait3A_149 = tpu.memref_slice %arg6[%scan3A_27, %dma_wait3A_147, %dma_wait3A_148] : memref<2x80x64xf32, #tpu.memory_space<vmem>> -> memref<1x80x64xf32, #tpu.memory_space<vmem>>
        %dma_wait3A_150 = tpu.memref_squeeze %dma_wait3A_149 : memref<1x80x64xf32, #tpu.memory_space<vmem>> -> memref<80x64xf32, #tpu.memory_space<vmem>>
        %dma_wait3A_151 = arith.constant 0 : i32
        %dma_wait3A_152 = tpu.memref_slice %arg5[%sub3A_146, %dma_wait3A_151] : memref<250x80xi32, #tpu.memory_space<vmem>> -> memref<1x80xi32, #tpu.memory_space<vmem>>
        %dma_wait3A_153 = tpu.memref_squeeze %dma_wait3A_152 : memref<1x80xi32, #tpu.memory_space<vmem>> -> memref<80xi32, #tpu.memory_space<vmem>>
        %dma_wait3A_154 = arith.constant 0 : i32
        %dma_wait3A_155 = arith.constant 0 : i32
        %dma_wait3A_156 = tpu.memref_slice %arg8[%dma_wait3A_154, %dma_wait3A_155] : memref<10240x64xf32, #tpu.memory_space<vmem_shared>> -> memref<10240x64xf32, #tpu.memory_space<vmem_shared>>
        tpu.wait_indirect_dma semaphore(%arg11 : memref<!tpu.dma_semaphore, #tpu.memory_space<semaphore_mem>>) src(%dma_wait3A_150 : memref<80x64xf32, #tpu.memory_space<vmem>>) dst(%dma_wait3A_156 : memref<10240x64xf32, #tpu.memory_space<vmem_shared>>)
      } else {
      }
      %dma_start3A_126 = arith.constant 0 : i32
      %dma_start3A_127 = arith.constant 0 : i32
      %dma_start3A_128 = tpu.memref_slice %arg6[%scan3A_28, %dma_start3A_126, %dma_start3A_127] : memref<2x80x64xf32, #tpu.memory_space<vmem>> -> memref<1x80x64xf32, #tpu.memory_space<vmem>>
      %dma_start3A_129 = tpu.memref_squeeze %dma_start3A_128 : memref<1x80x64xf32, #tpu.memory_space<vmem>> -> memref<80x64xf32, #tpu.memory_space<vmem>>
      %dma_start3A_130 = arith.constant 0 : i32
      %dma_start3A_131 = tpu.memref_slice %arg5[%add3A_101, %dma_start3A_130] : memref<250x80xi32, #tpu.memory_space<vmem>> -> memref<1x80xi32, #tpu.memory_space<vmem>>
      %dma_start3A_132 = tpu.memref_squeeze %dma_start3A_131 : memref<1x80xi32, #tpu.memory_space<vmem>> -> memref<80xi32, #tpu.memory_space<vmem>>
      %dma_start3A_133 = arith.constant 0 : i32
      %dma_start3A_134 = arith.constant 0 : i32
      %dma_start3A_135 = tpu.memref_slice %arg8[%dma_start3A_133, %dma_start3A_134] : memref<10240x64xf32, #tpu.memory_space<vmem_shared>> -> memref<10240x64xf32, #tpu.memory_space<vmem_shared>>
      tpu.enqueue_indirect_dma source(%dma_start3A_129 : memref<80x64xf32, #tpu.memory_space<vmem>>) target(%dma_start3A_135 : memref<10240x64xf32, #tpu.memory_space<vmem_shared>>) offsets(%dma_start3A_132 : memref<80xi32, #tpu.memory_space<vmem>>) semaphore(%arg12 : memref<!tpu.dma_semaphore, #tpu.memory_space<semaphore_mem>>) {add = true}
      %add3A_136 = arith.constant 2 : i32
      %add3A_137 = arith.addi %add3A_101, %add3A_136 : i32
      %sub3A_138 = arith.constant 1 : i32
      %sub3A_139 = arith.subi %add3A_137, %sub3A_138 : i32
      %lt3A_140 = arith.constant 250 : i32
      %lt3A_141 = arith.cmpi slt, %sub3A_139, %lt3A_140 : i32
      %convert_element_type3A_142 = arith.extui %lt3A_141 : i1 to i32
      %cond3A_143 = arith.constant 0 : i32
      %cond3A_144 = arith.cmpi ne, %convert_element_type3A_142, %cond3A_143 : i32
      scf.if %cond3A_144 {
        %add3A_145 = arith.constant 2 : i32
        %add3A_146 = arith.addi %add3A_101, %add3A_145 : i32
        %sub3A_147 = arith.constant 1 : i32
        %sub3A_148 = arith.subi %add3A_146, %sub3A_147 : i32
        %mul3A_149 = arith.constant 250 : i32
        %mul3A_150 = arith.muli %arg1, %mul3A_149 : i32
        %add3A_151 = arith.addi %mul3A_150, %sub3A_148 : i32
        %mul3A_152 = arith.constant 80 : i32
        %mul3A_153 = arith.muli %add3A_151, %mul3A_152 : i32
        %dma_start3A_154 = arith.constant 0 : i32
        %dma_start3A_155 = arith.constant 0 : i32
        %dma_start3A_156 = tpu.memref_slice %arg6[%scan3A_27, %dma_start3A_154, %dma_start3A_155] : memref<2x80x64xf32, #tpu.memory_space<vmem>> -> memref<1x80x64xf32, #tpu.memory_space<vmem>>
        %dma_start3A_157 = tpu.memref_squeeze %dma_start3A_156 : memref<1x80x64xf32, #tpu.memory_space<vmem>> -> memref<80x64xf32, #tpu.memory_space<vmem>>
        %dma_start3A_158 = arith.constant 0 : i32
        %dma_start3A_159 = tpu.memref_slice %arg2[%arg0, %mul3A_153, %dma_start3A_158] : memref<2x320000x64xf32, #tpu.memory_space<hbm>> -> memref<1x80x64xf32, #tpu.memory_space<hbm>>
        %dma_start3A_160 = tpu.memref_squeeze %dma_start3A_159 : memref<1x80x64xf32, #tpu.memory_space<hbm>> -> memref<80x64xf32, #tpu.memory_space<hbm>>
        %dma_start3A_161 = arith.constant 0 : i32
        %dma_start3A_162 = arith.constant 0 : i32
        %dma_start3A_163 = tpu.memref_slice %arg6[%scan3A_27, %dma_start3A_161, %dma_start3A_162] : memref<2x80x64xf32, #tpu.memory_space<vmem>> -> memref<1x80x64xf32, #tpu.memory_space<vmem>>
        %dma_start3A_164 = tpu.memref_squeeze %dma_start3A_163 : memref<1x80x64xf32, #tpu.memory_space<vmem>> -> memref<80x64xf32, #tpu.memory_space<vmem>>
        %dma_start3A_165 = arith.constant 0 : i32
        %dma_start3A_166 = tpu.memref_slice %arg2[%arg0, %mul3A_153, %dma_start3A_165] : memref<2x320000x64xf32, #tpu.memory_space<hbm>> -> memref<1x80x64xf32, #tpu.memory_space<hbm>>
        %dma_start3A_167 = tpu.memref_squeeze %dma_start3A_166 : memref<1x80x64xf32, #tpu.memory_space<hbm>> -> memref<80x64xf32, #tpu.memory_space<hbm>>
        tpu.enqueue_dma source(%dma_start3A_167 : memref<80x64xf32, #tpu.memory_space<hbm>>) target(%dma_start3A_164 : memref<80x64xf32, #tpu.memory_space<vmem>>) target_semaphore(%arg9 : memref<!tpu.dma_semaphore, #tpu.memory_space<semaphore_mem>>)
      } else {
      }
    }
    %scan3A_33 = arith.constant 125 : i32
    %dma_wait3A = arith.constant 1 : i32
    %dma_wait3A_34 = arith.constant 249 : i32
    %dma_wait3A_35 = arith.constant 0 : i32
    %dma_wait3A_36 = arith.constant 0 : i32
    %dma_wait3A_37 = tpu.memref_slice %arg6[%dma_wait3A, %dma_wait3A_35, %dma_wait3A_36] : memref<2x80x64xf32, #tpu.memory_space<vmem>> -> memref<1x80x64xf32, #tpu.memory_space<vmem>>
    %dma_wait3A_38 = tpu.memref_squeeze %dma_wait3A_37 : memref<1x80x64xf32, #tpu.memory_space<vmem>> -> memref<80x64xf32, #tpu.memory_space<vmem>>
    %dma_wait3A_39 = arith.constant 0 : i32
    %dma_wait3A_40 = tpu.memref_slice %arg5[%dma_wait3A_34, %dma_wait3A_39] : memref<250x80xi32, #tpu.memory_space<vmem>> -> memref<1x80xi32, #tpu.memory_space<vmem>>
    %dma_wait3A_41 = tpu.memref_squeeze %dma_wait3A_40 : memref<1x80xi32, #tpu.memory_space<vmem>> -> memref<80xi32, #tpu.memory_space<vmem>>
    %dma_wait3A_42 = arith.constant 0 : i32
    %dma_wait3A_43 = arith.constant 0 : i32
    %dma_wait3A_44 = tpu.memref_slice %arg8[%dma_wait3A_42, %dma_wait3A_43] : memref<10240x64xf32, #tpu.memory_space<vmem_shared>> -> memref<10240x64xf32, #tpu.memory_space<vmem_shared>>
    tpu.wait_indirect_dma semaphore(%arg12 : memref<!tpu.dma_semaphore, #tpu.memory_space<semaphore_mem>>) src(%dma_wait3A_38 : memref<80x64xf32, #tpu.memory_space<vmem>>) dst(%dma_wait3A_44 : memref<10240x64xf32, #tpu.memory_space<vmem_shared>>)
    %barrier3A_45 = arith.constant 0 : index
    tpu.barrier barrier_id(%barrier3A_45)
    %scan3A_46 = arith.constant 0 : i32
    %scan3A_47 = arith.constant 5 : i32
    %scan3A_48 = arith.addi %scan3A_46, %scan3A_47 : i32
    %scan3A_49 = arith.constant 1 : i32
    scf.for %scan3A_51 = %scan3A_46 to %scan3A_48 step %scan3A_49  : i32 {
      %mul3A_52 = arith.constant 1 : i32
      %mul3A_53 = arith.muli %scan3A_51, %mul3A_52 : i32
      %add3A_54 = arith.constant 0 : i32
      %add3A_55 = arith.addi %add3A_54, %mul3A_53 : i32
      %mul3A_56 = arith.constant 640 : i32
      %mul3A_57 = arith.muli %arg1, %mul3A_56 : i32
      %mul3A_58 = arith.constant 128 : i32
      %mul3A_59 = arith.muli %add3A_55, %mul3A_58 : i32
      %add3A_60 = arith.addi %mul3A_57, %mul3A_59 : i32
      "tpu.region"() ({
        %run_scoped3A = tpu.sem_alloc : memref<!tpu.dma_semaphore, #tpu.memory_space<semaphore_mem>>
        %dma_start3A_61 = arith.constant 0 : i32
        %dma_start3A_62 = tpu.memref_slice %arg4[%arg0, %add3A_60, %dma_start3A_61] : memref<2x10240x64xf32, #tpu.memory_space<hbm>> -> memref<1x128x64xf32, #tpu.memory_space<hbm>>
        %dma_start3A_63 = tpu.memref_squeeze %dma_start3A_62 : memref<1x128x64xf32, #tpu.memory_space<hbm>> -> memref<128x64xf32, #tpu.memory_space<hbm>>
        %dma_start3A_64 = arith.constant 0 : i32
        %dma_start3A_65 = tpu.memref_slice %arg8[%add3A_60, %dma_start3A_64] : memref<10240x64xf32, #tpu.memory_space<vmem_shared>> -> memref<128x64xf32, #tpu.memory_space<vmem_shared>>
        tpu.enqueue_dma source(%dma_start3A_65 : memref<128x64xf32, #tpu.memory_space<vmem_shared>>) target(%dma_start3A_63 : memref<128x64xf32, #tpu.memory_space<hbm>>) target_semaphore(%run_scoped3A : memref<!tpu.dma_semaphore, #tpu.memory_space<semaphore_mem>>)
        %dma_wait3A_66 = arith.constant 0 : i32
        %dma_wait3A_67 = tpu.memref_slice %arg4[%arg0, %add3A_60, %dma_wait3A_66] : memref<2x10240x64xf32, #tpu.memory_space<hbm>> -> memref<1x128x64xf32, #tpu.memory_space<hbm>>
        %dma_wait3A_68 = tpu.memref_squeeze %dma_wait3A_67 : memref<1x128x64xf32, #tpu.memory_space<hbm>> -> memref<128x64xf32, #tpu.memory_space<hbm>>
        %dma_wait3A_69 = arith.constant 0 : i32
        %dma_wait3A_70 = tpu.memref_slice %arg8[%add3A_60, %dma_wait3A_69] : memref<10240x64xf32, #tpu.memory_space<vmem_shared>> -> memref<128x64xf32, #tpu.memory_space<vmem_shared>>
        tpu.wait_dma2 semaphore(%run_scoped3A : memref<!tpu.dma_semaphore, #tpu.memory_space<semaphore_mem>>) src(%dma_wait3A_70 : memref<128x64xf32, #tpu.memory_space<vmem_shared>>) dst(%dma_wait3A_68 : memref<128x64xf32, #tpu.memory_space<hbm>>)
        tpu.yield
      }) : () -> ()
    }
    %scan3A_50 = arith.constant 5 : i32
    return
  }
}

#map = affine_map<(d0, d1) -> (0, 0)>
#map1 = affine_map<(d0, d1) -> (0, 0, 0)>
#map2 = affine_map<(d0, d1) -> (0, 0, 0, 0)>
module attributes {stable_mosaic.version = 14 : i64} {
  func.func @_sc_msg_body(%arg0: i32, %arg1: i32, %arg2: memref<20000x64xf32, #tpu.memory_space<hbm>>, %arg3: memref<2x320000x64xf32, #tpu.memory_space<hbm>>, %arg4: memref<2x16x250x80xi32, #tpu.memory_space<hbm>>, %arg5: memref<16x250x80xi32, #tpu.memory_space<hbm>>, %arg6: memref<2x10240x64xf32, #tpu.memory_space<hbm>>, %arg7: memref<250x80xi32, #tpu.memory_space<vmem>>, %arg8: memref<250x80xi32, #tpu.memory_space<vmem>>, %arg9: memref<2x80x64xf32, #tpu.memory_space<vmem>>, %arg10: memref<2x80x64xf32, #tpu.memory_space<vmem>>, %arg11: memref<128x64xf32, #tpu.memory_space<vmem>>, %arg12: memref<10240x64xf32, #tpu.memory_space<vmem_shared>>, %arg13: memref<!tpu.dma_semaphore, #tpu.memory_space<semaphore_mem>>, %arg14: memref<!tpu.dma_semaphore, #tpu.memory_space<semaphore_mem>>, %arg15: memref<!tpu.dma_semaphore, #tpu.memory_space<semaphore_mem>>, %arg16: memref<!tpu.dma_semaphore, #tpu.memory_space<semaphore_mem>>, %arg17: memref<!tpu.dma_semaphore, #tpu.memory_space<semaphore_mem>>, %arg18: memref<!tpu.dma_semaphore, #tpu.memory_space<semaphore_mem>>) attributes {dimension_semantics = [#tpu.dimension_semantics<core_parallel>, #tpu.dimension_semantics<subcore_parallel>], iteration_bounds = array<i64: 2, 16>, scalar_prefetch = 0 : i64, scratch_operands = 12 : i64, tpu.core_type = #tpu.core_type<sc_vector_subcore>, window_params = [{transform_indices = #map}, {transform_indices = #map1}, {transform_indices = #map2}, {transform_indices = #map1}, {transform_indices = #map1}]} {
    %scan3A = arith.constant 0 : i32
    %scan3A_0 = arith.constant 128 : i32
    %scan3A_1 = arith.addi %scan3A, %scan3A_0 : i32
    %scan3A_2 = arith.constant 1 : i32
    scf.for %scan3A_65 = %scan3A to %scan3A_1 step %scan3A_2  : i32 {
      %mul3A_66 = arith.constant 1 : i32
      %mul3A_67 = arith.muli %scan3A_65, %mul3A_66 : i32
      %add3A_68 = arith.constant 0 : i32
      %add3A_69 = arith.addi %add3A_68, %mul3A_67 : i32
      %broadcast_in_dim3A = arith.constant 0.000000e+00 : f32
      %broadcast_in_dim3A_70 = vector.broadcast %broadcast_in_dim3A : f32 to vector<16xf32>
      %swap3A = arith.index_cast %add3A_69 : i32 to index
      %swap3A_71 = arith.constant 0 : index
      %swap3A_72 = tpu.vector_load %arg11[%swap3A, %swap3A_71] {strides = array<i32>} : memref<128x64xf32, #tpu.memory_space<vmem>>, vector<1x16xf32>,
      %swap3A_73 = vector.shape_cast %swap3A_72 : vector<1x16xf32> to vector<16xf32>
      %swap3A_74 = vector.shape_cast %broadcast_in_dim3A_70 : vector<16xf32> to vector<1x16xf32>
      tpu.vector_store %arg11[%swap3A, %swap3A_71], %swap3A_74 {strides = array<i32>} : memref<128x64xf32, #tpu.memory_space<vmem>>, vector<1x16xf32>,
      %broadcast_in_dim3A_75 = arith.constant 0.000000e+00 : f32
      %broadcast_in_dim3A_76 = vector.broadcast %broadcast_in_dim3A_75 : f32 to vector<16xf32>
      %swap3A_77 = arith.index_cast %add3A_69 : i32 to index
      %swap3A_78 = arith.constant 16 : index
      %swap3A_79 = tpu.vector_load %arg11[%swap3A_77, %swap3A_78] {strides = array<i32>} : memref<128x64xf32, #tpu.memory_space<vmem>>, vector<1x16xf32>,
      %swap3A_80 = vector.shape_cast %swap3A_79 : vector<1x16xf32> to vector<16xf32>
      %swap3A_81 = vector.shape_cast %broadcast_in_dim3A_76 : vector<16xf32> to vector<1x16xf32>
      tpu.vector_store %arg11[%swap3A_77, %swap3A_78], %swap3A_81 {strides = array<i32>} : memref<128x64xf32, #tpu.memory_space<vmem>>, vector<1x16xf32>,
      %broadcast_in_dim3A_82 = arith.constant 0.000000e+00 : f32
      %broadcast_in_dim3A_83 = vector.broadcast %broadcast_in_dim3A_82 : f32 to vector<16xf32>
      %swap3A_84 = arith.index_cast %add3A_69 : i32 to index
      %swap3A_85 = arith.constant 32 : index
      %swap3A_86 = tpu.vector_load %arg11[%swap3A_84, %swap3A_85] {strides = array<i32>} : memref<128x64xf32, #tpu.memory_space<vmem>>, vector<1x16xf32>,
      %swap3A_87 = vector.shape_cast %swap3A_86 : vector<1x16xf32> to vector<16xf32>
      %swap3A_88 = vector.shape_cast %broadcast_in_dim3A_83 : vector<16xf32> to vector<1x16xf32>
      tpu.vector_store %arg11[%swap3A_84, %swap3A_85], %swap3A_88 {strides = array<i32>} : memref<128x64xf32, #tpu.memory_space<vmem>>, vector<1x16xf32>,
      %broadcast_in_dim3A_89 = arith.constant 0.000000e+00 : f32
      %broadcast_in_dim3A_90 = vector.broadcast %broadcast_in_dim3A_89 : f32 to vector<16xf32>
      %swap3A_91 = arith.index_cast %add3A_69 : i32 to index
      %swap3A_92 = arith.constant 48 : index
      %swap3A_93 = tpu.vector_load %arg11[%swap3A_91, %swap3A_92] {strides = array<i32>} : memref<128x64xf32, #tpu.memory_space<vmem>>, vector<1x16xf32>,
      %swap3A_94 = vector.shape_cast %swap3A_93 : vector<1x16xf32> to vector<16xf32>
      %swap3A_95 = vector.shape_cast %broadcast_in_dim3A_90 : vector<16xf32> to vector<1x16xf32>
      tpu.vector_store %arg11[%swap3A_91, %swap3A_92], %swap3A_95 {strides = array<i32>} : memref<128x64xf32, #tpu.memory_space<vmem>>, vector<1x16xf32>,
    }
    %scan3A_3 = arith.constant 128 : i32
    %scan3A_4 = arith.constant 0 : i32
    %scan3A_5 = arith.constant 5 : i32
    %scan3A_6 = arith.addi %scan3A_4, %scan3A_5 : i32
    %scan3A_7 = arith.constant 1 : i32
    scf.for %scan3A_65 = %scan3A_4 to %scan3A_6 step %scan3A_7  : i32 {
      %mul3A_66 = arith.constant 1 : i32
      %mul3A_67 = arith.muli %scan3A_65, %mul3A_66 : i32
      %add3A_68 = arith.constant 0 : i32
      %add3A_69 = arith.addi %add3A_68, %mul3A_67 : i32
      %mul3A_70 = arith.constant 640 : i32
      %mul3A_71 = arith.muli %arg1, %mul3A_70 : i32
      %mul3A_72 = arith.constant 128 : i32
      %mul3A_73 = arith.muli %add3A_69, %mul3A_72 : i32
      %add3A_74 = arith.addi %mul3A_71, %mul3A_73 : i32
      "tpu.region"() ({
        %run_scoped3A = tpu.sem_alloc : memref<!tpu.dma_semaphore, #tpu.memory_space<semaphore_mem>>
        %dma_start3A_75 = arith.constant 0 : i32
        %dma_start3A_76 = tpu.memref_slice %arg12[%add3A_74, %dma_start3A_75] : memref<10240x64xf32, #tpu.memory_space<vmem_shared>> -> memref<128x64xf32, #tpu.memory_space<vmem_shared>>
        %dma_start3A_77 = arith.constant 0 : i32
        %dma_start3A_78 = tpu.memref_slice %arg12[%add3A_74, %dma_start3A_77] : memref<10240x64xf32, #tpu.memory_space<vmem_shared>> -> memref<128x64xf32, #tpu.memory_space<vmem_shared>>
        tpu.enqueue_dma source(%arg11 : memref<128x64xf32, #tpu.memory_space<vmem>>) target(%dma_start3A_78 : memref<128x64xf32, #tpu.memory_space<vmem_shared>>) target_semaphore(%run_scoped3A : memref<!tpu.dma_semaphore, #tpu.memory_space<semaphore_mem>>)
        %dma_wait3A_79 = arith.constant 0 : i32
        %dma_wait3A_80 = tpu.memref_slice %arg12[%add3A_74, %dma_wait3A_79] : memref<10240x64xf32, #tpu.memory_space<vmem_shared>> -> memref<128x64xf32, #tpu.memory_space<vmem_shared>>
        %dma_wait3A_81 = arith.constant 0 : i32
        %dma_wait3A_82 = tpu.memref_slice %arg12[%add3A_74, %dma_wait3A_81] : memref<10240x64xf32, #tpu.memory_space<vmem_shared>> -> memref<128x64xf32, #tpu.memory_space<vmem_shared>>
        tpu.wait_dma2 semaphore(%run_scoped3A : memref<!tpu.dma_semaphore, #tpu.memory_space<semaphore_mem>>) src(%arg11 : memref<128x64xf32, #tpu.memory_space<vmem>>) dst(%dma_wait3A_82 : memref<128x64xf32, #tpu.memory_space<vmem_shared>>)
        tpu.yield
      }) : () -> ()
    }
    %scan3A_8 = arith.constant 5 : i32
    %barrier3A = arith.constant 0 : index
    tpu.barrier barrier_id(%barrier3A)
    "tpu.region"() ({
      %run_scoped3A = tpu.sem_alloc : memref<!tpu.dma_semaphore, #tpu.memory_space<semaphore_mem>>
      %dma_start3A_65 = arith.constant 0 : i32
      %dma_start3A_66 = arith.constant 0 : i32
      %dma_start3A_67 = tpu.memref_slice %arg4[%arg0, %arg1, %dma_start3A_65, %dma_start3A_66] : memref<2x16x250x80xi32, #tpu.memory_space<hbm>> -> memref<1x1x250x80xi32, #tpu.memory_space<hbm>>
      %dma_start3A_68 = tpu.memref_squeeze %dma_start3A_67 : memref<1x1x250x80xi32, #tpu.memory_space<hbm>> -> memref<250x80xi32, #tpu.memory_space<hbm>>
      %dma_start3A_69 = arith.constant 0 : i32
      %dma_start3A_70 = arith.constant 0 : i32
      %dma_start3A_71 = tpu.memref_slice %arg4[%arg0, %arg1, %dma_start3A_69, %dma_start3A_70] : memref<2x16x250x80xi32, #tpu.memory_space<hbm>> -> memref<1x1x250x80xi32, #tpu.memory_space<hbm>>
      %dma_start3A_72 = tpu.memref_squeeze %dma_start3A_71 : memref<1x1x250x80xi32, #tpu.memory_space<hbm>> -> memref<250x80xi32, #tpu.memory_space<hbm>>
      tpu.enqueue_dma source(%dma_start3A_72 : memref<250x80xi32, #tpu.memory_space<hbm>>) target(%arg7 : memref<250x80xi32, #tpu.memory_space<vmem>>) target_semaphore(%run_scoped3A : memref<!tpu.dma_semaphore, #tpu.memory_space<semaphore_mem>>)
      %dma_wait3A_73 = arith.constant 0 : i32
      %dma_wait3A_74 = arith.constant 0 : i32
      %dma_wait3A_75 = tpu.memref_slice %arg4[%arg0, %arg1, %dma_wait3A_73, %dma_wait3A_74] : memref<2x16x250x80xi32, #tpu.memory_space<hbm>> -> memref<1x1x250x80xi32, #tpu.memory_space<hbm>>
      %dma_wait3A_76 = tpu.memref_squeeze %dma_wait3A_75 : memref<1x1x250x80xi32, #tpu.memory_space<hbm>> -> memref<250x80xi32, #tpu.memory_space<hbm>>
      %dma_wait3A_77 = arith.constant 0 : i32
      %dma_wait3A_78 = arith.constant 0 : i32
      %dma_wait3A_79 = tpu.memref_slice %arg4[%arg0, %arg1, %dma_wait3A_77, %dma_wait3A_78] : memref<2x16x250x80xi32, #tpu.memory_space<hbm>> -> memref<1x1x250x80xi32, #tpu.memory_space<hbm>>
      %dma_wait3A_80 = tpu.memref_squeeze %dma_wait3A_79 : memref<1x1x250x80xi32, #tpu.memory_space<hbm>> -> memref<250x80xi32, #tpu.memory_space<hbm>>
      tpu.wait_dma2 semaphore(%run_scoped3A : memref<!tpu.dma_semaphore, #tpu.memory_space<semaphore_mem>>) src(%dma_wait3A_80 : memref<250x80xi32, #tpu.memory_space<hbm>>) dst(%arg7 : memref<250x80xi32, #tpu.memory_space<vmem>>)
      tpu.yield
    }) : () -> ()
    "tpu.region"() ({
      %run_scoped3A = tpu.sem_alloc : memref<!tpu.dma_semaphore, #tpu.memory_space<semaphore_mem>>
      %dma_start3A_65 = arith.constant 0 : i32
      %dma_start3A_66 = arith.constant 0 : i32
      %dma_start3A_67 = tpu.memref_slice %arg5[%arg1, %dma_start3A_65, %dma_start3A_66] : memref<16x250x80xi32, #tpu.memory_space<hbm>> -> memref<1x250x80xi32, #tpu.memory_space<hbm>>
      %dma_start3A_68 = tpu.memref_squeeze %dma_start3A_67 : memref<1x250x80xi32, #tpu.memory_space<hbm>> -> memref<250x80xi32, #tpu.memory_space<hbm>>
      %dma_start3A_69 = arith.constant 0 : i32
      %dma_start3A_70 = arith.constant 0 : i32
      %dma_start3A_71 = tpu.memref_slice %arg5[%arg1, %dma_start3A_69, %dma_start3A_70] : memref<16x250x80xi32, #tpu.memory_space<hbm>> -> memref<1x250x80xi32, #tpu.memory_space<hbm>>
      %dma_start3A_72 = tpu.memref_squeeze %dma_start3A_71 : memref<1x250x80xi32, #tpu.memory_space<hbm>> -> memref<250x80xi32, #tpu.memory_space<hbm>>
      tpu.enqueue_dma source(%dma_start3A_72 : memref<250x80xi32, #tpu.memory_space<hbm>>) target(%arg8 : memref<250x80xi32, #tpu.memory_space<vmem>>) target_semaphore(%run_scoped3A : memref<!tpu.dma_semaphore, #tpu.memory_space<semaphore_mem>>)
      %dma_wait3A_73 = arith.constant 0 : i32
      %dma_wait3A_74 = arith.constant 0 : i32
      %dma_wait3A_75 = tpu.memref_slice %arg5[%arg1, %dma_wait3A_73, %dma_wait3A_74] : memref<16x250x80xi32, #tpu.memory_space<hbm>> -> memref<1x250x80xi32, #tpu.memory_space<hbm>>
      %dma_wait3A_76 = tpu.memref_squeeze %dma_wait3A_75 : memref<1x250x80xi32, #tpu.memory_space<hbm>> -> memref<250x80xi32, #tpu.memory_space<hbm>>
      %dma_wait3A_77 = arith.constant 0 : i32
      %dma_wait3A_78 = arith.constant 0 : i32
      %dma_wait3A_79 = tpu.memref_slice %arg5[%arg1, %dma_wait3A_77, %dma_wait3A_78] : memref<16x250x80xi32, #tpu.memory_space<hbm>> -> memref<1x250x80xi32, #tpu.memory_space<hbm>>
      %dma_wait3A_80 = tpu.memref_squeeze %dma_wait3A_79 : memref<1x250x80xi32, #tpu.memory_space<hbm>> -> memref<250x80xi32, #tpu.memory_space<hbm>>
      tpu.wait_dma2 semaphore(%run_scoped3A : memref<!tpu.dma_semaphore, #tpu.memory_space<semaphore_mem>>) src(%dma_wait3A_80 : memref<250x80xi32, #tpu.memory_space<hbm>>) dst(%arg8 : memref<250x80xi32, #tpu.memory_space<vmem>>)
      tpu.yield
    }) : () -> ()
    %dma_start3A = arith.constant 0 : i32
    %dma_start3A_9 = arith.constant 0 : i32
    %dma_start3A_10 = arith.constant 0 : i32
    %dma_start3A_11 = arith.constant 0 : i32
    %dma_start3A_12 = tpu.memref_slice %arg9[%dma_start3A_9, %dma_start3A_10, %dma_start3A_11] : memref<2x80x64xf32, #tpu.memory_space<vmem>> -> memref<1x80x64xf32, #tpu.memory_space<vmem>>
    %dma_start3A_13 = tpu.memref_squeeze %dma_start3A_12 : memref<1x80x64xf32, #tpu.memory_space<vmem>> -> memref<80x64xf32, #tpu.memory_space<vmem>>
    %dma_start3A_14 = arith.constant 0 : i32
    %dma_start3A_15 = tpu.memref_slice %arg7[%dma_start3A, %dma_start3A_14] : memref<250x80xi32, #tpu.memory_space<vmem>> -> memref<1x80xi32, #tpu.memory_space<vmem>>
    %dma_start3A_16 = tpu.memref_squeeze %dma_start3A_15 : memref<1x80xi32, #tpu.memory_space<vmem>> -> memref<80xi32, #tpu.memory_space<vmem>>
    %dma_start3A_17 = arith.constant 0 : i32
    %dma_start3A_18 = arith.constant 0 : i32
    %dma_start3A_19 = tpu.memref_slice %arg2[%dma_start3A_17, %dma_start3A_18] : memref<20000x64xf32, #tpu.memory_space<hbm>> -> memref<20000x64xf32, #tpu.memory_space<hbm>>
    tpu.enqueue_indirect_dma source(%dma_start3A_19 : memref<20000x64xf32, #tpu.memory_space<hbm>>) target(%dma_start3A_13 : memref<80x64xf32, #tpu.memory_space<vmem>>) offsets(%dma_start3A_16 : memref<80xi32, #tpu.memory_space<vmem>>) semaphore(%arg13 : memref<!tpu.dma_semaphore, #tpu.memory_space<semaphore_mem>>)
    %mul3A = arith.constant 250 : i32
    %mul3A_20 = arith.muli %arg1, %mul3A : i32
    %add3A = arith.constant 0 : i32
    %add3A_21 = arith.addi %mul3A_20, %add3A : i32
    %mul3A_22 = arith.constant 80 : i32
    %mul3A_23 = arith.muli %add3A_21, %mul3A_22 : i32
    %dma_start3A_24 = arith.constant 0 : i32
    %dma_start3A_25 = arith.constant 0 : i32
    %dma_start3A_26 = arith.constant 0 : i32
    %dma_start3A_27 = tpu.memref_slice %arg10[%dma_start3A_24, %dma_start3A_25, %dma_start3A_26] : memref<2x80x64xf32, #tpu.memory_space<vmem>> -> memref<1x80x64xf32, #tpu.memory_space<vmem>>
    %dma_start3A_28 = tpu.memref_squeeze %dma_start3A_27 : memref<1x80x64xf32, #tpu.memory_space<vmem>> -> memref<80x64xf32, #tpu.memory_space<vmem>>
    %dma_start3A_29 = arith.constant 0 : i32
    %dma_start3A_30 = tpu.memref_slice %arg3[%arg0, %mul3A_23, %dma_start3A_29] : memref<2x320000x64xf32, #tpu.memory_space<hbm>> -> memref<1x80x64xf32, #tpu.memory_space<hbm>>
    %dma_start3A_31 = tpu.memref_squeeze %dma_start3A_30 : memref<1x80x64xf32, #tpu.memory_space<hbm>> -> memref<80x64xf32, #tpu.memory_space<hbm>>
    %dma_start3A_32 = arith.constant 0 : i32
    %dma_start3A_33 = arith.constant 0 : i32
    %dma_start3A_34 = tpu.memref_slice %arg10[%dma_start3A_24, %dma_start3A_32, %dma_start3A_33] : memref<2x80x64xf32, #tpu.memory_space<vmem>> -> memref<1x80x64xf32, #tpu.memory_space<vmem>>
    %dma_start3A_35 = tpu.memref_squeeze %dma_start3A_34 : memref<1x80x64xf32, #tpu.memory_space<vmem>> -> memref<80x64xf32, #tpu.memory_space<vmem>>
    %dma_start3A_36 = arith.constant 0 : i32
    %dma_start3A_37 = tpu.memref_slice %arg3[%arg0, %mul3A_23, %dma_start3A_36] : memref<2x320000x64xf32, #tpu.memory_space<hbm>> -> memref<1x80x64xf32, #tpu.memory_space<hbm>>
    %dma_start3A_38 = tpu.memref_squeeze %dma_start3A_37 : memref<1x80x64xf32, #tpu.memory_space<hbm>> -> memref<80x64xf32, #tpu.memory_space<hbm>>
    tpu.enqueue_dma source(%dma_start3A_38 : memref<80x64xf32, #tpu.memory_space<hbm>>) target(%dma_start3A_35 : memref<80x64xf32, #tpu.memory_space<vmem>>) target_semaphore(%arg15 : memref<!tpu.dma_semaphore, #tpu.memory_space<semaphore_mem>>)
    %scan3A_39 = arith.constant 0 : i32
    %scan3A_40 = arith.constant 0 : i32
    %scan3A_41 = arith.constant 1 : i32
    %scan3A_42 = arith.constant 1 : i32
    %scan3A_43 = arith.constant 0 : i32
    %scan3A_44 = arith.constant 125 : i32
    %scan3A_45 = arith.addi %scan3A_43, %scan3A_44 : i32
    %scan3A_46 = arith.constant 1 : i32
    scf.for %scan3A_65 = %scan3A_43 to %scan3A_45 step %scan3A_46  : i32 {
      %mul3A_66 = arith.constant 1 : i32
      %mul3A_67 = arith.muli %scan3A_65, %mul3A_66 : i32
      %add3A_68 = arith.constant 0 : i32
      %add3A_69 = arith.addi %add3A_68, %mul3A_67 : i32
      %mul3A_70 = arith.constant 2 : i32
      %mul3A_71 = arith.muli %mul3A_70, %add3A_69 : i32
      %add3A_72 = arith.constant 0 : i32
      %add3A_73 = arith.addi %mul3A_71, %add3A_72 : i32
      %dma_wait3A_74 = arith.constant 0 : i32
      %dma_wait3A_75 = arith.constant 0 : i32
      %dma_wait3A_76 = tpu.memref_slice %arg9[%scan3A_39, %dma_wait3A_74, %dma_wait3A_75] : memref<2x80x64xf32, #tpu.memory_space<vmem>> -> memref<1x80x64xf32, #tpu.memory_space<vmem>>
      %dma_wait3A_77 = tpu.memref_squeeze %dma_wait3A_76 : memref<1x80x64xf32, #tpu.memory_space<vmem>> -> memref<80x64xf32, #tpu.memory_space<vmem>>
      %dma_wait3A_78 = arith.constant 0 : i32
      %dma_wait3A_79 = tpu.memref_slice %arg7[%add3A_73, %dma_wait3A_78] : memref<250x80xi32, #tpu.memory_space<vmem>> -> memref<1x80xi32, #tpu.memory_space<vmem>>
      %dma_wait3A_80 = tpu.memref_squeeze %dma_wait3A_79 : memref<1x80xi32, #tpu.memory_space<vmem>> -> memref<80xi32, #tpu.memory_space<vmem>>
      %dma_wait3A_81 = arith.constant 0 : i32
      %dma_wait3A_82 = arith.constant 0 : i32
      %dma_wait3A_83 = tpu.memref_slice %arg2[%dma_wait3A_81, %dma_wait3A_82] : memref<20000x64xf32, #tpu.memory_space<hbm>> -> memref<20000x64xf32, #tpu.memory_space<hbm>>
      tpu.wait_indirect_dma semaphore(%arg13 : memref<!tpu.dma_semaphore, #tpu.memory_space<semaphore_mem>>) src(%dma_wait3A_83 : memref<20000x64xf32, #tpu.memory_space<hbm>>) dst(%dma_wait3A_77 : memref<80x64xf32, #tpu.memory_space<vmem>>)
      %mul3A_84 = arith.constant 250 : i32
      %mul3A_85 = arith.muli %arg1, %mul3A_84 : i32
      %add3A_86 = arith.addi %mul3A_85, %add3A_73 : i32
      %mul3A_87 = arith.constant 80 : i32
      %mul3A_88 = arith.muli %add3A_86, %mul3A_87 : i32
      %dma_wait3A_89 = arith.constant 0 : i32
      %dma_wait3A_90 = arith.constant 0 : i32
      %dma_wait3A_91 = tpu.memref_slice %arg10[%scan3A_40, %dma_wait3A_89, %dma_wait3A_90] : memref<2x80x64xf32, #tpu.memory_space<vmem>> -> memref<1x80x64xf32, #tpu.memory_space<vmem>>
      %dma_wait3A_92 = tpu.memref_squeeze %dma_wait3A_91 : memref<1x80x64xf32, #tpu.memory_space<vmem>> -> memref<80x64xf32, #tpu.memory_space<vmem>>
      %dma_wait3A_93 = arith.constant 0 : i32
      %dma_wait3A_94 = tpu.memref_slice %arg3[%arg0, %mul3A_88, %dma_wait3A_93] : memref<2x320000x64xf32, #tpu.memory_space<hbm>> -> memref<1x80x64xf32, #tpu.memory_space<hbm>>
      %dma_wait3A_95 = tpu.memref_squeeze %dma_wait3A_94 : memref<1x80x64xf32, #tpu.memory_space<hbm>> -> memref<80x64xf32, #tpu.memory_space<hbm>>
      %dma_wait3A_96 = arith.constant 0 : i32
      %dma_wait3A_97 = arith.constant 0 : i32
      %dma_wait3A_98 = tpu.memref_slice %arg10[%scan3A_40, %dma_wait3A_96, %dma_wait3A_97] : memref<2x80x64xf32, #tpu.memory_space<vmem>> -> memref<1x80x64xf32, #tpu.memory_space<vmem>>
      %dma_wait3A_99 = tpu.memref_squeeze %dma_wait3A_98 : memref<1x80x64xf32, #tpu.memory_space<vmem>> -> memref<80x64xf32, #tpu.memory_space<vmem>>
      %dma_wait3A_100 = arith.constant 0 : i32
      %dma_wait3A_101 = tpu.memref_slice %arg3[%arg0, %mul3A_88, %dma_wait3A_100] : memref<2x320000x64xf32, #tpu.memory_space<hbm>> -> memref<1x80x64xf32, #tpu.memory_space<hbm>>
      %dma_wait3A_102 = tpu.memref_squeeze %dma_wait3A_101 : memref<1x80x64xf32, #tpu.memory_space<hbm>> -> memref<80x64xf32, #tpu.memory_space<hbm>>
      tpu.wait_dma2 semaphore(%arg15 : memref<!tpu.dma_semaphore, #tpu.memory_space<semaphore_mem>>) src(%dma_wait3A_102 : memref<80x64xf32, #tpu.memory_space<hbm>>) dst(%dma_wait3A_99 : memref<80x64xf32, #tpu.memory_space<vmem>>)
      %scan3A_103 = arith.constant 0 : i32
      %scan3A_104 = arith.constant 80 : i32
      %scan3A_105 = arith.addi %scan3A_103, %scan3A_104 : i32
      %scan3A_106 = arith.constant 1 : i32
      scf.for %scan3A_189 = %scan3A_103 to %scan3A_105 step %scan3A_106  : i32 {
        %mul3A_190 = arith.constant 1 : i32
        %mul3A_191 = arith.muli %scan3A_189, %mul3A_190 : i32
        %add3A_192 = arith.constant 0 : i32
        %add3A_193 = arith.addi %add3A_192, %mul3A_191 : i32
        %get3A = arith.constant 0 : i32
        %get3A_194 = arith.constant 0 : i32
        %get3A_195 = tpu.memref_slice %arg9[%scan3A_39, %get3A, %get3A_194] : memref<2x80x64xf32, #tpu.memory_space<vmem>> -> memref<1x80x64xf32, #tpu.memory_space<vmem>>
        %get3A_196 = tpu.memref_squeeze %get3A_195 : memref<1x80x64xf32, #tpu.memory_space<vmem>> -> memref<80x64xf32, #tpu.memory_space<vmem>>
        %get3A_197 = arith.index_cast %add3A_193 : i32 to index
        %get3A_198 = arith.constant 0 : index
        %get3A_199 = tpu.vector_load %get3A_196[%get3A_197, %get3A_198] {strides = array<i32>} : memref<80x64xf32, #tpu.memory_space<vmem>>, vector<1x16xf32>,
        %get3A_200 = vector.shape_cast %get3A_199 : vector<1x16xf32> to vector<16xf32>
        %get3A_201 = arith.constant 0 : i32
        %get3A_202 = arith.constant 0 : i32
        %get3A_203 = tpu.memref_slice %arg10[%scan3A_40, %get3A_201, %get3A_202] : memref<2x80x64xf32, #tpu.memory_space<vmem>> -> memref<1x80x64xf32, #tpu.memory_space<vmem>>
        %get3A_204 = tpu.memref_squeeze %get3A_203 : memref<1x80x64xf32, #tpu.memory_space<vmem>> -> memref<80x64xf32, #tpu.memory_space<vmem>>
        %get3A_205 = arith.index_cast %add3A_193 : i32 to index
        %get3A_206 = arith.constant 0 : index
        %get3A_207 = tpu.vector_load %get3A_204[%get3A_205, %get3A_206] {strides = array<i32>} : memref<80x64xf32, #tpu.memory_space<vmem>>, vector<1x16xf32>,
        %get3A_208 = vector.shape_cast %get3A_207 : vector<1x16xf32> to vector<16xf32>
        %add3A_209 = arith.addf %get3A_200, %get3A_208 : vector<16xf32>
        %max3A = arith.constant 0.000000e+00 : f32
        %max3A_210 = vector.broadcast %max3A : f32 to vector<16xf32>
        %max3A_211 = arith.maximumf %add3A_209, %max3A_210 : vector<16xf32>
        %swap3A = arith.constant 0 : i32
        %swap3A_212 = arith.constant 0 : i32
        %swap3A_213 = tpu.memref_slice %arg9[%scan3A_39, %swap3A, %swap3A_212] : memref<2x80x64xf32, #tpu.memory_space<vmem>> -> memref<1x80x64xf32, #tpu.memory_space<vmem>>
        %swap3A_214 = tpu.memref_squeeze %swap3A_213 : memref<1x80x64xf32, #tpu.memory_space<vmem>> -> memref<80x64xf32, #tpu.memory_space<vmem>>
        %swap3A_215 = arith.index_cast %add3A_193 : i32 to index
        %swap3A_216 = arith.constant 0 : index
        %swap3A_217 = tpu.vector_load %swap3A_214[%swap3A_215, %swap3A_216] {strides = array<i32>} : memref<80x64xf32, #tpu.memory_space<vmem>>, vector<1x16xf32>,
        %swap3A_218 = vector.shape_cast %swap3A_217 : vector<1x16xf32> to vector<16xf32>
        %swap3A_219 = vector.shape_cast %max3A_211 : vector<16xf32> to vector<1x16xf32>
        tpu.vector_store %swap3A_214[%swap3A_215, %swap3A_216], %swap3A_219 {strides = array<i32>} : memref<80x64xf32, #tpu.memory_space<vmem>>, vector<1x16xf32>,
        %get3A_220 = arith.constant 0 : i32
        %get3A_221 = arith.constant 0 : i32
        %get3A_222 = tpu.memref_slice %arg9[%scan3A_39, %get3A_220, %get3A_221] : memref<2x80x64xf32, #tpu.memory_space<vmem>> -> memref<1x80x64xf32, #tpu.memory_space<vmem>>
        %get3A_223 = tpu.memref_squeeze %get3A_222 : memref<1x80x64xf32, #tpu.memory_space<vmem>> -> memref<80x64xf32, #tpu.memory_space<vmem>>
        %get3A_224 = arith.index_cast %add3A_193 : i32 to index
        %get3A_225 = arith.constant 16 : index
        %get3A_226 = tpu.vector_load %get3A_223[%get3A_224, %get3A_225] {strides = array<i32>} : memref<80x64xf32, #tpu.memory_space<vmem>>, vector<1x16xf32>,
        %get3A_227 = vector.shape_cast %get3A_226 : vector<1x16xf32> to vector<16xf32>
        %get3A_228 = arith.constant 0 : i32
        %get3A_229 = arith.constant 0 : i32
        %get3A_230 = tpu.memref_slice %arg10[%scan3A_40, %get3A_228, %get3A_229] : memref<2x80x64xf32, #tpu.memory_space<vmem>> -> memref<1x80x64xf32, #tpu.memory_space<vmem>>
        %get3A_231 = tpu.memref_squeeze %get3A_230 : memref<1x80x64xf32, #tpu.memory_space<vmem>> -> memref<80x64xf32, #tpu.memory_space<vmem>>
        %get3A_232 = arith.index_cast %add3A_193 : i32 to index
        %get3A_233 = arith.constant 16 : index
        %get3A_234 = tpu.vector_load %get3A_231[%get3A_232, %get3A_233] {strides = array<i32>} : memref<80x64xf32, #tpu.memory_space<vmem>>, vector<1x16xf32>,
        %get3A_235 = vector.shape_cast %get3A_234 : vector<1x16xf32> to vector<16xf32>
        %add3A_236 = arith.addf %get3A_227, %get3A_235 : vector<16xf32>
        %max3A_237 = arith.constant 0.000000e+00 : f32
        %max3A_238 = vector.broadcast %max3A_237 : f32 to vector<16xf32>
        %max3A_239 = arith.maximumf %add3A_236, %max3A_238 : vector<16xf32>
        %swap3A_240 = arith.constant 0 : i32
        %swap3A_241 = arith.constant 0 : i32
        %swap3A_242 = tpu.memref_slice %arg9[%scan3A_39, %swap3A_240, %swap3A_241] : memref<2x80x64xf32, #tpu.memory_space<vmem>> -> memref<1x80x64xf32, #tpu.memory_space<vmem>>
        %swap3A_243 = tpu.memref_squeeze %swap3A_242 : memref<1x80x64xf32, #tpu.memory_space<vmem>> -> memref<80x64xf32, #tpu.memory_space<vmem>>
        %swap3A_244 = arith.index_cast %add3A_193 : i32 to index
        %swap3A_245 = arith.constant 16 : index
        %swap3A_246 = tpu.vector_load %swap3A_243[%swap3A_244, %swap3A_245] {strides = array<i32>} : memref<80x64xf32, #tpu.memory_space<vmem>>, vector<1x16xf32>,
        %swap3A_247 = vector.shape_cast %swap3A_246 : vector<1x16xf32> to vector<16xf32>
        %swap3A_248 = vector.shape_cast %max3A_239 : vector<16xf32> to vector<1x16xf32>
        tpu.vector_store %swap3A_243[%swap3A_244, %swap3A_245], %swap3A_248 {strides = array<i32>} : memref<80x64xf32, #tpu.memory_space<vmem>>, vector<1x16xf32>,
        %get3A_249 = arith.constant 0 : i32
        %get3A_250 = arith.constant 0 : i32
        %get3A_251 = tpu.memref_slice %arg9[%scan3A_39, %get3A_249, %get3A_250] : memref<2x80x64xf32, #tpu.memory_space<vmem>> -> memref<1x80x64xf32, #tpu.memory_space<vmem>>
        %get3A_252 = tpu.memref_squeeze %get3A_251 : memref<1x80x64xf32, #tpu.memory_space<vmem>> -> memref<80x64xf32, #tpu.memory_space<vmem>>
        %get3A_253 = arith.index_cast %add3A_193 : i32 to index
        %get3A_254 = arith.constant 32 : index
        %get3A_255 = tpu.vector_load %get3A_252[%get3A_253, %get3A_254] {strides = array<i32>} : memref<80x64xf32, #tpu.memory_space<vmem>>, vector<1x16xf32>,
        %get3A_256 = vector.shape_cast %get3A_255 : vector<1x16xf32> to vector<16xf32>
        %get3A_257 = arith.constant 0 : i32
        %get3A_258 = arith.constant 0 : i32
        %get3A_259 = tpu.memref_slice %arg10[%scan3A_40, %get3A_257, %get3A_258] : memref<2x80x64xf32, #tpu.memory_space<vmem>> -> memref<1x80x64xf32, #tpu.memory_space<vmem>>
        %get3A_260 = tpu.memref_squeeze %get3A_259 : memref<1x80x64xf32, #tpu.memory_space<vmem>> -> memref<80x64xf32, #tpu.memory_space<vmem>>
        %get3A_261 = arith.index_cast %add3A_193 : i32 to index
        %get3A_262 = arith.constant 32 : index
        %get3A_263 = tpu.vector_load %get3A_260[%get3A_261, %get3A_262] {strides = array<i32>} : memref<80x64xf32, #tpu.memory_space<vmem>>, vector<1x16xf32>,
        %get3A_264 = vector.shape_cast %get3A_263 : vector<1x16xf32> to vector<16xf32>
        %add3A_265 = arith.addf %get3A_256, %get3A_264 : vector<16xf32>
        %max3A_266 = arith.constant 0.000000e+00 : f32
        %max3A_267 = vector.broadcast %max3A_266 : f32 to vector<16xf32>
        %max3A_268 = arith.maximumf %add3A_265, %max3A_267 : vector<16xf32>
        %swap3A_269 = arith.constant 0 : i32
        %swap3A_270 = arith.constant 0 : i32
        %swap3A_271 = tpu.memref_slice %arg9[%scan3A_39, %swap3A_269, %swap3A_270] : memref<2x80x64xf32, #tpu.memory_space<vmem>> -> memref<1x80x64xf32, #tpu.memory_space<vmem>>
        %swap3A_272 = tpu.memref_squeeze %swap3A_271 : memref<1x80x64xf32, #tpu.memory_space<vmem>> -> memref<80x64xf32, #tpu.memory_space<vmem>>
        %swap3A_273 = arith.index_cast %add3A_193 : i32 to index
        %swap3A_274 = arith.constant 32 : index
        %swap3A_275 = tpu.vector_load %swap3A_272[%swap3A_273, %swap3A_274] {strides = array<i32>} : memref<80x64xf32, #tpu.memory_space<vmem>>, vector<1x16xf32>,
        %swap3A_276 = vector.shape_cast %swap3A_275 : vector<1x16xf32> to vector<16xf32>
        %swap3A_277 = vector.shape_cast %max3A_268 : vector<16xf32> to vector<1x16xf32>
        tpu.vector_store %swap3A_272[%swap3A_273, %swap3A_274], %swap3A_277 {strides = array<i32>} : memref<80x64xf32, #tpu.memory_space<vmem>>, vector<1x16xf32>,
        %get3A_278 = arith.constant 0 : i32
        %get3A_279 = arith.constant 0 : i32
        %get3A_280 = tpu.memref_slice %arg9[%scan3A_39, %get3A_278, %get3A_279] : memref<2x80x64xf32, #tpu.memory_space<vmem>> -> memref<1x80x64xf32, #tpu.memory_space<vmem>>
        %get3A_281 = tpu.memref_squeeze %get3A_280 : memref<1x80x64xf32, #tpu.memory_space<vmem>> -> memref<80x64xf32, #tpu.memory_space<vmem>>
        %get3A_282 = arith.index_cast %add3A_193 : i32 to index
        %get3A_283 = arith.constant 48 : index
        %get3A_284 = tpu.vector_load %get3A_281[%get3A_282, %get3A_283] {strides = array<i32>} : memref<80x64xf32, #tpu.memory_space<vmem>>, vector<1x16xf32>,
        %get3A_285 = vector.shape_cast %get3A_284 : vector<1x16xf32> to vector<16xf32>
        %get3A_286 = arith.constant 0 : i32
        %get3A_287 = arith.constant 0 : i32
        %get3A_288 = tpu.memref_slice %arg10[%scan3A_40, %get3A_286, %get3A_287] : memref<2x80x64xf32, #tpu.memory_space<vmem>> -> memref<1x80x64xf32, #tpu.memory_space<vmem>>
        %get3A_289 = tpu.memref_squeeze %get3A_288 : memref<1x80x64xf32, #tpu.memory_space<vmem>> -> memref<80x64xf32, #tpu.memory_space<vmem>>
        %get3A_290 = arith.index_cast %add3A_193 : i32 to index
        %get3A_291 = arith.constant 48 : index
        %get3A_292 = tpu.vector_load %get3A_289[%get3A_290, %get3A_291] {strides = array<i32>} : memref<80x64xf32, #tpu.memory_space<vmem>>, vector<1x16xf32>,
        %get3A_293 = vector.shape_cast %get3A_292 : vector<1x16xf32> to vector<16xf32>
        %add3A_294 = arith.addf %get3A_285, %get3A_293 : vector<16xf32>
        %max3A_295 = arith.constant 0.000000e+00 : f32
        %max3A_296 = vector.broadcast %max3A_295 : f32 to vector<16xf32>
        %max3A_297 = arith.maximumf %add3A_294, %max3A_296 : vector<16xf32>
        %swap3A_298 = arith.constant 0 : i32
        %swap3A_299 = arith.constant 0 : i32
        %swap3A_300 = tpu.memref_slice %arg9[%scan3A_39, %swap3A_298, %swap3A_299] : memref<2x80x64xf32, #tpu.memory_space<vmem>> -> memref<1x80x64xf32, #tpu.memory_space<vmem>>
        %swap3A_301 = tpu.memref_squeeze %swap3A_300 : memref<1x80x64xf32, #tpu.memory_space<vmem>> -> memref<80x64xf32, #tpu.memory_space<vmem>>
        %swap3A_302 = arith.index_cast %add3A_193 : i32 to index
        %swap3A_303 = arith.constant 48 : index
        %swap3A_304 = tpu.vector_load %swap3A_301[%swap3A_302, %swap3A_303] {strides = array<i32>} : memref<80x64xf32, #tpu.memory_space<vmem>>, vector<1x16xf32>,
        %swap3A_305 = vector.shape_cast %swap3A_304 : vector<1x16xf32> to vector<16xf32>
        %swap3A_306 = vector.shape_cast %max3A_297 : vector<16xf32> to vector<1x16xf32>
        tpu.vector_store %swap3A_301[%swap3A_302, %swap3A_303], %swap3A_306 {strides = array<i32>} : memref<80x64xf32, #tpu.memory_space<vmem>>, vector<1x16xf32>,
      }
      %scan3A_107 = arith.constant 80 : i32
      %ge3A = arith.constant 1 : i32
      %ge3A_108 = arith.cmpi sge, %add3A_73, %ge3A : i32
      %convert_element_type3A = arith.extui %ge3A_108 : i1 to i32
      %cond3A = arith.constant 0 : i32
      %cond3A_109 = arith.cmpi ne, %convert_element_type3A, %cond3A : i32
      scf.if %cond3A_109 {
        %sub3A_189 = arith.constant 1 : i32
        %sub3A_190 = arith.subi %add3A_73, %sub3A_189 : i32
        %dma_wait3A_191 = arith.constant 0 : i32
        %dma_wait3A_192 = arith.constant 0 : i32
        %dma_wait3A_193 = tpu.memref_slice %arg9[%scan3A_41, %dma_wait3A_191, %dma_wait3A_192] : memref<2x80x64xf32, #tpu.memory_space<vmem>> -> memref<1x80x64xf32, #tpu.memory_space<vmem>>
        %dma_wait3A_194 = tpu.memref_squeeze %dma_wait3A_193 : memref<1x80x64xf32, #tpu.memory_space<vmem>> -> memref<80x64xf32, #tpu.memory_space<vmem>>
        %dma_wait3A_195 = arith.constant 0 : i32
        %dma_wait3A_196 = tpu.memref_slice %arg8[%sub3A_190, %dma_wait3A_195] : memref<250x80xi32, #tpu.memory_space<vmem>> -> memref<1x80xi32, #tpu.memory_space<vmem>>
        %dma_wait3A_197 = tpu.memref_squeeze %dma_wait3A_196 : memref<1x80xi32, #tpu.memory_space<vmem>> -> memref<80xi32, #tpu.memory_space<vmem>>
        %dma_wait3A_198 = arith.constant 0 : i32
        %dma_wait3A_199 = arith.constant 0 : i32
        %dma_wait3A_200 = tpu.memref_slice %arg12[%dma_wait3A_198, %dma_wait3A_199] : memref<10240x64xf32, #tpu.memory_space<vmem_shared>> -> memref<10240x64xf32, #tpu.memory_space<vmem_shared>>
        tpu.wait_indirect_dma semaphore(%arg18 : memref<!tpu.dma_semaphore, #tpu.memory_space<semaphore_mem>>) src(%dma_wait3A_194 : memref<80x64xf32, #tpu.memory_space<vmem>>) dst(%dma_wait3A_200 : memref<10240x64xf32, #tpu.memory_space<vmem_shared>>)
      } else {
      }
      %dma_start3A_110 = arith.constant 0 : i32
      %dma_start3A_111 = arith.constant 0 : i32
      %dma_start3A_112 = tpu.memref_slice %arg9[%scan3A_39, %dma_start3A_110, %dma_start3A_111] : memref<2x80x64xf32, #tpu.memory_space<vmem>> -> memref<1x80x64xf32, #tpu.memory_space<vmem>>
      %dma_start3A_113 = tpu.memref_squeeze %dma_start3A_112 : memref<1x80x64xf32, #tpu.memory_space<vmem>> -> memref<80x64xf32, #tpu.memory_space<vmem>>
      %dma_start3A_114 = arith.constant 0 : i32
      %dma_start3A_115 = tpu.memref_slice %arg8[%add3A_73, %dma_start3A_114] : memref<250x80xi32, #tpu.memory_space<vmem>> -> memref<1x80xi32, #tpu.memory_space<vmem>>
      %dma_start3A_116 = tpu.memref_squeeze %dma_start3A_115 : memref<1x80xi32, #tpu.memory_space<vmem>> -> memref<80xi32, #tpu.memory_space<vmem>>
      %dma_start3A_117 = arith.constant 0 : i32
      %dma_start3A_118 = arith.constant 0 : i32
      %dma_start3A_119 = tpu.memref_slice %arg12[%dma_start3A_117, %dma_start3A_118] : memref<10240x64xf32, #tpu.memory_space<vmem_shared>> -> memref<10240x64xf32, #tpu.memory_space<vmem_shared>>
      tpu.enqueue_indirect_dma source(%dma_start3A_113 : memref<80x64xf32, #tpu.memory_space<vmem>>) target(%dma_start3A_119 : memref<10240x64xf32, #tpu.memory_space<vmem_shared>>) offsets(%dma_start3A_116 : memref<80xi32, #tpu.memory_space<vmem>>) semaphore(%arg17 : memref<!tpu.dma_semaphore, #tpu.memory_space<semaphore_mem>>) {add = true}
      %add3A_120 = arith.constant 2 : i32
      %add3A_121 = arith.addi %add3A_73, %add3A_120 : i32
      %sub3A = arith.constant 1 : i32
      %sub3A_122 = arith.subi %add3A_121, %sub3A : i32
      %lt3A = arith.constant 250 : i32
      %lt3A_123 = arith.cmpi slt, %sub3A_122, %lt3A : i32
      %convert_element_type3A_124 = arith.extui %lt3A_123 : i1 to i32
      %cond3A_125 = arith.constant 0 : i32
      %cond3A_126 = arith.cmpi ne, %convert_element_type3A_124, %cond3A_125 : i32
      scf.if %cond3A_126 {
        %add3A_189 = arith.constant 2 : i32
        %add3A_190 = arith.addi %add3A_73, %add3A_189 : i32
        %sub3A_191 = arith.constant 1 : i32
        %sub3A_192 = arith.subi %add3A_190, %sub3A_191 : i32
        %dma_start3A_193 = arith.constant 0 : i32
        %dma_start3A_194 = arith.constant 0 : i32
        %dma_start3A_195 = tpu.memref_slice %arg9[%scan3A_41, %dma_start3A_193, %dma_start3A_194] : memref<2x80x64xf32, #tpu.memory_space<vmem>> -> memref<1x80x64xf32, #tpu.memory_space<vmem>>
        %dma_start3A_196 = tpu.memref_squeeze %dma_start3A_195 : memref<1x80x64xf32, #tpu.memory_space<vmem>> -> memref<80x64xf32, #tpu.memory_space<vmem>>
        %dma_start3A_197 = arith.constant 0 : i32
        %dma_start3A_198 = tpu.memref_slice %arg7[%sub3A_192, %dma_start3A_197] : memref<250x80xi32, #tpu.memory_space<vmem>> -> memref<1x80xi32, #tpu.memory_space<vmem>>
        %dma_start3A_199 = tpu.memref_squeeze %dma_start3A_198 : memref<1x80xi32, #tpu.memory_space<vmem>> -> memref<80xi32, #tpu.memory_space<vmem>>
        %dma_start3A_200 = arith.constant 0 : i32
        %dma_start3A_201 = arith.constant 0 : i32
        %dma_start3A_202 = tpu.memref_slice %arg2[%dma_start3A_200, %dma_start3A_201] : memref<20000x64xf32, #tpu.memory_space<hbm>> -> memref<20000x64xf32, #tpu.memory_space<hbm>>
        tpu.enqueue_indirect_dma source(%dma_start3A_202 : memref<20000x64xf32, #tpu.memory_space<hbm>>) target(%dma_start3A_196 : memref<80x64xf32, #tpu.memory_space<vmem>>) offsets(%dma_start3A_199 : memref<80xi32, #tpu.memory_space<vmem>>) semaphore(%arg14 : memref<!tpu.dma_semaphore, #tpu.memory_space<semaphore_mem>>)
        %add3A_203 = arith.constant 2 : i32
        %add3A_204 = arith.addi %add3A_73, %add3A_203 : i32
        %sub3A_205 = arith.constant 1 : i32
        %sub3A_206 = arith.subi %add3A_204, %sub3A_205 : i32
        %mul3A_207 = arith.constant 250 : i32
        %mul3A_208 = arith.muli %arg1, %mul3A_207 : i32
        %add3A_209 = arith.addi %mul3A_208, %sub3A_206 : i32
        %mul3A_210 = arith.constant 80 : i32
        %mul3A_211 = arith.muli %add3A_209, %mul3A_210 : i32
        %dma_start3A_212 = arith.constant 0 : i32
        %dma_start3A_213 = arith.constant 0 : i32
        %dma_start3A_214 = tpu.memref_slice %arg10[%scan3A_42, %dma_start3A_212, %dma_start3A_213] : memref<2x80x64xf32, #tpu.memory_space<vmem>> -> memref<1x80x64xf32, #tpu.memory_space<vmem>>
        %dma_start3A_215 = tpu.memref_squeeze %dma_start3A_214 : memref<1x80x64xf32, #tpu.memory_space<vmem>> -> memref<80x64xf32, #tpu.memory_space<vmem>>
        %dma_start3A_216 = arith.constant 0 : i32
        %dma_start3A_217 = tpu.memref_slice %arg3[%arg0, %mul3A_211, %dma_start3A_216] : memref<2x320000x64xf32, #tpu.memory_space<hbm>> -> memref<1x80x64xf32, #tpu.memory_space<hbm>>
        %dma_start3A_218 = tpu.memref_squeeze %dma_start3A_217 : memref<1x80x64xf32, #tpu.memory_space<hbm>> -> memref<80x64xf32, #tpu.memory_space<hbm>>
        %dma_start3A_219 = arith.constant 0 : i32
        %dma_start3A_220 = arith.constant 0 : i32
        %dma_start3A_221 = tpu.memref_slice %arg10[%scan3A_42, %dma_start3A_219, %dma_start3A_220] : memref<2x80x64xf32, #tpu.memory_space<vmem>> -> memref<1x80x64xf32, #tpu.memory_space<vmem>>
        %dma_start3A_222 = tpu.memref_squeeze %dma_start3A_221 : memref<1x80x64xf32, #tpu.memory_space<vmem>> -> memref<80x64xf32, #tpu.memory_space<vmem>>
        %dma_start3A_223 = arith.constant 0 : i32
        %dma_start3A_224 = tpu.memref_slice %arg3[%arg0, %mul3A_211, %dma_start3A_223] : memref<2x320000x64xf32, #tpu.memory_space<hbm>> -> memref<1x80x64xf32, #tpu.memory_space<hbm>>
        %dma_start3A_225 = tpu.memref_squeeze %dma_start3A_224 : memref<1x80x64xf32, #tpu.memory_space<hbm>> -> memref<80x64xf32, #tpu.memory_space<hbm>>
        tpu.enqueue_dma source(%dma_start3A_225 : memref<80x64xf32, #tpu.memory_space<hbm>>) target(%dma_start3A_222 : memref<80x64xf32, #tpu.memory_space<vmem>>) target_semaphore(%arg16 : memref<!tpu.dma_semaphore, #tpu.memory_space<semaphore_mem>>)
      } else {
      }
      %mul3A_127 = arith.constant 2 : i32
      %mul3A_128 = arith.muli %mul3A_127, %add3A_69 : i32
      %add3A_129 = arith.constant 1 : i32
      %add3A_130 = arith.addi %mul3A_128, %add3A_129 : i32
      %dma_wait3A_131 = arith.constant 0 : i32
      %dma_wait3A_132 = arith.constant 0 : i32
      %dma_wait3A_133 = tpu.memref_slice %arg9[%scan3A_41, %dma_wait3A_131, %dma_wait3A_132] : memref<2x80x64xf32, #tpu.memory_space<vmem>> -> memref<1x80x64xf32, #tpu.memory_space<vmem>>
      %dma_wait3A_134 = tpu.memref_squeeze %dma_wait3A_133 : memref<1x80x64xf32, #tpu.memory_space<vmem>> -> memref<80x64xf32, #tpu.memory_space<vmem>>
      %dma_wait3A_135 = arith.constant 0 : i32
      %dma_wait3A_136 = tpu.memref_slice %arg7[%add3A_130, %dma_wait3A_135] : memref<250x80xi32, #tpu.memory_space<vmem>> -> memref<1x80xi32, #tpu.memory_space<vmem>>
      %dma_wait3A_137 = tpu.memref_squeeze %dma_wait3A_136 : memref<1x80xi32, #tpu.memory_space<vmem>> -> memref<80xi32, #tpu.memory_space<vmem>>
      %dma_wait3A_138 = arith.constant 0 : i32
      %dma_wait3A_139 = arith.constant 0 : i32
      %dma_wait3A_140 = tpu.memref_slice %arg2[%dma_wait3A_138, %dma_wait3A_139] : memref<20000x64xf32, #tpu.memory_space<hbm>> -> memref<20000x64xf32, #tpu.memory_space<hbm>>
      tpu.wait_indirect_dma semaphore(%arg14 : memref<!tpu.dma_semaphore, #tpu.memory_space<semaphore_mem>>) src(%dma_wait3A_140 : memref<20000x64xf32, #tpu.memory_space<hbm>>) dst(%dma_wait3A_134 : memref<80x64xf32, #tpu.memory_space<vmem>>)
      %mul3A_141 = arith.constant 250 : i32
      %mul3A_142 = arith.muli %arg1, %mul3A_141 : i32
      %add3A_143 = arith.addi %mul3A_142, %add3A_130 : i32
      %mul3A_144 = arith.constant 80 : i32
      %mul3A_145 = arith.muli %add3A_143, %mul3A_144 : i32
      %dma_wait3A_146 = arith.constant 0 : i32
      %dma_wait3A_147 = arith.constant 0 : i32
      %dma_wait3A_148 = tpu.memref_slice %arg10[%scan3A_42, %dma_wait3A_146, %dma_wait3A_147] : memref<2x80x64xf32, #tpu.memory_space<vmem>> -> memref<1x80x64xf32, #tpu.memory_space<vmem>>
      %dma_wait3A_149 = tpu.memref_squeeze %dma_wait3A_148 : memref<1x80x64xf32, #tpu.memory_space<vmem>> -> memref<80x64xf32, #tpu.memory_space<vmem>>
      %dma_wait3A_150 = arith.constant 0 : i32
      %dma_wait3A_151 = tpu.memref_slice %arg3[%arg0, %mul3A_145, %dma_wait3A_150] : memref<2x320000x64xf32, #tpu.memory_space<hbm>> -> memref<1x80x64xf32, #tpu.memory_space<hbm>>
      %dma_wait3A_152 = tpu.memref_squeeze %dma_wait3A_151 : memref<1x80x64xf32, #tpu.memory_space<hbm>> -> memref<80x64xf32, #tpu.memory_space<hbm>>
      %dma_wait3A_153 = arith.constant 0 : i32
      %dma_wait3A_154 = arith.constant 0 : i32
      %dma_wait3A_155 = tpu.memref_slice %arg10[%scan3A_42, %dma_wait3A_153, %dma_wait3A_154] : memref<2x80x64xf32, #tpu.memory_space<vmem>> -> memref<1x80x64xf32, #tpu.memory_space<vmem>>
      %dma_wait3A_156 = tpu.memref_squeeze %dma_wait3A_155 : memref<1x80x64xf32, #tpu.memory_space<vmem>> -> memref<80x64xf32, #tpu.memory_space<vmem>>
      %dma_wait3A_157 = arith.constant 0 : i32
      %dma_wait3A_158 = tpu.memref_slice %arg3[%arg0, %mul3A_145, %dma_wait3A_157] : memref<2x320000x64xf32, #tpu.memory_space<hbm>> -> memref<1x80x64xf32, #tpu.memory_space<hbm>>
      %dma_wait3A_159 = tpu.memref_squeeze %dma_wait3A_158 : memref<1x80x64xf32, #tpu.memory_space<hbm>> -> memref<80x64xf32, #tpu.memory_space<hbm>>
      tpu.wait_dma2 semaphore(%arg16 : memref<!tpu.dma_semaphore, #tpu.memory_space<semaphore_mem>>) src(%dma_wait3A_159 : memref<80x64xf32, #tpu.memory_space<hbm>>) dst(%dma_wait3A_156 : memref<80x64xf32, #tpu.memory_space<vmem>>)
      %scan3A_160 = arith.constant 0 : i32
      %scan3A_161 = arith.constant 80 : i32
      %scan3A_162 = arith.addi %scan3A_160, %scan3A_161 : i32
      %scan3A_163 = arith.constant 1 : i32
      scf.for %scan3A_189 = %scan3A_160 to %scan3A_162 step %scan3A_163  : i32 {
        %mul3A_190 = arith.constant 1 : i32
        %mul3A_191 = arith.muli %scan3A_189, %mul3A_190 : i32
        %add3A_192 = arith.constant 0 : i32
        %add3A_193 = arith.addi %add3A_192, %mul3A_191 : i32
        %get3A = arith.constant 0 : i32
        %get3A_194 = arith.constant 0 : i32
        %get3A_195 = tpu.memref_slice %arg9[%scan3A_41, %get3A, %get3A_194] : memref<2x80x64xf32, #tpu.memory_space<vmem>> -> memref<1x80x64xf32, #tpu.memory_space<vmem>>
        %get3A_196 = tpu.memref_squeeze %get3A_195 : memref<1x80x64xf32, #tpu.memory_space<vmem>> -> memref<80x64xf32, #tpu.memory_space<vmem>>
        %get3A_197 = arith.index_cast %add3A_193 : i32 to index
        %get3A_198 = arith.constant 0 : index
        %get3A_199 = tpu.vector_load %get3A_196[%get3A_197, %get3A_198] {strides = array<i32>} : memref<80x64xf32, #tpu.memory_space<vmem>>, vector<1x16xf32>,
        %get3A_200 = vector.shape_cast %get3A_199 : vector<1x16xf32> to vector<16xf32>
        %get3A_201 = arith.constant 0 : i32
        %get3A_202 = arith.constant 0 : i32
        %get3A_203 = tpu.memref_slice %arg10[%scan3A_42, %get3A_201, %get3A_202] : memref<2x80x64xf32, #tpu.memory_space<vmem>> -> memref<1x80x64xf32, #tpu.memory_space<vmem>>
        %get3A_204 = tpu.memref_squeeze %get3A_203 : memref<1x80x64xf32, #tpu.memory_space<vmem>> -> memref<80x64xf32, #tpu.memory_space<vmem>>
        %get3A_205 = arith.index_cast %add3A_193 : i32 to index
        %get3A_206 = arith.constant 0 : index
        %get3A_207 = tpu.vector_load %get3A_204[%get3A_205, %get3A_206] {strides = array<i32>} : memref<80x64xf32, #tpu.memory_space<vmem>>, vector<1x16xf32>,
        %get3A_208 = vector.shape_cast %get3A_207 : vector<1x16xf32> to vector<16xf32>
        %add3A_209 = arith.addf %get3A_200, %get3A_208 : vector<16xf32>
        %max3A = arith.constant 0.000000e+00 : f32
        %max3A_210 = vector.broadcast %max3A : f32 to vector<16xf32>
        %max3A_211 = arith.maximumf %add3A_209, %max3A_210 : vector<16xf32>
        %swap3A = arith.constant 0 : i32
        %swap3A_212 = arith.constant 0 : i32
        %swap3A_213 = tpu.memref_slice %arg9[%scan3A_41, %swap3A, %swap3A_212] : memref<2x80x64xf32, #tpu.memory_space<vmem>> -> memref<1x80x64xf32, #tpu.memory_space<vmem>>
        %swap3A_214 = tpu.memref_squeeze %swap3A_213 : memref<1x80x64xf32, #tpu.memory_space<vmem>> -> memref<80x64xf32, #tpu.memory_space<vmem>>
        %swap3A_215 = arith.index_cast %add3A_193 : i32 to index
        %swap3A_216 = arith.constant 0 : index
        %swap3A_217 = tpu.vector_load %swap3A_214[%swap3A_215, %swap3A_216] {strides = array<i32>} : memref<80x64xf32, #tpu.memory_space<vmem>>, vector<1x16xf32>,
        %swap3A_218 = vector.shape_cast %swap3A_217 : vector<1x16xf32> to vector<16xf32>
        %swap3A_219 = vector.shape_cast %max3A_211 : vector<16xf32> to vector<1x16xf32>
        tpu.vector_store %swap3A_214[%swap3A_215, %swap3A_216], %swap3A_219 {strides = array<i32>} : memref<80x64xf32, #tpu.memory_space<vmem>>, vector<1x16xf32>,
        %get3A_220 = arith.constant 0 : i32
        %get3A_221 = arith.constant 0 : i32
        %get3A_222 = tpu.memref_slice %arg9[%scan3A_41, %get3A_220, %get3A_221] : memref<2x80x64xf32, #tpu.memory_space<vmem>> -> memref<1x80x64xf32, #tpu.memory_space<vmem>>
        %get3A_223 = tpu.memref_squeeze %get3A_222 : memref<1x80x64xf32, #tpu.memory_space<vmem>> -> memref<80x64xf32, #tpu.memory_space<vmem>>
        %get3A_224 = arith.index_cast %add3A_193 : i32 to index
        %get3A_225 = arith.constant 16 : index
        %get3A_226 = tpu.vector_load %get3A_223[%get3A_224, %get3A_225] {strides = array<i32>} : memref<80x64xf32, #tpu.memory_space<vmem>>, vector<1x16xf32>,
        %get3A_227 = vector.shape_cast %get3A_226 : vector<1x16xf32> to vector<16xf32>
        %get3A_228 = arith.constant 0 : i32
        %get3A_229 = arith.constant 0 : i32
        %get3A_230 = tpu.memref_slice %arg10[%scan3A_42, %get3A_228, %get3A_229] : memref<2x80x64xf32, #tpu.memory_space<vmem>> -> memref<1x80x64xf32, #tpu.memory_space<vmem>>
        %get3A_231 = tpu.memref_squeeze %get3A_230 : memref<1x80x64xf32, #tpu.memory_space<vmem>> -> memref<80x64xf32, #tpu.memory_space<vmem>>
        %get3A_232 = arith.index_cast %add3A_193 : i32 to index
        %get3A_233 = arith.constant 16 : index
        %get3A_234 = tpu.vector_load %get3A_231[%get3A_232, %get3A_233] {strides = array<i32>} : memref<80x64xf32, #tpu.memory_space<vmem>>, vector<1x16xf32>,
        %get3A_235 = vector.shape_cast %get3A_234 : vector<1x16xf32> to vector<16xf32>
        %add3A_236 = arith.addf %get3A_227, %get3A_235 : vector<16xf32>
        %max3A_237 = arith.constant 0.000000e+00 : f32
        %max3A_238 = vector.broadcast %max3A_237 : f32 to vector<16xf32>
        %max3A_239 = arith.maximumf %add3A_236, %max3A_238 : vector<16xf32>
        %swap3A_240 = arith.constant 0 : i32
        %swap3A_241 = arith.constant 0 : i32
        %swap3A_242 = tpu.memref_slice %arg9[%scan3A_41, %swap3A_240, %swap3A_241] : memref<2x80x64xf32, #tpu.memory_space<vmem>> -> memref<1x80x64xf32, #tpu.memory_space<vmem>>
        %swap3A_243 = tpu.memref_squeeze %swap3A_242 : memref<1x80x64xf32, #tpu.memory_space<vmem>> -> memref<80x64xf32, #tpu.memory_space<vmem>>
        %swap3A_244 = arith.index_cast %add3A_193 : i32 to index
        %swap3A_245 = arith.constant 16 : index
        %swap3A_246 = tpu.vector_load %swap3A_243[%swap3A_244, %swap3A_245] {strides = array<i32>} : memref<80x64xf32, #tpu.memory_space<vmem>>, vector<1x16xf32>,
        %swap3A_247 = vector.shape_cast %swap3A_246 : vector<1x16xf32> to vector<16xf32>
        %swap3A_248 = vector.shape_cast %max3A_239 : vector<16xf32> to vector<1x16xf32>
        tpu.vector_store %swap3A_243[%swap3A_244, %swap3A_245], %swap3A_248 {strides = array<i32>} : memref<80x64xf32, #tpu.memory_space<vmem>>, vector<1x16xf32>,
        %get3A_249 = arith.constant 0 : i32
        %get3A_250 = arith.constant 0 : i32
        %get3A_251 = tpu.memref_slice %arg9[%scan3A_41, %get3A_249, %get3A_250] : memref<2x80x64xf32, #tpu.memory_space<vmem>> -> memref<1x80x64xf32, #tpu.memory_space<vmem>>
        %get3A_252 = tpu.memref_squeeze %get3A_251 : memref<1x80x64xf32, #tpu.memory_space<vmem>> -> memref<80x64xf32, #tpu.memory_space<vmem>>
        %get3A_253 = arith.index_cast %add3A_193 : i32 to index
        %get3A_254 = arith.constant 32 : index
        %get3A_255 = tpu.vector_load %get3A_252[%get3A_253, %get3A_254] {strides = array<i32>} : memref<80x64xf32, #tpu.memory_space<vmem>>, vector<1x16xf32>,
        %get3A_256 = vector.shape_cast %get3A_255 : vector<1x16xf32> to vector<16xf32>
        %get3A_257 = arith.constant 0 : i32
        %get3A_258 = arith.constant 0 : i32
        %get3A_259 = tpu.memref_slice %arg10[%scan3A_42, %get3A_257, %get3A_258] : memref<2x80x64xf32, #tpu.memory_space<vmem>> -> memref<1x80x64xf32, #tpu.memory_space<vmem>>
        %get3A_260 = tpu.memref_squeeze %get3A_259 : memref<1x80x64xf32, #tpu.memory_space<vmem>> -> memref<80x64xf32, #tpu.memory_space<vmem>>
        %get3A_261 = arith.index_cast %add3A_193 : i32 to index
        %get3A_262 = arith.constant 32 : index
        %get3A_263 = tpu.vector_load %get3A_260[%get3A_261, %get3A_262] {strides = array<i32>} : memref<80x64xf32, #tpu.memory_space<vmem>>, vector<1x16xf32>,
        %get3A_264 = vector.shape_cast %get3A_263 : vector<1x16xf32> to vector<16xf32>
        %add3A_265 = arith.addf %get3A_256, %get3A_264 : vector<16xf32>
        %max3A_266 = arith.constant 0.000000e+00 : f32
        %max3A_267 = vector.broadcast %max3A_266 : f32 to vector<16xf32>
        %max3A_268 = arith.maximumf %add3A_265, %max3A_267 : vector<16xf32>
        %swap3A_269 = arith.constant 0 : i32
        %swap3A_270 = arith.constant 0 : i32
        %swap3A_271 = tpu.memref_slice %arg9[%scan3A_41, %swap3A_269, %swap3A_270] : memref<2x80x64xf32, #tpu.memory_space<vmem>> -> memref<1x80x64xf32, #tpu.memory_space<vmem>>
        %swap3A_272 = tpu.memref_squeeze %swap3A_271 : memref<1x80x64xf32, #tpu.memory_space<vmem>> -> memref<80x64xf32, #tpu.memory_space<vmem>>
        %swap3A_273 = arith.index_cast %add3A_193 : i32 to index
        %swap3A_274 = arith.constant 32 : index
        %swap3A_275 = tpu.vector_load %swap3A_272[%swap3A_273, %swap3A_274] {strides = array<i32>} : memref<80x64xf32, #tpu.memory_space<vmem>>, vector<1x16xf32>,
        %swap3A_276 = vector.shape_cast %swap3A_275 : vector<1x16xf32> to vector<16xf32>
        %swap3A_277 = vector.shape_cast %max3A_268 : vector<16xf32> to vector<1x16xf32>
        tpu.vector_store %swap3A_272[%swap3A_273, %swap3A_274], %swap3A_277 {strides = array<i32>} : memref<80x64xf32, #tpu.memory_space<vmem>>, vector<1x16xf32>,
        %get3A_278 = arith.constant 0 : i32
        %get3A_279 = arith.constant 0 : i32
        %get3A_280 = tpu.memref_slice %arg9[%scan3A_41, %get3A_278, %get3A_279] : memref<2x80x64xf32, #tpu.memory_space<vmem>> -> memref<1x80x64xf32, #tpu.memory_space<vmem>>
        %get3A_281 = tpu.memref_squeeze %get3A_280 : memref<1x80x64xf32, #tpu.memory_space<vmem>> -> memref<80x64xf32, #tpu.memory_space<vmem>>
        %get3A_282 = arith.index_cast %add3A_193 : i32 to index
        %get3A_283 = arith.constant 48 : index
        %get3A_284 = tpu.vector_load %get3A_281[%get3A_282, %get3A_283] {strides = array<i32>} : memref<80x64xf32, #tpu.memory_space<vmem>>, vector<1x16xf32>,
        %get3A_285 = vector.shape_cast %get3A_284 : vector<1x16xf32> to vector<16xf32>
        %get3A_286 = arith.constant 0 : i32
        %get3A_287 = arith.constant 0 : i32
        %get3A_288 = tpu.memref_slice %arg10[%scan3A_42, %get3A_286, %get3A_287] : memref<2x80x64xf32, #tpu.memory_space<vmem>> -> memref<1x80x64xf32, #tpu.memory_space<vmem>>
        %get3A_289 = tpu.memref_squeeze %get3A_288 : memref<1x80x64xf32, #tpu.memory_space<vmem>> -> memref<80x64xf32, #tpu.memory_space<vmem>>
        %get3A_290 = arith.index_cast %add3A_193 : i32 to index
        %get3A_291 = arith.constant 48 : index
        %get3A_292 = tpu.vector_load %get3A_289[%get3A_290, %get3A_291] {strides = array<i32>} : memref<80x64xf32, #tpu.memory_space<vmem>>, vector<1x16xf32>,
        %get3A_293 = vector.shape_cast %get3A_292 : vector<1x16xf32> to vector<16xf32>
        %add3A_294 = arith.addf %get3A_285, %get3A_293 : vector<16xf32>
        %max3A_295 = arith.constant 0.000000e+00 : f32
        %max3A_296 = vector.broadcast %max3A_295 : f32 to vector<16xf32>
        %max3A_297 = arith.maximumf %add3A_294, %max3A_296 : vector<16xf32>
        %swap3A_298 = arith.constant 0 : i32
        %swap3A_299 = arith.constant 0 : i32
        %swap3A_300 = tpu.memref_slice %arg9[%scan3A_41, %swap3A_298, %swap3A_299] : memref<2x80x64xf32, #tpu.memory_space<vmem>> -> memref<1x80x64xf32, #tpu.memory_space<vmem>>
        %swap3A_301 = tpu.memref_squeeze %swap3A_300 : memref<1x80x64xf32, #tpu.memory_space<vmem>> -> memref<80x64xf32, #tpu.memory_space<vmem>>
        %swap3A_302 = arith.index_cast %add3A_193 : i32 to index
        %swap3A_303 = arith.constant 48 : index
        %swap3A_304 = tpu.vector_load %swap3A_301[%swap3A_302, %swap3A_303] {strides = array<i32>} : memref<80x64xf32, #tpu.memory_space<vmem>>, vector<1x16xf32>,
        %swap3A_305 = vector.shape_cast %swap3A_304 : vector<1x16xf32> to vector<16xf32>
        %swap3A_306 = vector.shape_cast %max3A_297 : vector<16xf32> to vector<1x16xf32>
        tpu.vector_store %swap3A_301[%swap3A_302, %swap3A_303], %swap3A_306 {strides = array<i32>} : memref<80x64xf32, #tpu.memory_space<vmem>>, vector<1x16xf32>,
      }
      %scan3A_164 = arith.constant 80 : i32
      %ge3A_165 = arith.constant 1 : i32
      %ge3A_166 = arith.cmpi sge, %add3A_130, %ge3A_165 : i32
      %convert_element_type3A_167 = arith.extui %ge3A_166 : i1 to i32
      %cond3A_168 = arith.constant 0 : i32
      %cond3A_169 = arith.cmpi ne, %convert_element_type3A_167, %cond3A_168 : i32
      scf.if %cond3A_169 {
        %sub3A_189 = arith.constant 1 : i32
        %sub3A_190 = arith.subi %add3A_130, %sub3A_189 : i32
        %dma_wait3A_191 = arith.constant 0 : i32
        %dma_wait3A_192 = arith.constant 0 : i32
        %dma_wait3A_193 = tpu.memref_slice %arg9[%scan3A_39, %dma_wait3A_191, %dma_wait3A_192] : memref<2x80x64xf32, #tpu.memory_space<vmem>> -> memref<1x80x64xf32, #tpu.memory_space<vmem>>
        %dma_wait3A_194 = tpu.memref_squeeze %dma_wait3A_193 : memref<1x80x64xf32, #tpu.memory_space<vmem>> -> memref<80x64xf32, #tpu.memory_space<vmem>>
        %dma_wait3A_195 = arith.constant 0 : i32
        %dma_wait3A_196 = tpu.memref_slice %arg8[%sub3A_190, %dma_wait3A_195] : memref<250x80xi32, #tpu.memory_space<vmem>> -> memref<1x80xi32, #tpu.memory_space<vmem>>
        %dma_wait3A_197 = tpu.memref_squeeze %dma_wait3A_196 : memref<1x80xi32, #tpu.memory_space<vmem>> -> memref<80xi32, #tpu.memory_space<vmem>>
        %dma_wait3A_198 = arith.constant 0 : i32
        %dma_wait3A_199 = arith.constant 0 : i32
        %dma_wait3A_200 = tpu.memref_slice %arg12[%dma_wait3A_198, %dma_wait3A_199] : memref<10240x64xf32, #tpu.memory_space<vmem_shared>> -> memref<10240x64xf32, #tpu.memory_space<vmem_shared>>
        tpu.wait_indirect_dma semaphore(%arg17 : memref<!tpu.dma_semaphore, #tpu.memory_space<semaphore_mem>>) src(%dma_wait3A_194 : memref<80x64xf32, #tpu.memory_space<vmem>>) dst(%dma_wait3A_200 : memref<10240x64xf32, #tpu.memory_space<vmem_shared>>)
      } else {
      }
      %dma_start3A_170 = arith.constant 0 : i32
      %dma_start3A_171 = arith.constant 0 : i32
      %dma_start3A_172 = tpu.memref_slice %arg9[%scan3A_41, %dma_start3A_170, %dma_start3A_171] : memref<2x80x64xf32, #tpu.memory_space<vmem>> -> memref<1x80x64xf32, #tpu.memory_space<vmem>>
      %dma_start3A_173 = tpu.memref_squeeze %dma_start3A_172 : memref<1x80x64xf32, #tpu.memory_space<vmem>> -> memref<80x64xf32, #tpu.memory_space<vmem>>
      %dma_start3A_174 = arith.constant 0 : i32
      %dma_start3A_175 = tpu.memref_slice %arg8[%add3A_130, %dma_start3A_174] : memref<250x80xi32, #tpu.memory_space<vmem>> -> memref<1x80xi32, #tpu.memory_space<vmem>>
      %dma_start3A_176 = tpu.memref_squeeze %dma_start3A_175 : memref<1x80xi32, #tpu.memory_space<vmem>> -> memref<80xi32, #tpu.memory_space<vmem>>
      %dma_start3A_177 = arith.constant 0 : i32
      %dma_start3A_178 = arith.constant 0 : i32
      %dma_start3A_179 = tpu.memref_slice %arg12[%dma_start3A_177, %dma_start3A_178] : memref<10240x64xf32, #tpu.memory_space<vmem_shared>> -> memref<10240x64xf32, #tpu.memory_space<vmem_shared>>
      tpu.enqueue_indirect_dma source(%dma_start3A_173 : memref<80x64xf32, #tpu.memory_space<vmem>>) target(%dma_start3A_179 : memref<10240x64xf32, #tpu.memory_space<vmem_shared>>) offsets(%dma_start3A_176 : memref<80xi32, #tpu.memory_space<vmem>>) semaphore(%arg18 : memref<!tpu.dma_semaphore, #tpu.memory_space<semaphore_mem>>) {add = true}
      %add3A_180 = arith.constant 2 : i32
      %add3A_181 = arith.addi %add3A_130, %add3A_180 : i32
      %sub3A_182 = arith.constant 1 : i32
      %sub3A_183 = arith.subi %add3A_181, %sub3A_182 : i32
      %lt3A_184 = arith.constant 250 : i32
      %lt3A_185 = arith.cmpi slt, %sub3A_183, %lt3A_184 : i32
      %convert_element_type3A_186 = arith.extui %lt3A_185 : i1 to i32
      %cond3A_187 = arith.constant 0 : i32
      %cond3A_188 = arith.cmpi ne, %convert_element_type3A_186, %cond3A_187 : i32
      scf.if %cond3A_188 {
        %add3A_189 = arith.constant 2 : i32
        %add3A_190 = arith.addi %add3A_130, %add3A_189 : i32
        %sub3A_191 = arith.constant 1 : i32
        %sub3A_192 = arith.subi %add3A_190, %sub3A_191 : i32
        %dma_start3A_193 = arith.constant 0 : i32
        %dma_start3A_194 = arith.constant 0 : i32
        %dma_start3A_195 = tpu.memref_slice %arg9[%scan3A_39, %dma_start3A_193, %dma_start3A_194] : memref<2x80x64xf32, #tpu.memory_space<vmem>> -> memref<1x80x64xf32, #tpu.memory_space<vmem>>
        %dma_start3A_196 = tpu.memref_squeeze %dma_start3A_195 : memref<1x80x64xf32, #tpu.memory_space<vmem>> -> memref<80x64xf32, #tpu.memory_space<vmem>>
        %dma_start3A_197 = arith.constant 0 : i32
        %dma_start3A_198 = tpu.memref_slice %arg7[%sub3A_192, %dma_start3A_197] : memref<250x80xi32, #tpu.memory_space<vmem>> -> memref<1x80xi32, #tpu.memory_space<vmem>>
        %dma_start3A_199 = tpu.memref_squeeze %dma_start3A_198 : memref<1x80xi32, #tpu.memory_space<vmem>> -> memref<80xi32, #tpu.memory_space<vmem>>
        %dma_start3A_200 = arith.constant 0 : i32
        %dma_start3A_201 = arith.constant 0 : i32
        %dma_start3A_202 = tpu.memref_slice %arg2[%dma_start3A_200, %dma_start3A_201] : memref<20000x64xf32, #tpu.memory_space<hbm>> -> memref<20000x64xf32, #tpu.memory_space<hbm>>
        tpu.enqueue_indirect_dma source(%dma_start3A_202 : memref<20000x64xf32, #tpu.memory_space<hbm>>) target(%dma_start3A_196 : memref<80x64xf32, #tpu.memory_space<vmem>>) offsets(%dma_start3A_199 : memref<80xi32, #tpu.memory_space<vmem>>) semaphore(%arg13 : memref<!tpu.dma_semaphore, #tpu.memory_space<semaphore_mem>>)
        %add3A_203 = arith.constant 2 : i32
        %add3A_204 = arith.addi %add3A_130, %add3A_203 : i32
        %sub3A_205 = arith.constant 1 : i32
        %sub3A_206 = arith.subi %add3A_204, %sub3A_205 : i32
        %mul3A_207 = arith.constant 250 : i32
        %mul3A_208 = arith.muli %arg1, %mul3A_207 : i32
        %add3A_209 = arith.addi %mul3A_208, %sub3A_206 : i32
        %mul3A_210 = arith.constant 80 : i32
        %mul3A_211 = arith.muli %add3A_209, %mul3A_210 : i32
        %dma_start3A_212 = arith.constant 0 : i32
        %dma_start3A_213 = arith.constant 0 : i32
        %dma_start3A_214 = tpu.memref_slice %arg10[%scan3A_40, %dma_start3A_212, %dma_start3A_213] : memref<2x80x64xf32, #tpu.memory_space<vmem>> -> memref<1x80x64xf32, #tpu.memory_space<vmem>>
        %dma_start3A_215 = tpu.memref_squeeze %dma_start3A_214 : memref<1x80x64xf32, #tpu.memory_space<vmem>> -> memref<80x64xf32, #tpu.memory_space<vmem>>
        %dma_start3A_216 = arith.constant 0 : i32
        %dma_start3A_217 = tpu.memref_slice %arg3[%arg0, %mul3A_211, %dma_start3A_216] : memref<2x320000x64xf32, #tpu.memory_space<hbm>> -> memref<1x80x64xf32, #tpu.memory_space<hbm>>
        %dma_start3A_218 = tpu.memref_squeeze %dma_start3A_217 : memref<1x80x64xf32, #tpu.memory_space<hbm>> -> memref<80x64xf32, #tpu.memory_space<hbm>>
        %dma_start3A_219 = arith.constant 0 : i32
        %dma_start3A_220 = arith.constant 0 : i32
        %dma_start3A_221 = tpu.memref_slice %arg10[%scan3A_40, %dma_start3A_219, %dma_start3A_220] : memref<2x80x64xf32, #tpu.memory_space<vmem>> -> memref<1x80x64xf32, #tpu.memory_space<vmem>>
        %dma_start3A_222 = tpu.memref_squeeze %dma_start3A_221 : memref<1x80x64xf32, #tpu.memory_space<vmem>> -> memref<80x64xf32, #tpu.memory_space<vmem>>
        %dma_start3A_223 = arith.constant 0 : i32
        %dma_start3A_224 = tpu.memref_slice %arg3[%arg0, %mul3A_211, %dma_start3A_223] : memref<2x320000x64xf32, #tpu.memory_space<hbm>> -> memref<1x80x64xf32, #tpu.memory_space<hbm>>
        %dma_start3A_225 = tpu.memref_squeeze %dma_start3A_224 : memref<1x80x64xf32, #tpu.memory_space<hbm>> -> memref<80x64xf32, #tpu.memory_space<hbm>>
        tpu.enqueue_dma source(%dma_start3A_225 : memref<80x64xf32, #tpu.memory_space<hbm>>) target(%dma_start3A_222 : memref<80x64xf32, #tpu.memory_space<vmem>>) target_semaphore(%arg15 : memref<!tpu.dma_semaphore, #tpu.memory_space<semaphore_mem>>)
      } else {
      }
    }
    %scan3A_47 = arith.constant 125 : i32
    %dma_wait3A = arith.constant 1 : i32
    %dma_wait3A_48 = arith.constant 249 : i32
    %dma_wait3A_49 = arith.constant 0 : i32
    %dma_wait3A_50 = arith.constant 0 : i32
    %dma_wait3A_51 = tpu.memref_slice %arg9[%dma_wait3A, %dma_wait3A_49, %dma_wait3A_50] : memref<2x80x64xf32, #tpu.memory_space<vmem>> -> memref<1x80x64xf32, #tpu.memory_space<vmem>>
    %dma_wait3A_52 = tpu.memref_squeeze %dma_wait3A_51 : memref<1x80x64xf32, #tpu.memory_space<vmem>> -> memref<80x64xf32, #tpu.memory_space<vmem>>
    %dma_wait3A_53 = arith.constant 0 : i32
    %dma_wait3A_54 = tpu.memref_slice %arg8[%dma_wait3A_48, %dma_wait3A_53] : memref<250x80xi32, #tpu.memory_space<vmem>> -> memref<1x80xi32, #tpu.memory_space<vmem>>
    %dma_wait3A_55 = tpu.memref_squeeze %dma_wait3A_54 : memref<1x80xi32, #tpu.memory_space<vmem>> -> memref<80xi32, #tpu.memory_space<vmem>>
    %dma_wait3A_56 = arith.constant 0 : i32
    %dma_wait3A_57 = arith.constant 0 : i32
    %dma_wait3A_58 = tpu.memref_slice %arg12[%dma_wait3A_56, %dma_wait3A_57] : memref<10240x64xf32, #tpu.memory_space<vmem_shared>> -> memref<10240x64xf32, #tpu.memory_space<vmem_shared>>
    tpu.wait_indirect_dma semaphore(%arg18 : memref<!tpu.dma_semaphore, #tpu.memory_space<semaphore_mem>>) src(%dma_wait3A_52 : memref<80x64xf32, #tpu.memory_space<vmem>>) dst(%dma_wait3A_58 : memref<10240x64xf32, #tpu.memory_space<vmem_shared>>)
    %barrier3A_59 = arith.constant 0 : index
    tpu.barrier barrier_id(%barrier3A_59)
    %scan3A_60 = arith.constant 0 : i32
    %scan3A_61 = arith.constant 5 : i32
    %scan3A_62 = arith.addi %scan3A_60, %scan3A_61 : i32
    %scan3A_63 = arith.constant 1 : i32
    scf.for %scan3A_65 = %scan3A_60 to %scan3A_62 step %scan3A_63  : i32 {
      %mul3A_66 = arith.constant 1 : i32
      %mul3A_67 = arith.muli %scan3A_65, %mul3A_66 : i32
      %add3A_68 = arith.constant 0 : i32
      %add3A_69 = arith.addi %add3A_68, %mul3A_67 : i32
      %mul3A_70 = arith.constant 640 : i32
      %mul3A_71 = arith.muli %arg1, %mul3A_70 : i32
      %mul3A_72 = arith.constant 128 : i32
      %mul3A_73 = arith.muli %add3A_69, %mul3A_72 : i32
      %add3A_74 = arith.addi %mul3A_71, %mul3A_73 : i32
      "tpu.region"() ({
        %run_scoped3A = tpu.sem_alloc : memref<!tpu.dma_semaphore, #tpu.memory_space<semaphore_mem>>
        %dma_start3A_75 = arith.constant 0 : i32
        %dma_start3A_76 = tpu.memref_slice %arg6[%arg0, %add3A_74, %dma_start3A_75] : memref<2x10240x64xf32, #tpu.memory_space<hbm>> -> memref<1x128x64xf32, #tpu.memory_space<hbm>>
        %dma_start3A_77 = tpu.memref_squeeze %dma_start3A_76 : memref<1x128x64xf32, #tpu.memory_space<hbm>> -> memref<128x64xf32, #tpu.memory_space<hbm>>
        %dma_start3A_78 = arith.constant 0 : i32
        %dma_start3A_79 = tpu.memref_slice %arg12[%add3A_74, %dma_start3A_78] : memref<10240x64xf32, #tpu.memory_space<vmem_shared>> -> memref<128x64xf32, #tpu.memory_space<vmem_shared>>
        tpu.enqueue_dma source(%dma_start3A_79 : memref<128x64xf32, #tpu.memory_space<vmem_shared>>) target(%dma_start3A_77 : memref<128x64xf32, #tpu.memory_space<hbm>>) target_semaphore(%run_scoped3A : memref<!tpu.dma_semaphore, #tpu.memory_space<semaphore_mem>>)
        %dma_wait3A_80 = arith.constant 0 : i32
        %dma_wait3A_81 = tpu.memref_slice %arg6[%arg0, %add3A_74, %dma_wait3A_80] : memref<2x10240x64xf32, #tpu.memory_space<hbm>> -> memref<1x128x64xf32, #tpu.memory_space<hbm>>
        %dma_wait3A_82 = tpu.memref_squeeze %dma_wait3A_81 : memref<1x128x64xf32, #tpu.memory_space<hbm>> -> memref<128x64xf32, #tpu.memory_space<hbm>>
        %dma_wait3A_83 = arith.constant 0 : i32
        %dma_wait3A_84 = tpu.memref_slice %arg12[%add3A_74, %dma_wait3A_83] : memref<10240x64xf32, #tpu.memory_space<vmem_shared>> -> memref<128x64xf32, #tpu.memory_space<vmem_shared>>
        tpu.wait_dma2 semaphore(%run_scoped3A : memref<!tpu.dma_semaphore, #tpu.memory_space<semaphore_mem>>) src(%dma_wait3A_84 : memref<128x64xf32, #tpu.memory_space<vmem_shared>>) dst(%dma_wait3A_82 : memref<128x64xf32, #tpu.memory_space<hbm>>)
        tpu.yield
      }) : () -> ()
    }
    %scan3A_64 = arith.constant 5 : i32
    return
  }
}

module attributes {stable_mosaic.version = 14 : i64} {
  func.func @_edge_mlp_body(%arg0: i32, %arg1: i32, %arg2: memref<4000x7xf32, #tpu.memory_space<vmem>>, %arg3: memref<1x7x64xf32, #tpu.memory_space<vmem>>, %arg4: memref<1x1x64xf32, #tpu.memory_space<vmem>>, %arg5: memref<1x4000x64xf32, #tpu.memory_space<vmem>>) attributes {dimension_semantics = [#tpu.dimension_semantics<arbitrary>, #tpu.dimension_semantics<arbitrary>], iteration_bounds = array<i64: 2, 80>, scalar_prefetch = 0 : i64, scratch_operands = 0 : i64, tpu.core_type = #tpu.core_type<tc>, window_params = [{transform_indices = @transform_0, window_bounds = array<i64: 4000, 7>}, {transform_indices = @transform_1, window_bounds = array<i64: 1, 7, 64>}, {transform_indices = @transform_2, window_bounds = array<i64: 1, 1, 64>}, {transform_indices = @transform_3, window_bounds = array<i64: 1, 4000, 64>}]} {
    %get3A = arith.constant 0 : index
    %get3A_0 = arith.constant 0 : index
    %get3A_1 = vector.load %arg2[%get3A, %get3A_0] : memref<4000x7xf32, #tpu.memory_space<vmem>>, vector<4000x7xf32>
    %get3A_2 = arith.constant 0 : index
    %get3A_3 = arith.constant 0 : index
    %get3A_4 = arith.constant 0 : index
    %get3A_5 = vector.load %arg3[%get3A_2, %get3A_3, %get3A_4] : memref<1x7x64xf32, #tpu.memory_space<vmem>>, vector<1x7x64xf32>
    %get3A_6 = vector.shape_cast %get3A_5 : vector<1x7x64xf32> to vector<7x64xf32>
    %dot_general3A = arith.constant dense<0.000000e+00> : vector<4000x64xf32>
    %dot_general3A_7 = tpu.matmul %get3A_1, %get3A_6, %dot_general3A {dimension_numbers = #tpu.dot_dimension_numbers<[1], [0], [0], [1], [0, 0, 1, 1], [], []>, transpose_lhs_hint = false} : vector<4000x7xf32>, vector<7x64xf32>, vector<4000x64xf32> -> vector<4000x64xf32>
    %get3A_8 = arith.constant 0 : index
    %get3A_9 = arith.constant 0 : index
    %get3A_10 = arith.constant 0 : index
    %get3A_11 = vector.load %arg4[%get3A_8, %get3A_9, %get3A_10] : memref<1x1x64xf32, #tpu.memory_space<vmem>>, vector<1x1x64xf32>
    %get3A_12 = vector.shape_cast %get3A_11 : vector<1x1x64xf32> to vector<1x64xf32>
    %add3A = vector.broadcast %get3A_12 : vector<1x64xf32> to vector<4000x64xf32>
    %add3A_13 = arith.addf %dot_general3A_7, %add3A : vector<4000x64xf32>
    %max3A = arith.constant 0.000000e+00 : f32
    %max3A_14 = vector.broadcast %max3A : f32 to vector<4000x64xf32>
    %max3A_15 = arith.maximumf %add3A_13, %max3A_14 : vector<4000x64xf32>
    %swap3A = arith.constant 0 : index
    %swap3A_16 = arith.constant 0 : index
    %swap3A_17 = arith.constant 0 : index
    %swap3A_18 = vector.load %arg5[%swap3A, %swap3A_16, %swap3A_17] : memref<1x4000x64xf32, #tpu.memory_space<vmem>>, vector<1x4000x64xf32>
    %swap3A_19 = vector.shape_cast %swap3A_18 : vector<1x4000x64xf32> to vector<4000x64xf32>
    %swap3A_20 = vector.shape_cast %max3A_15 : vector<4000x64xf32> to vector<1x4000x64xf32>
    tpu.vector_store %arg5[%swap3A, %swap3A_16, %swap3A_17], %swap3A_20 {strides = array<i32>} : memref<1x4000x64xf32, #tpu.memory_space<vmem>>, vector<1x4000x64xf32>,
    return
  }
  func.func @transform_0(%arg0: i32, %arg1: i32) -> (i32, i32) {
    %c0_i32 = arith.constant 0 : i32
    %c0_i32_0 = arith.constant 0 : i32
    return %arg1, %c0_i32 : i32, i32
  }
  func.func @transform_1(%arg0: i32, %arg1: i32) -> (i32, i32, i32) {
    %c0_i32 = arith.constant 0 : i32
    %c0_i32_0 = arith.constant 0 : i32
    %c0_i32_1 = arith.constant 0 : i32
    return %arg0, %c0_i32, %c0_i32_0 : i32, i32, i32
  }
  func.func @transform_2(%arg0: i32, %arg1: i32) -> (i32, i32, i32) {
    %c0_i32 = arith.constant 0 : i32
    %c0_i32_0 = arith.constant 0 : i32
    %c0_i32_1 = arith.constant 0 : i32
    return %arg0, %c0_i32, %c0_i32_0 : i32, i32, i32
  }
  func.func @transform_3(%arg0: i32, %arg1: i32) -> (i32, i32, i32) {
    %c0_i32 = arith.constant 0 : i32
    %c0_i32_0 = arith.constant 0 : i32
    return %arg0, %arg1, %c0_i32 : i32, i32, i32
  }
}

module attributes {stable_mosaic.version = 14 : i64} {
  func.func @_edge_mlp_body(%arg0: i32, %arg1: i32, %arg2: memref<4000x7xf32, #tpu.memory_space<vmem>>, %arg3: memref<1x7x64xf32, #tpu.memory_space<vmem>>, %arg4: memref<1x1x64xf32, #tpu.memory_space<vmem>>, %arg5: memref<1x4000x64xf32, #tpu.memory_space<vmem>>) attributes {dimension_semantics = [#tpu.dimension_semantics<arbitrary>, #tpu.dimension_semantics<arbitrary>], iteration_bounds = array<i64: 2, 80>, scalar_prefetch = 0 : i64, scratch_operands = 0 : i64, tpu.core_type = #tpu.core_type<tc>, window_params = [{transform_indices = @transform_0, window_bounds = array<i64: 4000, 7>}, {transform_indices = @transform_1, window_bounds = array<i64: 1, 7, 64>}, {transform_indices = @transform_2, window_bounds = array<i64: 1, 1, 64>}, {transform_indices = @transform_3, window_bounds = array<i64: 1, 4000, 64>}]} {
    %get3A = arith.constant 0 : index
    %get3A_0 = arith.constant 0 : index
    %get3A_1 = vector.load %arg2[%get3A, %get3A_0] : memref<4000x7xf32, #tpu.memory_space<vmem>>, vector<4000x7xf32>
    %get3A_2 = arith.constant 0 : index
    %get3A_3 = arith.constant 0 : index
    %get3A_4 = arith.constant 0 : index
    %get3A_5 = vector.load %arg3[%get3A_2, %get3A_3, %get3A_4] : memref<1x7x64xf32, #tpu.memory_space<vmem>>, vector<1x7x64xf32>
    %get3A_6 = vector.shape_cast %get3A_5 : vector<1x7x64xf32> to vector<7x64xf32>
    %dot_general3A = arith.constant dense<0.000000e+00> : vector<4000x64xf32>
    %dot_general3A_7 = tpu.matmul %get3A_1, %get3A_6, %dot_general3A {dimension_numbers = #tpu.dot_dimension_numbers<[1], [0], [0], [1], [0, 0, 1, 1], [], []>, transpose_lhs_hint = false} : vector<4000x7xf32>, vector<7x64xf32>, vector<4000x64xf32> -> vector<4000x64xf32>
    %get3A_8 = arith.constant 0 : index
    %get3A_9 = arith.constant 0 : index
    %get3A_10 = arith.constant 0 : index
    %get3A_11 = vector.load %arg4[%get3A_8, %get3A_9, %get3A_10] : memref<1x1x64xf32, #tpu.memory_space<vmem>>, vector<1x1x64xf32>
    %get3A_12 = vector.shape_cast %get3A_11 : vector<1x1x64xf32> to vector<1x64xf32>
    %add3A = vector.broadcast %get3A_12 : vector<1x64xf32> to vector<4000x64xf32>
    %add3A_13 = arith.addf %dot_general3A_7, %add3A : vector<4000x64xf32>
    %swap3A = arith.constant 0 : index
    %swap3A_14 = arith.constant 0 : index
    %swap3A_15 = arith.constant 0 : index
    %swap3A_16 = vector.load %arg5[%swap3A, %swap3A_14, %swap3A_15] : memref<1x4000x64xf32, #tpu.memory_space<vmem>>, vector<1x4000x64xf32>
    %swap3A_17 = vector.shape_cast %swap3A_16 : vector<1x4000x64xf32> to vector<4000x64xf32>
    %swap3A_18 = vector.shape_cast %add3A_13 : vector<4000x64xf32> to vector<1x4000x64xf32>
    tpu.vector_store %arg5[%swap3A, %swap3A_14, %swap3A_15], %swap3A_18 {strides = array<i32>} : memref<1x4000x64xf32, #tpu.memory_space<vmem>>, vector<1x4000x64xf32>,
    return
  }
  func.func @transform_0(%arg0: i32, %arg1: i32) -> (i32, i32) {
    %c0_i32 = arith.constant 0 : i32
    %c0_i32_0 = arith.constant 0 : i32
    return %arg1, %c0_i32 : i32, i32
  }
  func.func @transform_1(%arg0: i32, %arg1: i32) -> (i32, i32, i32) {
    %c0_i32 = arith.constant 0 : i32
    %c0_i32_0 = arith.constant 0 : i32
    %c0_i32_1 = arith.constant 0 : i32
    return %arg0, %c0_i32, %c0_i32_0 : i32, i32, i32
  }
  func.func @transform_2(%arg0: i32, %arg1: i32) -> (i32, i32, i32) {
    %c0_i32 = arith.constant 0 : i32
    %c0_i32_0 = arith.constant 0 : i32
    %c0_i32_1 = arith.constant 0 : i32
    return %arg0, %c0_i32, %c0_i32_0 : i32, i32, i32
  }
  func.func @transform_3(%arg0: i32, %arg1: i32) -> (i32, i32, i32) {
    %c0_i32 = arith.constant 0 : i32
    %c0_i32_0 = arith.constant 0 : i32
    return %arg0, %arg1, %c0_i32 : i32, i32, i32
  }
}

module attributes {stable_mosaic.version = 14 : i64} {
  func.func @_dense_body(%arg0: memref<1x128xf32, #tpu.memory_space<vmem>>, %arg1: memref<2x10240x64xf32, #tpu.memory_space<vmem>>, %arg2: memref<1x1xf32, #tpu.memory_space<vmem>>, %arg3: memref<128x256xf32, #tpu.memory_space<vmem>>, %arg4: memref<256xf32, #tpu.memory_space<vmem>>, %arg5: memref<256xf32, #tpu.memory_space<vmem>>, %arg6: memref<256xf32, #tpu.memory_space<vmem>>, %arg7: memref<256x128xf32, #tpu.memory_space<vmem>>, %arg8: memref<128xf32, #tpu.memory_space<vmem>>, %arg9: memref<128xf32, #tpu.memory_space<vmem>>, %arg10: memref<128xf32, #tpu.memory_space<vmem>>, %arg11: memref<20000x64xf32, #tpu.memory_space<vmem>>) attributes {dimension_semantics = [], scalar_prefetch = 0 : i64, scratch_operands = 0 : i64, tpu.core_type = #tpu.core_type<tc>} {
    %get3A = arith.constant 0 : index
    %get3A_0 = arith.constant 0 : index
    %get3A_1 = arith.constant 0 : index
    %get3A_2 = vector.load %arg1[%get3A, %get3A_0, %get3A_1] : memref<2x10240x64xf32, #tpu.memory_space<vmem>>, vector<1x10000x64xf32>
    %get3A_3 = vector.shape_cast %get3A_2 : vector<1x10000x64xf32> to vector<10000x64xf32>
    %get3A_4 = arith.constant 1 : index
    %get3A_5 = arith.constant 0 : index
    %get3A_6 = arith.constant 0 : index
    %get3A_7 = vector.load %arg1[%get3A_4, %get3A_5, %get3A_6] : memref<2x10240x64xf32, #tpu.memory_space<vmem>>, vector<1x10000x64xf32>
    %get3A_8 = vector.shape_cast %get3A_7 : vector<1x10000x64xf32> to vector<10000x64xf32>
    %concatenate3A = tpu.concatenate %get3A_3, %get3A_8 in 1 : vector<10000x64xf32>, vector<10000x64xf32> -> vector<10000x128xf32>
    %get3A_9 = arith.constant 0 : index
    %get3A_10 = arith.constant 0 : index
    %get3A_11 = vector.load %arg0[%get3A_9, %get3A_10] : memref<1x128xf32, #tpu.memory_space<vmem>>, vector<1x128xf32>
    %get3A_12 = arith.constant 0 : index
    %get3A_13 = arith.constant 0 : index
    %get3A_14 = vector.load %arg2[%get3A_12, %get3A_13] : memref<1x1xf32, #tpu.memory_space<vmem>>, vector<1x1xf32>
    %get3A_15 = vector.extract %get3A_14[0, 0] : f32 from vector<1x1xf32>
    %mul3A = vector.broadcast %get3A_15 : f32 to vector<1x128xf32>
    %mul3A_16 = arith.mulf %mul3A, %get3A_11 : vector<1x128xf32>
    %add3A = vector.broadcast %mul3A_16 : vector<1x128xf32> to vector<10000x128xf32>
    %add3A_17 = arith.addf %add3A, %concatenate3A : vector<10000x128xf32>
    %get3A_18 = arith.constant 0 : index
    %get3A_19 = arith.constant 0 : index
    %get3A_20 = vector.load %arg3[%get3A_18, %get3A_19] : memref<128x256xf32, #tpu.memory_space<vmem>>, vector<128x256xf32>
    %dot_general3A = arith.constant dense<0.000000e+00> : vector<10000x256xf32>
    %dot_general3A_21 = tpu.matmul %add3A_17, %get3A_20, %dot_general3A {dimension_numbers = #tpu.dot_dimension_numbers<[1], [0], [0], [1], [0, 0, 1, 1], [], []>, transpose_lhs_hint = false} : vector<10000x128xf32>, vector<128x256xf32>, vector<10000x256xf32> -> vector<10000x256xf32>
    %get3A_22 = arith.constant 0 : index
    %get3A_23 = vector.load %arg4[%get3A_22] : memref<256xf32, #tpu.memory_space<vmem>>, vector<256xf32>
    %broadcast_in_dim3A = vector.shape_cast %get3A_23 : vector<256xf32> to vector<1x256xf32>
    %add3A_24 = vector.broadcast %broadcast_in_dim3A : vector<1x256xf32> to vector<10000x256xf32>
    %add3A_25 = arith.addf %dot_general3A_21, %add3A_24 : vector<10000x256xf32>
    %reduce_sum3A = arith.constant dense<0.000000e+00> : vector<256xf32>
    %reduce_sum3A_26 = vector.multi_reduction <add>, %add3A_25, %reduce_sum3A [0] : vector<10000x256xf32> to vector<256xf32>
    %broadcast_in_dim3A_27 = vector.shape_cast %reduce_sum3A_26 : vector<256xf32> to vector<1x256xf32>
    %div3A = arith.constant 1.000000e+04 : f32
    %div3A_28 = vector.broadcast %div3A : f32 to vector<1x256xf32>
    %div3A_29 = arith.divf %broadcast_in_dim3A_27, %div3A_28 : vector<1x256xf32>
    %sub3A = vector.broadcast %div3A_29 : vector<1x256xf32> to vector<10000x256xf32>
    %sub3A_30 = arith.subf %add3A_25, %sub3A : vector<10000x256xf32>
    %mul3A_31 = arith.mulf %sub3A_30, %sub3A_30 : vector<10000x256xf32>
    %reduce_sum3A_32 = arith.constant dense<0.000000e+00> : vector<256xf32>
    %reduce_sum3A_33 = vector.multi_reduction <add>, %mul3A_31, %reduce_sum3A_32 [0] : vector<10000x256xf32> to vector<256xf32>
    %broadcast_in_dim3A_34 = vector.shape_cast %reduce_sum3A_33 : vector<256xf32> to vector<1x256xf32>
    %div3A_35 = arith.constant 1.000000e+04 : f32
    %div3A_36 = vector.broadcast %div3A_35 : f32 to vector<1x256xf32>
    %div3A_37 = arith.divf %broadcast_in_dim3A_34, %div3A_36 : vector<1x256xf32>
    %get3A_38 = arith.constant 0 : index
    %get3A_39 = vector.load %arg5[%get3A_38] : memref<256xf32, #tpu.memory_space<vmem>>, vector<256xf32>
    %broadcast_in_dim3A_40 = vector.shape_cast %get3A_39 : vector<256xf32> to vector<1x256xf32>
    %mul3A_41 = vector.broadcast %broadcast_in_dim3A_40 : vector<1x256xf32> to vector<10000x256xf32>
    %mul3A_42 = arith.mulf %mul3A_41, %sub3A_30 : vector<10000x256xf32>
    %add3A_43 = arith.constant 9.99999974E-6 : f32
    %add3A_44 = vector.broadcast %add3A_43 : f32 to vector<1x256xf32>
    %add3A_45 = arith.addf %div3A_37, %add3A_44 : vector<1x256xf32>
    %rsqrt3A = math.rsqrt %add3A_45 : vector<1x256xf32>
    %mul3A_46 = vector.broadcast %rsqrt3A : vector<1x256xf32> to vector<10000x256xf32>
    %mul3A_47 = arith.mulf %mul3A_42, %mul3A_46 : vector<10000x256xf32>
    %get3A_48 = arith.constant 0 : index
    %get3A_49 = vector.load %arg6[%get3A_48] : memref<256xf32, #tpu.memory_space<vmem>>, vector<256xf32>
    %broadcast_in_dim3A_50 = vector.shape_cast %get3A_49 : vector<256xf32> to vector<1x256xf32>
    %add3A_51 = vector.broadcast %broadcast_in_dim3A_50 : vector<1x256xf32> to vector<10000x256xf32>
    %add3A_52 = arith.addf %mul3A_47, %add3A_51 : vector<10000x256xf32>
    %max3A = arith.constant 0.000000e+00 : f32
    %max3A_53 = vector.broadcast %max3A : f32 to vector<10000x256xf32>
    %max3A_54 = arith.maximumf %add3A_52, %max3A_53 : vector<10000x256xf32>
    %get3A_55 = arith.constant 0 : index
    %get3A_56 = arith.constant 0 : index
    %get3A_57 = vector.load %arg7[%get3A_55, %get3A_56] : memref<256x128xf32, #tpu.memory_space<vmem>>, vector<256x128xf32>
    %dot_general3A_58 = arith.constant dense<0.000000e+00> : vector<10000x128xf32>
    %dot_general3A_59 = tpu.matmul %max3A_54, %get3A_57, %dot_general3A_58 {dimension_numbers = #tpu.dot_dimension_numbers<[1], [0], [0], [1], [0, 0, 1, 1], [], []>, transpose_lhs_hint = false} : vector<10000x256xf32>, vector<256x128xf32>, vector<10000x128xf32> -> vector<10000x128xf32>
    %get3A_60 = arith.constant 0 : index
    %get3A_61 = vector.load %arg8[%get3A_60] : memref<128xf32, #tpu.memory_space<vmem>>, vector<128xf32>
    %broadcast_in_dim3A_62 = vector.shape_cast %get3A_61 : vector<128xf32> to vector<1x128xf32>
    %add3A_63 = vector.broadcast %broadcast_in_dim3A_62 : vector<1x128xf32> to vector<10000x128xf32>
    %add3A_64 = arith.addf %dot_general3A_59, %add3A_63 : vector<10000x128xf32>
    %reduce_sum3A_65 = arith.constant dense<0.000000e+00> : vector<128xf32>
    %reduce_sum3A_66 = vector.multi_reduction <add>, %add3A_64, %reduce_sum3A_65 [0] : vector<10000x128xf32> to vector<128xf32>
    %broadcast_in_dim3A_67 = vector.shape_cast %reduce_sum3A_66 : vector<128xf32> to vector<1x128xf32>
    %div3A_68 = arith.constant 1.000000e+04 : f32
    %div3A_69 = vector.broadcast %div3A_68 : f32 to vector<1x128xf32>
    %div3A_70 = arith.divf %broadcast_in_dim3A_67, %div3A_69 : vector<1x128xf32>
    %sub3A_71 = vector.broadcast %div3A_70 : vector<1x128xf32> to vector<10000x128xf32>
    %sub3A_72 = arith.subf %add3A_64, %sub3A_71 : vector<10000x128xf32>
    %mul3A_73 = arith.mulf %sub3A_72, %sub3A_72 : vector<10000x128xf32>
    %reduce_sum3A_74 = arith.constant dense<0.000000e+00> : vector<128xf32>
    %reduce_sum3A_75 = vector.multi_reduction <add>, %mul3A_73, %reduce_sum3A_74 [0] : vector<10000x128xf32> to vector<128xf32>
    %broadcast_in_dim3A_76 = vector.shape_cast %reduce_sum3A_75 : vector<128xf32> to vector<1x128xf32>
    %div3A_77 = arith.constant 1.000000e+04 : f32
    %div3A_78 = vector.broadcast %div3A_77 : f32 to vector<1x128xf32>
    %div3A_79 = arith.divf %broadcast_in_dim3A_76, %div3A_78 : vector<1x128xf32>
    %get3A_80 = arith.constant 0 : index
    %get3A_81 = vector.load %arg9[%get3A_80] : memref<128xf32, #tpu.memory_space<vmem>>, vector<128xf32>
    %broadcast_in_dim3A_82 = vector.shape_cast %get3A_81 : vector<128xf32> to vector<1x128xf32>
    %mul3A_83 = vector.broadcast %broadcast_in_dim3A_82 : vector<1x128xf32> to vector<10000x128xf32>
    %mul3A_84 = arith.mulf %mul3A_83, %sub3A_72 : vector<10000x128xf32>
    %add3A_85 = arith.constant 9.99999974E-6 : f32
    %add3A_86 = vector.broadcast %add3A_85 : f32 to vector<1x128xf32>
    %add3A_87 = arith.addf %div3A_79, %add3A_86 : vector<1x128xf32>
    %rsqrt3A_88 = math.rsqrt %add3A_87 : vector<1x128xf32>
    %mul3A_89 = vector.broadcast %rsqrt3A_88 : vector<1x128xf32> to vector<10000x128xf32>
    %mul3A_90 = arith.mulf %mul3A_84, %mul3A_89 : vector<10000x128xf32>
    %get3A_91 = arith.constant 0 : index
    %get3A_92 = vector.load %arg10[%get3A_91] : memref<128xf32, #tpu.memory_space<vmem>>, vector<128xf32>
    %broadcast_in_dim3A_93 = vector.shape_cast %get3A_92 : vector<128xf32> to vector<1x128xf32>
    %add3A_94 = vector.broadcast %broadcast_in_dim3A_93 : vector<1x128xf32> to vector<10000x128xf32>
    %add3A_95 = arith.addf %mul3A_90, %add3A_94 : vector<10000x128xf32>
    %max3A_96 = arith.constant 0.000000e+00 : f32
    %max3A_97 = vector.broadcast %max3A_96 : f32 to vector<10000x128xf32>
    %max3A_98 = arith.maximumf %add3A_95, %max3A_97 : vector<10000x128xf32>
    %slice3A = vector.extract_strided_slice %max3A_98 {offsets = [0, 0], sizes = [10000, 64], strides = [1, 1]} : vector<10000x128xf32> to vector<10000x64xf32>
    %swap3A = arith.constant 0 : index
    %swap3A_99 = arith.constant 0 : index
    %swap3A_100 = vector.load %arg11[%swap3A, %swap3A_99] : memref<20000x64xf32, #tpu.memory_space<vmem>>, vector<10000x64xf32>
    tpu.vector_store %arg11[%swap3A, %swap3A_99], %slice3A {strides = array<i32>} : memref<20000x64xf32, #tpu.memory_space<vmem>>, vector<10000x64xf32>,
    %slice3A_101 = vector.extract_strided_slice %max3A_98 {offsets = [0, 64], sizes = [10000, 64], strides = [1, 1]} : vector<10000x128xf32> to vector<10000x64xf32>
    %swap3A_102 = arith.constant 10000 : index
    %swap3A_103 = arith.constant 0 : index
    %swap3A_104 = vector.load %arg11[%swap3A_102, %swap3A_103] : memref<20000x64xf32, #tpu.memory_space<vmem>>, vector<10000x64xf32>
    tpu.vector_store %arg11[%swap3A_102, %swap3A_103], %slice3A_101 {strides = array<i32>} : memref<20000x64xf32, #tpu.memory_space<vmem>>, vector<10000x64xf32>,
    return
  }
}

module attributes {stable_mosaic.version = 14 : i64} {
  func.func @_dense_body(%arg0: memref<20000x64xf32, #tpu.memory_space<vmem>>, %arg1: memref<2x10240x64xf32, #tpu.memory_space<vmem>>, %arg2: memref<1x1xf32, #tpu.memory_space<vmem>>, %arg3: memref<128x256xf32, #tpu.memory_space<vmem>>, %arg4: memref<256xf32, #tpu.memory_space<vmem>>, %arg5: memref<256xf32, #tpu.memory_space<vmem>>, %arg6: memref<256xf32, #tpu.memory_space<vmem>>, %arg7: memref<256x128xf32, #tpu.memory_space<vmem>>, %arg8: memref<128xf32, #tpu.memory_space<vmem>>, %arg9: memref<128xf32, #tpu.memory_space<vmem>>, %arg10: memref<128xf32, #tpu.memory_space<vmem>>, %arg11: memref<20000x64xf32, #tpu.memory_space<vmem>>) attributes {dimension_semantics = [], scalar_prefetch = 0 : i64, scratch_operands = 0 : i64, tpu.core_type = #tpu.core_type<tc>} {
    %get3A = arith.constant 0 : index
    %get3A_0 = arith.constant 0 : index
    %get3A_1 = arith.constant 0 : index
    %get3A_2 = vector.load %arg1[%get3A, %get3A_0, %get3A_1] : memref<2x10240x64xf32, #tpu.memory_space<vmem>>, vector<1x10000x64xf32>
    %get3A_3 = vector.shape_cast %get3A_2 : vector<1x10000x64xf32> to vector<10000x64xf32>
    %get3A_4 = arith.constant 1 : index
    %get3A_5 = arith.constant 0 : index
    %get3A_6 = arith.constant 0 : index
    %get3A_7 = vector.load %arg1[%get3A_4, %get3A_5, %get3A_6] : memref<2x10240x64xf32, #tpu.memory_space<vmem>>, vector<1x10000x64xf32>
    %get3A_8 = vector.shape_cast %get3A_7 : vector<1x10000x64xf32> to vector<10000x64xf32>
    %concatenate3A = tpu.concatenate %get3A_3, %get3A_8 in 1 : vector<10000x64xf32>, vector<10000x64xf32> -> vector<10000x128xf32>
    %get3A_9 = arith.constant 0 : index
    %get3A_10 = arith.constant 0 : index
    %get3A_11 = vector.load %arg0[%get3A_9, %get3A_10] : memref<20000x64xf32, #tpu.memory_space<vmem>>, vector<10000x64xf32>
    %get3A_12 = arith.constant 10000 : index
    %get3A_13 = arith.constant 0 : index
    %get3A_14 = vector.load %arg0[%get3A_12, %get3A_13] : memref<20000x64xf32, #tpu.memory_space<vmem>>, vector<10000x64xf32>
    %concatenate3A_15 = tpu.concatenate %get3A_11, %get3A_14 in 1 : vector<10000x64xf32>, vector<10000x64xf32> -> vector<10000x128xf32>
    %get3A_16 = arith.constant 0 : index
    %get3A_17 = arith.constant 0 : index
    %get3A_18 = vector.load %arg2[%get3A_16, %get3A_17] : memref<1x1xf32, #tpu.memory_space<vmem>>, vector<1x1xf32>
    %get3A_19 = vector.extract %get3A_18[0, 0] : f32 from vector<1x1xf32>
    %mul3A = vector.broadcast %get3A_19 : f32 to vector<10000x128xf32>
    %mul3A_20 = arith.mulf %mul3A, %concatenate3A_15 : vector<10000x128xf32>
    %add3A = arith.addf %mul3A_20, %concatenate3A : vector<10000x128xf32>
    %get3A_21 = arith.constant 0 : index
    %get3A_22 = arith.constant 0 : index
    %get3A_23 = vector.load %arg3[%get3A_21, %get3A_22] : memref<128x256xf32, #tpu.memory_space<vmem>>, vector<128x256xf32>
    %dot_general3A = arith.constant dense<0.000000e+00> : vector<10000x256xf32>
    %dot_general3A_24 = tpu.matmul %add3A, %get3A_23, %dot_general3A {dimension_numbers = #tpu.dot_dimension_numbers<[1], [0], [0], [1], [0, 0, 1, 1], [], []>, transpose_lhs_hint = false} : vector<10000x128xf32>, vector<128x256xf32>, vector<10000x256xf32> -> vector<10000x256xf32>
    %get3A_25 = arith.constant 0 : index
    %get3A_26 = vector.load %arg4[%get3A_25] : memref<256xf32, #tpu.memory_space<vmem>>, vector<256xf32>
    %broadcast_in_dim3A = vector.shape_cast %get3A_26 : vector<256xf32> to vector<1x256xf32>
    %add3A_27 = vector.broadcast %broadcast_in_dim3A : vector<1x256xf32> to vector<10000x256xf32>
    %add3A_28 = arith.addf %dot_general3A_24, %add3A_27 : vector<10000x256xf32>
    %reduce_sum3A = arith.constant dense<0.000000e+00> : vector<256xf32>
    %reduce_sum3A_29 = vector.multi_reduction <add>, %add3A_28, %reduce_sum3A [0] : vector<10000x256xf32> to vector<256xf32>
    %broadcast_in_dim3A_30 = vector.shape_cast %reduce_sum3A_29 : vector<256xf32> to vector<1x256xf32>
    %div3A = arith.constant 1.000000e+04 : f32
    %div3A_31 = vector.broadcast %div3A : f32 to vector<1x256xf32>
    %div3A_32 = arith.divf %broadcast_in_dim3A_30, %div3A_31 : vector<1x256xf32>
    %sub3A = vector.broadcast %div3A_32 : vector<1x256xf32> to vector<10000x256xf32>
    %sub3A_33 = arith.subf %add3A_28, %sub3A : vector<10000x256xf32>
    %mul3A_34 = arith.mulf %sub3A_33, %sub3A_33 : vector<10000x256xf32>
    %reduce_sum3A_35 = arith.constant dense<0.000000e+00> : vector<256xf32>
    %reduce_sum3A_36 = vector.multi_reduction <add>, %mul3A_34, %reduce_sum3A_35 [0] : vector<10000x256xf32> to vector<256xf32>
    %broadcast_in_dim3A_37 = vector.shape_cast %reduce_sum3A_36 : vector<256xf32> to vector<1x256xf32>
    %div3A_38 = arith.constant 1.000000e+04 : f32
    %div3A_39 = vector.broadcast %div3A_38 : f32 to vector<1x256xf32>
    %div3A_40 = arith.divf %broadcast_in_dim3A_37, %div3A_39 : vector<1x256xf32>
    %get3A_41 = arith.constant 0 : index
    %get3A_42 = vector.load %arg5[%get3A_41] : memref<256xf32, #tpu.memory_space<vmem>>, vector<256xf32>
    %broadcast_in_dim3A_43 = vector.shape_cast %get3A_42 : vector<256xf32> to vector<1x256xf32>
    %mul3A_44 = vector.broadcast %broadcast_in_dim3A_43 : vector<1x256xf32> to vector<10000x256xf32>
    %mul3A_45 = arith.mulf %mul3A_44, %sub3A_33 : vector<10000x256xf32>
    %add3A_46 = arith.constant 9.99999974E-6 : f32
    %add3A_47 = vector.broadcast %add3A_46 : f32 to vector<1x256xf32>
    %add3A_48 = arith.addf %div3A_40, %add3A_47 : vector<1x256xf32>
    %rsqrt3A = math.rsqrt %add3A_48 : vector<1x256xf32>
    %mul3A_49 = vector.broadcast %rsqrt3A : vector<1x256xf32> to vector<10000x256xf32>
    %mul3A_50 = arith.mulf %mul3A_45, %mul3A_49 : vector<10000x256xf32>
    %get3A_51 = arith.constant 0 : index
    %get3A_52 = vector.load %arg6[%get3A_51] : memref<256xf32, #tpu.memory_space<vmem>>, vector<256xf32>
    %broadcast_in_dim3A_53 = vector.shape_cast %get3A_52 : vector<256xf32> to vector<1x256xf32>
    %add3A_54 = vector.broadcast %broadcast_in_dim3A_53 : vector<1x256xf32> to vector<10000x256xf32>
    %add3A_55 = arith.addf %mul3A_50, %add3A_54 : vector<10000x256xf32>
    %max3A = arith.constant 0.000000e+00 : f32
    %max3A_56 = vector.broadcast %max3A : f32 to vector<10000x256xf32>
    %max3A_57 = arith.maximumf %add3A_55, %max3A_56 : vector<10000x256xf32>
    %get3A_58 = arith.constant 0 : index
    %get3A_59 = arith.constant 0 : index
    %get3A_60 = vector.load %arg7[%get3A_58, %get3A_59] : memref<256x128xf32, #tpu.memory_space<vmem>>, vector<256x128xf32>
    %dot_general3A_61 = arith.constant dense<0.000000e+00> : vector<10000x128xf32>
    %dot_general3A_62 = tpu.matmul %max3A_57, %get3A_60, %dot_general3A_61 {dimension_numbers = #tpu.dot_dimension_numbers<[1], [0], [0], [1], [0, 0, 1, 1], [], []>, transpose_lhs_hint = false} : vector<10000x256xf32>, vector<256x128xf32>, vector<10000x128xf32> -> vector<10000x128xf32>
    %get3A_63 = arith.constant 0 : index
    %get3A_64 = vector.load %arg8[%get3A_63] : memref<128xf32, #tpu.memory_space<vmem>>, vector<128xf32>
    %broadcast_in_dim3A_65 = vector.shape_cast %get3A_64 : vector<128xf32> to vector<1x128xf32>
    %add3A_66 = vector.broadcast %broadcast_in_dim3A_65 : vector<1x128xf32> to vector<10000x128xf32>
    %add3A_67 = arith.addf %dot_general3A_62, %add3A_66 : vector<10000x128xf32>
    %reduce_sum3A_68 = arith.constant dense<0.000000e+00> : vector<128xf32>
    %reduce_sum3A_69 = vector.multi_reduction <add>, %add3A_67, %reduce_sum3A_68 [0] : vector<10000x128xf32> to vector<128xf32>
    %broadcast_in_dim3A_70 = vector.shape_cast %reduce_sum3A_69 : vector<128xf32> to vector<1x128xf32>
    %div3A_71 = arith.constant 1.000000e+04 : f32
    %div3A_72 = vector.broadcast %div3A_71 : f32 to vector<1x128xf32>
    %div3A_73 = arith.divf %broadcast_in_dim3A_70, %div3A_72 : vector<1x128xf32>
    %sub3A_74 = vector.broadcast %div3A_73 : vector<1x128xf32> to vector<10000x128xf32>
    %sub3A_75 = arith.subf %add3A_67, %sub3A_74 : vector<10000x128xf32>
    %mul3A_76 = arith.mulf %sub3A_75, %sub3A_75 : vector<10000x128xf32>
    %reduce_sum3A_77 = arith.constant dense<0.000000e+00> : vector<128xf32>
    %reduce_sum3A_78 = vector.multi_reduction <add>, %mul3A_76, %reduce_sum3A_77 [0] : vector<10000x128xf32> to vector<128xf32>
    %broadcast_in_dim3A_79 = vector.shape_cast %reduce_sum3A_78 : vector<128xf32> to vector<1x128xf32>
    %div3A_80 = arith.constant 1.000000e+04 : f32
    %div3A_81 = vector.broadcast %div3A_80 : f32 to vector<1x128xf32>
    %div3A_82 = arith.divf %broadcast_in_dim3A_79, %div3A_81 : vector<1x128xf32>
    %get3A_83 = arith.constant 0 : index
    %get3A_84 = vector.load %arg9[%get3A_83] : memref<128xf32, #tpu.memory_space<vmem>>, vector<128xf32>
    %broadcast_in_dim3A_85 = vector.shape_cast %get3A_84 : vector<128xf32> to vector<1x128xf32>
    %mul3A_86 = vector.broadcast %broadcast_in_dim3A_85 : vector<1x128xf32> to vector<10000x128xf32>
    %mul3A_87 = arith.mulf %mul3A_86, %sub3A_75 : vector<10000x128xf32>
    %add3A_88 = arith.constant 9.99999974E-6 : f32
    %add3A_89 = vector.broadcast %add3A_88 : f32 to vector<1x128xf32>
    %add3A_90 = arith.addf %div3A_82, %add3A_89 : vector<1x128xf32>
    %rsqrt3A_91 = math.rsqrt %add3A_90 : vector<1x128xf32>
    %mul3A_92 = vector.broadcast %rsqrt3A_91 : vector<1x128xf32> to vector<10000x128xf32>
    %mul3A_93 = arith.mulf %mul3A_87, %mul3A_92 : vector<10000x128xf32>
    %get3A_94 = arith.constant 0 : index
    %get3A_95 = vector.load %arg10[%get3A_94] : memref<128xf32, #tpu.memory_space<vmem>>, vector<128xf32>
    %broadcast_in_dim3A_96 = vector.shape_cast %get3A_95 : vector<128xf32> to vector<1x128xf32>
    %add3A_97 = vector.broadcast %broadcast_in_dim3A_96 : vector<1x128xf32> to vector<10000x128xf32>
    %add3A_98 = arith.addf %mul3A_93, %add3A_97 : vector<10000x128xf32>
    %max3A_99 = arith.constant 0.000000e+00 : f32
    %max3A_100 = vector.broadcast %max3A_99 : f32 to vector<10000x128xf32>
    %max3A_101 = arith.maximumf %add3A_98, %max3A_100 : vector<10000x128xf32>
    %slice3A = vector.extract_strided_slice %max3A_101 {offsets = [0, 0], sizes = [10000, 64], strides = [1, 1]} : vector<10000x128xf32> to vector<10000x64xf32>
    %swap3A = arith.constant 0 : index
    %swap3A_102 = arith.constant 0 : index
    %swap3A_103 = vector.load %arg11[%swap3A, %swap3A_102] : memref<20000x64xf32, #tpu.memory_space<vmem>>, vector<10000x64xf32>
    tpu.vector_store %arg11[%swap3A, %swap3A_102], %slice3A {strides = array<i32>} : memref<20000x64xf32, #tpu.memory_space<vmem>>, vector<10000x64xf32>,
    %slice3A_104 = vector.extract_strided_slice %max3A_101 {offsets = [0, 64], sizes = [10000, 64], strides = [1, 1]} : vector<10000x128xf32> to vector<10000x64xf32>
    %swap3A_105 = arith.constant 10000 : index
    %swap3A_106 = arith.constant 0 : index
    %swap3A_107 = vector.load %arg11[%swap3A_105, %swap3A_106] : memref<20000x64xf32, #tpu.memory_space<vmem>>, vector<10000x64xf32>
    tpu.vector_store %arg11[%swap3A_105, %swap3A_106], %slice3A_104 {strides = array<i32>} : memref<20000x64xf32, #tpu.memory_space<vmem>>, vector<10000x64xf32>,
    return
  }
}

module attributes {stable_mosaic.version = 14 : i64} {
  func.func @_dense_body(%arg0: memref<20000x64xf32, #tpu.memory_space<vmem>>, %arg1: memref<2x10240x64xf32, #tpu.memory_space<vmem>>, %arg2: memref<1x1xf32, #tpu.memory_space<vmem>>, %arg3: memref<128x256xf32, #tpu.memory_space<vmem>>, %arg4: memref<256xf32, #tpu.memory_space<vmem>>, %arg5: memref<256xf32, #tpu.memory_space<vmem>>, %arg6: memref<256xf32, #tpu.memory_space<vmem>>, %arg7: memref<256x128xf32, #tpu.memory_space<vmem>>, %arg8: memref<128xf32, #tpu.memory_space<vmem>>, %arg9: memref<128xf32, #tpu.memory_space<vmem>>, %arg10: memref<128xf32, #tpu.memory_space<vmem>>, %arg11: memref<10000x128xf32, #tpu.memory_space<vmem>>) attributes {dimension_semantics = [], scalar_prefetch = 0 : i64, scratch_operands = 0 : i64, tpu.core_type = #tpu.core_type<tc>} {
    %get3A = arith.constant 0 : index
    %get3A_0 = arith.constant 0 : index
    %get3A_1 = arith.constant 0 : index
    %get3A_2 = vector.load %arg1[%get3A, %get3A_0, %get3A_1] : memref<2x10240x64xf32, #tpu.memory_space<vmem>>, vector<1x10000x64xf32>
    %get3A_3 = vector.shape_cast %get3A_2 : vector<1x10000x64xf32> to vector<10000x64xf32>
    %get3A_4 = arith.constant 1 : index
    %get3A_5 = arith.constant 0 : index
    %get3A_6 = arith.constant 0 : index
    %get3A_7 = vector.load %arg1[%get3A_4, %get3A_5, %get3A_6] : memref<2x10240x64xf32, #tpu.memory_space<vmem>>, vector<1x10000x64xf32>
    %get3A_8 = vector.shape_cast %get3A_7 : vector<1x10000x64xf32> to vector<10000x64xf32>
    %concatenate3A = tpu.concatenate %get3A_3, %get3A_8 in 1 : vector<10000x64xf32>, vector<10000x64xf32> -> vector<10000x128xf32>
    %get3A_9 = arith.constant 0 : index
    %get3A_10 = arith.constant 0 : index
    %get3A_11 = vector.load %arg0[%get3A_9, %get3A_10] : memref<20000x64xf32, #tpu.memory_space<vmem>>, vector<10000x64xf32>
    %get3A_12 = arith.constant 10000 : index
    %get3A_13 = arith.constant 0 : index
    %get3A_14 = vector.load %arg0[%get3A_12, %get3A_13] : memref<20000x64xf32, #tpu.memory_space<vmem>>, vector<10000x64xf32>
    %concatenate3A_15 = tpu.concatenate %get3A_11, %get3A_14 in 1 : vector<10000x64xf32>, vector<10000x64xf32> -> vector<10000x128xf32>
    %get3A_16 = arith.constant 0 : index
    %get3A_17 = arith.constant 0 : index
    %get3A_18 = vector.load %arg2[%get3A_16, %get3A_17] : memref<1x1xf32, #tpu.memory_space<vmem>>, vector<1x1xf32>
    %get3A_19 = vector.extract %get3A_18[0, 0] : f32 from vector<1x1xf32>
    %mul3A = vector.broadcast %get3A_19 : f32 to vector<10000x128xf32>
    %mul3A_20 = arith.mulf %mul3A, %concatenate3A_15 : vector<10000x128xf32>
    %add3A = arith.addf %mul3A_20, %concatenate3A : vector<10000x128xf32>
    %get3A_21 = arith.constant 0 : index
    %get3A_22 = arith.constant 0 : index
    %get3A_23 = vector.load %arg3[%get3A_21, %get3A_22] : memref<128x256xf32, #tpu.memory_space<vmem>>, vector<128x256xf32>
    %dot_general3A = arith.constant dense<0.000000e+00> : vector<10000x256xf32>
    %dot_general3A_24 = tpu.matmul %add3A, %get3A_23, %dot_general3A {dimension_numbers = #tpu.dot_dimension_numbers<[1], [0], [0], [1], [0, 0, 1, 1], [], []>, transpose_lhs_hint = false} : vector<10000x128xf32>, vector<128x256xf32>, vector<10000x256xf32> -> vector<10000x256xf32>
    %get3A_25 = arith.constant 0 : index
    %get3A_26 = vector.load %arg4[%get3A_25] : memref<256xf32, #tpu.memory_space<vmem>>, vector<256xf32>
    %broadcast_in_dim3A = vector.shape_cast %get3A_26 : vector<256xf32> to vector<1x256xf32>
    %add3A_27 = vector.broadcast %broadcast_in_dim3A : vector<1x256xf32> to vector<10000x256xf32>
    %add3A_28 = arith.addf %dot_general3A_24, %add3A_27 : vector<10000x256xf32>
    %reduce_sum3A = arith.constant dense<0.000000e+00> : vector<256xf32>
    %reduce_sum3A_29 = vector.multi_reduction <add>, %add3A_28, %reduce_sum3A [0] : vector<10000x256xf32> to vector<256xf32>
    %broadcast_in_dim3A_30 = vector.shape_cast %reduce_sum3A_29 : vector<256xf32> to vector<1x256xf32>
    %div3A = arith.constant 1.000000e+04 : f32
    %div3A_31 = vector.broadcast %div3A : f32 to vector<1x256xf32>
    %div3A_32 = arith.divf %broadcast_in_dim3A_30, %div3A_31 : vector<1x256xf32>
    %sub3A = vector.broadcast %div3A_32 : vector<1x256xf32> to vector<10000x256xf32>
    %sub3A_33 = arith.subf %add3A_28, %sub3A : vector<10000x256xf32>
    %mul3A_34 = arith.mulf %sub3A_33, %sub3A_33 : vector<10000x256xf32>
    %reduce_sum3A_35 = arith.constant dense<0.000000e+00> : vector<256xf32>
    %reduce_sum3A_36 = vector.multi_reduction <add>, %mul3A_34, %reduce_sum3A_35 [0] : vector<10000x256xf32> to vector<256xf32>
    %broadcast_in_dim3A_37 = vector.shape_cast %reduce_sum3A_36 : vector<256xf32> to vector<1x256xf32>
    %div3A_38 = arith.constant 1.000000e+04 : f32
    %div3A_39 = vector.broadcast %div3A_38 : f32 to vector<1x256xf32>
    %div3A_40 = arith.divf %broadcast_in_dim3A_37, %div3A_39 : vector<1x256xf32>
    %get3A_41 = arith.constant 0 : index
    %get3A_42 = vector.load %arg5[%get3A_41] : memref<256xf32, #tpu.memory_space<vmem>>, vector<256xf32>
    %broadcast_in_dim3A_43 = vector.shape_cast %get3A_42 : vector<256xf32> to vector<1x256xf32>
    %mul3A_44 = vector.broadcast %broadcast_in_dim3A_43 : vector<1x256xf32> to vector<10000x256xf32>
    %mul3A_45 = arith.mulf %mul3A_44, %sub3A_33 : vector<10000x256xf32>
    %add3A_46 = arith.constant 9.99999974E-6 : f32
    %add3A_47 = vector.broadcast %add3A_46 : f32 to vector<1x256xf32>
    %add3A_48 = arith.addf %div3A_40, %add3A_47 : vector<1x256xf32>
    %rsqrt3A = math.rsqrt %add3A_48 : vector<1x256xf32>
    %mul3A_49 = vector.broadcast %rsqrt3A : vector<1x256xf32> to vector<10000x256xf32>
    %mul3A_50 = arith.mulf %mul3A_45, %mul3A_49 : vector<10000x256xf32>
    %get3A_51 = arith.constant 0 : index
    %get3A_52 = vector.load %arg6[%get3A_51] : memref<256xf32, #tpu.memory_space<vmem>>, vector<256xf32>
    %broadcast_in_dim3A_53 = vector.shape_cast %get3A_52 : vector<256xf32> to vector<1x256xf32>
    %add3A_54 = vector.broadcast %broadcast_in_dim3A_53 : vector<1x256xf32> to vector<10000x256xf32>
    %add3A_55 = arith.addf %mul3A_50, %add3A_54 : vector<10000x256xf32>
    %max3A = arith.constant 0.000000e+00 : f32
    %max3A_56 = vector.broadcast %max3A : f32 to vector<10000x256xf32>
    %max3A_57 = arith.maximumf %add3A_55, %max3A_56 : vector<10000x256xf32>
    %get3A_58 = arith.constant 0 : index
    %get3A_59 = arith.constant 0 : index
    %get3A_60 = vector.load %arg7[%get3A_58, %get3A_59] : memref<256x128xf32, #tpu.memory_space<vmem>>, vector<256x128xf32>
    %dot_general3A_61 = arith.constant dense<0.000000e+00> : vector<10000x128xf32>
    %dot_general3A_62 = tpu.matmul %max3A_57, %get3A_60, %dot_general3A_61 {dimension_numbers = #tpu.dot_dimension_numbers<[1], [0], [0], [1], [0, 0, 1, 1], [], []>, transpose_lhs_hint = false} : vector<10000x256xf32>, vector<256x128xf32>, vector<10000x128xf32> -> vector<10000x128xf32>
    %get3A_63 = arith.constant 0 : index
    %get3A_64 = vector.load %arg8[%get3A_63] : memref<128xf32, #tpu.memory_space<vmem>>, vector<128xf32>
    %broadcast_in_dim3A_65 = vector.shape_cast %get3A_64 : vector<128xf32> to vector<1x128xf32>
    %add3A_66 = vector.broadcast %broadcast_in_dim3A_65 : vector<1x128xf32> to vector<10000x128xf32>
    %add3A_67 = arith.addf %dot_general3A_62, %add3A_66 : vector<10000x128xf32>
    %reduce_sum3A_68 = arith.constant dense<0.000000e+00> : vector<128xf32>
    %reduce_sum3A_69 = vector.multi_reduction <add>, %add3A_67, %reduce_sum3A_68 [0] : vector<10000x128xf32> to vector<128xf32>
    %broadcast_in_dim3A_70 = vector.shape_cast %reduce_sum3A_69 : vector<128xf32> to vector<1x128xf32>
    %div3A_71 = arith.constant 1.000000e+04 : f32
    %div3A_72 = vector.broadcast %div3A_71 : f32 to vector<1x128xf32>
    %div3A_73 = arith.divf %broadcast_in_dim3A_70, %div3A_72 : vector<1x128xf32>
    %sub3A_74 = vector.broadcast %div3A_73 : vector<1x128xf32> to vector<10000x128xf32>
    %sub3A_75 = arith.subf %add3A_67, %sub3A_74 : vector<10000x128xf32>
    %mul3A_76 = arith.mulf %sub3A_75, %sub3A_75 : vector<10000x128xf32>
    %reduce_sum3A_77 = arith.constant dense<0.000000e+00> : vector<128xf32>
    %reduce_sum3A_78 = vector.multi_reduction <add>, %mul3A_76, %reduce_sum3A_77 [0] : vector<10000x128xf32> to vector<128xf32>
    %broadcast_in_dim3A_79 = vector.shape_cast %reduce_sum3A_78 : vector<128xf32> to vector<1x128xf32>
    %div3A_80 = arith.constant 1.000000e+04 : f32
    %div3A_81 = vector.broadcast %div3A_80 : f32 to vector<1x128xf32>
    %div3A_82 = arith.divf %broadcast_in_dim3A_79, %div3A_81 : vector<1x128xf32>
    %get3A_83 = arith.constant 0 : index
    %get3A_84 = vector.load %arg9[%get3A_83] : memref<128xf32, #tpu.memory_space<vmem>>, vector<128xf32>
    %broadcast_in_dim3A_85 = vector.shape_cast %get3A_84 : vector<128xf32> to vector<1x128xf32>
    %mul3A_86 = vector.broadcast %broadcast_in_dim3A_85 : vector<1x128xf32> to vector<10000x128xf32>
    %mul3A_87 = arith.mulf %mul3A_86, %sub3A_75 : vector<10000x128xf32>
    %add3A_88 = arith.constant 9.99999974E-6 : f32
    %add3A_89 = vector.broadcast %add3A_88 : f32 to vector<1x128xf32>
    %add3A_90 = arith.addf %div3A_82, %add3A_89 : vector<1x128xf32>
    %rsqrt3A_91 = math.rsqrt %add3A_90 : vector<1x128xf32>
    %mul3A_92 = vector.broadcast %rsqrt3A_91 : vector<1x128xf32> to vector<10000x128xf32>
    %mul3A_93 = arith.mulf %mul3A_87, %mul3A_92 : vector<10000x128xf32>
    %get3A_94 = arith.constant 0 : index
    %get3A_95 = vector.load %arg10[%get3A_94] : memref<128xf32, #tpu.memory_space<vmem>>, vector<128xf32>
    %broadcast_in_dim3A_96 = vector.shape_cast %get3A_95 : vector<128xf32> to vector<1x128xf32>
    %add3A_97 = vector.broadcast %broadcast_in_dim3A_96 : vector<1x128xf32> to vector<10000x128xf32>
    %add3A_98 = arith.addf %mul3A_93, %add3A_97 : vector<10000x128xf32>
    %swap3A = arith.constant 0 : index
    %swap3A_99 = arith.constant 0 : index
    %swap3A_100 = vector.load %arg11[%swap3A, %swap3A_99] : memref<10000x128xf32, #tpu.memory_space<vmem>>, vector<10000x128xf32>
    tpu.vector_store %arg11[%swap3A, %swap3A_99], %add3A_98 {strides = array<i32>} : memref<10000x128xf32, #tpu.memory_space<vmem>>, vector<10000x128xf32>,
    return
  }
}

</mosaic_0001>

<sc_bundles>
// kernel: kernel.11.cloned.1.call-start
scs
__scs_entry_jumppad:
0x0: {  	(pc) =	sbr.rel $0x88, $3  }
0x1: {  	(tag) =	ssettag $0x0;
	lr =	simm.s32 $0x1  }
0x2: {  	[smem:$0x3F93] =	sst lr;
	_ =	strace $0xD0000000  }
0x3: {  	_ = 	snop  }
0x4: {  	_ = 	snop  }
0x5: {  	_ = 	snop  }
0x6: {  	_ = 	snop  }
0x7: {  	_ = 	snop  }
__scs_overlays_trampoline_lowered:
0x8: {  	[smem:$0x3FA2] =	sst s0  }
0x9: {  	[smem:$0x3FA3] =	sst s1  }
0xa: {  	[smem:$0x3FA4] =	sst s2  }
0xb: {  	[smem:$0x3FA5] =	sst s3  }
0xc: {  	[smem:$0x3FA6] =	sst s4  }
0xd: {  	[smem:$0x3FA7] =	sst s5  }
0xe: {  	[smem:$0x3FA8] =	sst s6  }
0xf: {  	[smem:$0x3FA9] =	sst s7  }
0x10: {  	[smem:$0x3FAA] =	sst s8  }
0x11: {  	[smem:$0x3FAB] =	sst s9;
	s0 =	simm.s32 @!p0 $0x0  }
0x12: {  	s1 =	sld [smem:$0x3F91];
	s0 =	simm.s32 @p0 $0x1  }
0x13: {  	[smem:$0x3FAC] =	sst s0;
	s0 =	simm.s32 @!p1 $0x0  }
0x14: {  	s2 =	sld [smem:$0x3F90];
	s0 =	simm.s32 @p1 $0x1  }
0x15: {  	[smem:$0x3FAD] =	sst s0;
	s0 =	simm.s32 @!p2 $0x0  }
0x16: {  	s3 =	sld [smem:$0x3FDB];
	s0 =	simm.s32 @p2 $0x1  }
0x17: {  	s4 =	simm.s32 $0x1BF5;
	[smem:$0x3FAF] =	sst s0  }
0x18: {  	s0 =	sld [smem:$0x3F92];
	_ =	swait.ge [sflag:s4], $0x0  }
0x19: {  	s7 =	sld [smem:$0x3F93]  }
0x1a: {  	s8 =	sadd.s32 $0xFFFFE003, lr  }
0x1b: {  	s9 =	sadd.s32 $0xFFFFFEF7, lr;
	s5 =	simm.s32 $0xFFFFFFFF;
	p2 =	slt.u32 s8, $0xFFFFF086  }
0x1c: {  	p1 =	slt.u32 s9, $0xF7A;
	s5 =	simm.s32 @!p2 $0x0  }
0x1d: {  	s5 =	simm.s32 @p1 $0x1;
	p0 =	seq.s32 s7, s2  }
0x1e: {  	s7 =	smul.u32 @!p0 $0xF7A, s2;
	p2 =	seq.s32 @!p0 s5, $0x0  }
0x1f: {  	s9 =	smul.u32 $0xF7A, s1;
	s8 =	simm.s32 @!p0 $0x1BF5;
	p2 =	por !p2, p0  }
0x20: {  	[sflag:s8] =	ssyncset.s32 @!p0 $0xFFFFF086;
	s6 =	sadd.s32 @!p0 s3, s7;
	s7 =	simm.s32 @!p0 $0x108  }
0x21: {  	s3 =	sadd.s32 s3, s9;
	s6 =	sadd.s32 @!p0 $0x88, s6;
	s7 =	simm.s32 @p2 $0x1082  }
0x22: {  	[simem:s7], [sflag:s8] =	dma.local @!p0 [hbm:s6], $0xF7A  }
0x23: {  	s9 =	sor.u32 $0xD0000000, s2;
	s6 =	simm.s32 $0x108;
	_ =	swait.ge @!p0 [sflag:s8], $0x0  }
0x24: {  	s3 =	sadd.s32 $0x88, s3;
	s6 =	simm.s32 @!p1 $0x1082;
	[sflag:s4] =	ssyncset.s32 $0xFFFFF086  }
0x25: {  	[simem:s6], [sflag:s4] =	dma.local [hbm:s3], $0xF7A  }
0x26: {  	[smem:$0x3F93] =	sst s1;
	(tag) =	ssettag s2;
	_ =	strace s9  }
0x27: {  	s1 =	sld [smem:$0x3FA3]  }
0x28: {  	s2 =	sld [smem:$0x3FA4]  }
0x29: {  	s4 =	sld [smem:$0x3FA6]  }
0x2a: {  	p0 =	seq.s32 s5, $0x0;
	s5 =	sld [smem:$0x3FA7]  }
0x2b: {  	s6 =	sld [smem:$0x3FA8]  }
0x2c: {  	s7 =	sld [smem:$0x3FA9]  }
0x2d: {  	s3 =	simm.s32 $0x108;
	s8 =	sld [smem:$0x3FAA]  }
0x2e: {  	s3 =	simm.s32 @!p0 $0x1082;
	s9 =	sld [smem:$0x3FAB]  }
0x2f: {  	lr =	sadd.s32 s0, s3;
	s0 =	sld [smem:$0x3FA2]  }
0x30: {  	s3 =	sld [smem:$0x3FA5]  }
0x31: {  	[smem:$0x3FAE] =	sst s10  }
0x32: {  	s10 =	sld [smem:$0x3FAC];
	_ =	sdelay $0x3  }
0x33: {  	p0 =	seq.s32 s10, $0x1;
	s10 =	sld [smem:$0x3FAE];
	_ =	sdelay $0x3  }
0x34: {  	[smem:$0x3FAE] =	sst s10  }
0x35: {  	s10 =	sld [smem:$0x3FAD];
	_ =	sdelay $0x3  }
0x36: {  	p1 =	seq.s32 s10, $0x1;
	s10 =	sld [smem:$0x3FAE];
	_ =	sdelay $0x3  }
0x37: {  	[smem:$0x3FAE] =	sst s10  }
0x38: {  	s10 =	sld [smem:$0x3FAF]  }
0x39: {  	_ = 	snop;
	(pc) =	sbr.ind lr, $3  }
0x3a: {  	_ = 	snop  }
0x3b: {  	_ = 	snop  }
0x3c: {  	p2 =	seq.s32 s10, $0x1;
	s10 =	sld [smem:$0x3FAE]  }
0x3d: {  	_ =	shalt  }
0x3e: {  	_ =	shalt  }
0x3f: {  	_ =	shalt  }
0x40: {  	_ =	shalt  }
0x41: {  	_ =	shalt  }
0x42: {  	_ =	shalt  }
0x43: {  	_ =	shalt  }
0x44: {  	_ =	shalt  }
0x45: {  	_ =	shalt  }
0x46: {  	_ =	shalt  }
0x47: {  	_ =	shalt  }
0x48: {  	_ =	shalt  }
0x49: {  	_ =	shalt  }
0x4a: {  	_ =	shalt  }
0x4b: {  	_ =	shalt  }
0x4c: {  	_ =	shalt  }
0x4d: {  	_ =	shalt  }
0x4e: {  	_ =	shalt  }
0x4f: {  	_ =	shalt  }
0x50: {  	_ =	shalt  }
0x51: {  	_ =	shalt  }
0x52: {  	_ =	shalt  }
0x53: {  	_ =	shalt  }
0x54: {  	_ =	shalt  }
0x55: {  	_ =	shalt  }
0x56: {  	_ =	shalt  }
0x57: {  	_ =	shalt  }
0x58: {  	_ =	shalt  }
0x59: {  	_ =	shalt  }
0x5a: {  	_ =	shalt  }
0x5b: {  	_ =	shalt  }
0x5c: {  	_ =	shalt  }
0x5d: {  	_ =	shalt  }
0x5e: {  	_ =	shalt  }
0x5f: {  	_ =	shalt  }
0x60: {  	_ =	shalt  }
0x61: {  	_ =	shalt  }
0x62: {  	_ =	shalt  }
0x63: {  	_ =	shalt  }
0x64: {  	_ =	shalt  }
0x65: {  	_ =	shalt  }
0x66: {  	_ =	shalt  }
0x67: {  	_ =	shalt  }
0x68: {  	_ =	shalt  }
0x69: {  	_ =	shalt  }
0x6a: {  	_ =	shalt  }
0x6b: {  	_ =	shalt  }
0x6c: {  	_ =	shalt  }
0x6d: {  	_ =	shalt  }
0x6e: {  	_ =	shalt  }
0x6f: {  	_ =	shalt  }
0x70: {  	_ =	shalt  }
0x71: {  	_ =	shalt  }
0x72: {  	_ =	shalt  }
0x73: {  	_ =	shalt  }
0x74: {  	_ =	shalt  }
0x75: {  	_ =	shalt  }
0x76: {  	_ =	shalt  }
0x77: {  	_ =	shalt  }
0x78: {  	_ =	shalt  }
0x79: {  	_ =	shalt  }
0x7a: {  	_ =	shalt  }
0x7b: {  	_ =	shalt  }
0x7c: {  	_ =	shalt  }
0x7d: {  	_ =	shalt  }
0x7e: {  	_ =	shalt  }
0x7f: {  	_ =	shalt  }
0x80: {  	_ =	shalt  }
0x81: {  	_ =	shalt  }
0x82: {  	_ =	shalt  }
0x83: {  	_ =	shalt  }
0x84: {  	_ =	shalt  }
0x85: {  	_ =	shalt  }
0x86: {  	_ =	shalt  }
0x87: {  	_ =	shalt  }
.Lfunc_end0:
.L_simem_size_0:
called_computation_lowered:
.L_overlay_start_0:
0x88: {  	s2 =	sld [smem:$0x3FD9]  }
0x89: {  	s3 =	sld [smem:$0x3FFE];
	_ =	sdelay $0x1  }
0x8a: {  	s1 =	srdreg.scid  }
0x8b: {  	s0 =	sand.u32 $0x1, s1  }
0x8c: {  	s16 =	sshll.u32 s0, $0xA;
	s2 =	sadd.s32 s3, s2  }
0x8d: {  	s2 =	sadd.s32 s2, s16  }
0x8e: {  	[smem:$0x3FBA] =	sst s2  }
0x8f: {  	_ = 	snop  }
0x90: {  	(tm) =	ssettm $0x1  }
0x91: {  	s17 =	sld [smem:$0x3FFB];
	_ =	sdelay $0x3  }
0x92: {  	_ =	strace s17  }
0x93: {  	s2 =	sld [smem:$0x3FFC];
	_ =	sdelay $0x3  }
0x94: {  	_ =	strace s2  }
0x95: {  	s2 =	sld [smem:$0x3FFD];
	_ =	sdelay $0x3  }
0x96: {  	_ =	strace s2  }
0x97: {  	_ =	strace $0x8FFFFFFF  }
0x98: {  	s18 =	sld [smem:$0x3FDB];
	_ =	sdelay $0x1  }
0x99: {  	s19 =	simm.s32 $_scs_section_size  }
0x9a: {  	s4 =	simm.s32 $_size__tile_overlayer_lowered;
	s5 =	simm.s32 $_tile_overlayer_lowered  }
0x9b: {  	s22 =	simm.s32 $0x1BFF;
	s21 =	sshll.u32 s5, $0x1;
	s2 =	sadd.s32 s19, s18  }
0x9c: {  	s6 =	simm.s32 $0x0;
	s20 =	sshll.u32 s4, $0x1;
	s4 =	sadd.s32 s21, s2  }
0x9d: {  	[timem:s6], [sflag:s22] =	dma.local [hbm:s4], s20  }
0x9e: {  	_ =	swait.ge [sflag:s22], s20  }
0x9f: {  	s3 =	ssub.s32 $0x0, s20;
	[sflag:s22] =	ssyncset.done $0x0  }
0xa0: {  	[sflag:s22] =	ssyncadd.s32 s3;
	_ =	sdelay $0x1  }
0xa1: {  	s23 =	simm.s32 $0x1B8B  }
0xa2: {  	_ =	swait.ge [sflag:s23], $0x1  }
0xa3: {  	[sflag:s23] =	ssyncset.done $0x0  }
0xa4: {  	s25 =	simm.s32 $0x1B8E;
	s24 =	sld [smem:$0x3FFE];
	[sflag:s23] =	ssyncadd.s32 $0xFFFFFFFF  }
0xa5: {  	s26 =	simm.s32 $execute0_lowered;
	[smem:$0x3FD2] =	sst s25  }
0xa6: {  	s4 =	sshll.u32 s26, $0x1;
	_ =	strace $0x80000046;
	[dreg:$0x1] =	wrdreg $0xFFFFFFFF  }
0xa7: {  	s28 =	simm.s32 $_size_execute0_lowered;
	s2 =	sadd.s32 s2, s4;
	[dreg:$0x0] =	wrdreg $0x0  }
0xa8: {  	s4 =	sshll.u32 s28, $0x1;
	[dreg:$0x2] =	wrdreg s2  }
0xa9: {  	[dreg:$0x3] =	wrdreg s4  }
0xaa: {  	[dreg:$0x4] =	wrdreg $0xC0  }
0xab: {  	_ =	task [dreg:s6], $0x5FFFF  }
0xac: {  	[dreg:$0x1] =	wrdreg $0xFFFFFFFF  }
0xad: {  	[dreg:$0x0] =	wrdreg $0x60  }
0xae: {  	[dreg:$0x2] =	wrdreg s24  }
0xaf: {  	[dreg:$0x3] =	wrdreg $0x96200  }
0xb0: {  	[dreg:$0x4] =	wrdreg $0x9  }
0xb1: {  	_ =	task.clear_ibuf [dreg:s6], $0x5FFFF;
	_ =	strace $0x90000046  }
0xb2: {  	s29 =	simm.s32 $0x9;
	_ =	strace $0x80000048  }
0xb3: {  	_ =	swait.ge [sflag:s29], $0x1  }
0xb4: {  	[sflag:s29] =	ssyncadd.s32 $0xFFFFFFFF  }
0xb5: {  	_ =	strace $0x90000048  }
0xb6: {  	_ =	sfence  }
0xb7: {  	s30 =	sld [smem:$0x0];
	_ =	sdelay $0x2  }
0xb8: {  	s31 =	sshll.u32 s1, $0xD;
	s1 =	sshrl.u32 s1, $0x2  }
0xb9: {  	s3 =	sand.u32 $0x4000, s31;
	s1 =	sadd.s32 s1, s30  }
0xba: {  	s0 =	sor.u32 s3, s0;
	s1 =	sshll.u32 s1, $0x11  }
0xbb: {  	s0 =	sor.u32 s1, s0  }
0xbc: {  	s0 =	sadd.s32 $0x8F2B, s0  }
0xbd: {  	[sflag:s0] =	ssyncadd.remote.s32 $0x1  }
0xbe: {  	_ =	sfence.sel $0xFFFF  }
0xbf: {  	[dreg:$0x0] =	wrdreg $0xFFFFFFFF;
	(pc) =	sbr.abs _section_cstart, $3  }
0xc0: {  	[dreg:$0x1] =	wrdreg $0xFFFFFFFF  }
0xc1: {  	_ =	task.clear_ibuf [dreg:s6], $0x2FFFF;
	_ =	strace $0x9FFFFFFF  }
0xc2: {  	(tm) =	ssettm $0x7FFFFFFF  }
0xc3: {  	_ =	shalt  }
tec
execute0_lowered:
.L_overlay_start_1:
0x0: {  	(tag) =	ssettag $0x1  }
0x1: {  	s0 =	rddreg [dreg:$0x0];
	s11 =	stileid.u32  }
0x2: {  	s3 =	srdreg.scid;
	s1 =	smul.u32 $0x9C4, s11  }
0x3: {  	s2 =	rddreg [dreg:$0x1];
	s28 =	simm.s32 $0x5;
	s5 =	smul.u32 $0x28000, s11  }
0x4: {  	s29 =	simm.s32 $0x4E20;
	s30 =	simm.s32 $0x1;
	s7 =	smul.u32 $0x138800, s11  }
0x5: {  	s31 =	simm.s32 $0x50;
	s4 =	sand.u32 $0x1, s3;
	s21 =	smul.u32 $0xA000, s11  }
0x6: {  	s3 =	simm.s32 $0x0;
	s10 =	sadd.s32 $0xEAC000, s0;
	s6 =	smul.u32 $0x1388000, s4  }
0x7: {  	[smem:$0x7FF] =	sst s3;
	s8 =	ssub.s32 $0x2, s4;
	s9 =	smul.u32 $0xA0000, s4  }
0x8: {  	_ =	strace $0x80000047;
	s14 =	sshrl.u32 s8, $0x1;
	s1 =	sadd.s32 s1, s0  }
0x9: {  	s0 =	sadd.s32 $0x4F1E00, s0;
	s15 =	sshrl.u32 s5, $0x2;
	s26 =	sadd.s32 $0x4000, s21  }
0xa: {  	s8 =	ssub.s32 s8, s14;
	s5 =	sadd.s32 s7, s6;
	s16 =	sadd.s32 s9, s21  }
0xb: {  	s4 =	sadd.s32 s15, s2;
	s1 =	sadd.s32 $0x4E8000, s1;
	s14 =	sadd.s32 s9, s26  }
0xc: {  	s7 =	sshrl.u32 s5, $0x3;
	s17 =	sshrl.u32 s16, $0x3;
	[dreg:$0x3] =	wrdreg s1  }
0xd: {  	s19 =	smax.u32 s8, $0x1;
	s20 =	sadd.s32 $0x2000, s4;
	s1 =	sadd.s32 $0x2000, s21  }
0xe: {  	s22 =	sadd.s32 $0x4000, s4;
	s23 =	sadd.s32 $0x6000, s4;
	[dreg:$0x5] =	wrdreg s19  }
0xf: {  	s12 =	sadd.s32 $0x8000, s4;
	s25 =	sadd.s32 $0x2800, s5;
	[dreg:$0x6] =	wrdreg s20  }
0x10: {  	s14 =	sshrl.u32 s14, $0x3;
	s6 =	sadd.s32 s10, s7;
	[dreg:$0x7] =	wrdreg s22  }
0x11: {  	s18 =	sadd.s32 s0, s17;
	[dreg:$0x8] =	wrdreg s23;
	s24 =	sadd.s32 s9, s1  }
0x12: {  	s22 =	sadd.s32 $0x6000, s21;
	s23 =	sadd.s32 $0x8000, s21;
	s14 =	sadd.s32 s0, s14  }
0x13: {  	s20 =	sadd.s32 $0x5000, s5;
	s5 =	sadd.s32 $0x3C00, s5;
	s8 =	sshrl.u32 s25, $0x3  }
0x14: {  	s21 =	sadd.s32 s21, s2;
	s1 =	sadd.s32 s1, s2;
	[dreg:$0x4] =	wrdreg s18  }
0x15: {  	s7 =	sshrl.u32 s24, $0x3;
	s15 =	sadd.s32 s9, s22;
	s9 =	sadd.s32 s9, s23  }
0x16: {  	s5 =	sshrl.u32 s5, $0x3;
	s17 =	sadd.s32 s10, s8;
	s11 =	smov.u32 s6  }
0x17: {  	s24 =	sadd.s32 s26, s2;
	s25 =	sadd.s32 s22, s2;
	s26 =	sadd.s32 s23, s2  }
0x18: {  	s21 =	sshrl.u32 s21, $0x3;
	s22 =	sshrl.u32 s1, $0x3;
	s1 =	simm.s32 $0x6220  }
0x19: {  	s8 =	simm.s32 $0x0;
	s13 =	sadd.s32 s0, s7;
	s15 =	sshrl.u32 s15, $0x3  }
.Ltmp0:
0x1a: {  	s9 =	sshrl.u32 s9, $0x3;
	s19 =	sadd.s32 s5, s10;
	(pc) =	sbr.rel .LBB2_1-.Ltmp0, $4  }
0x1b: {  	s23 =	sshrl.u32 s24, $0x3;
	s24 =	sshrl.u32 s25, $0x3;
	s25 =	sshrl.u32 s26, $0x3  }
0x1c: {  	s26 =	simm.s32 $0x7620;
	s5 =	simm.s32 $0x3;
	s7 =	simm.s32 $0x4  }
0x1d: {  	s15 =	sadd.s32 s0, s15;
	s16 =	sadd.s32 s0, s9;
	s0 =	sshrl.u32 s20, $0x3  }
0x1e: {  	v0 =	vimm.f32 $0.0e+00;
	s20 =	sadd.s32 $0x280, s6;
	s18 =	sadd.s32 s0, s10;
	s0 =	simm.s32 $0x2  }
.LBB2_6:
0x1f: {  	_ =	swait.ge [sflag:s7], $0x1400  }
0x20: {  	[sflag:s7] =	ssyncset.done $0x0  }
0x21: {  	s6 =	stileid.u32;
	[sflag:s7] =	ssyncadd.s32 $0xFFFFEC00  }
0x22: {  	s6 =	sshll.u32 s6, $0x6;
	[bflag:$0x0] =	sbarrier.arrive $0xFFFF  }
0x23: {  	s6 =	sor.u32 $0x1C05, s6;
	s9 =	rddreg [dreg:$0x4]  }
0x24: {  	[hbm:s9], [sflag:s6] =	dma.local [spmem:s21], $0x400  }
0x25: {  	_ =	swait.ge [sflag:s28], $0x400  }
0x26: {  	[sflag:s28] =	ssyncset.done $0x0  }
0x27: {  	[sflag:s28] =	ssyncadd.s32 $0xFFFFFC00  }
0x28: {  	[hbm:s13], [sflag:s6] =	dma.local [spmem:s22], $0x400  }
0x29: {  	_ =	swait.ge [sflag:s28], $0x400  }
0x2a: {  	[sflag:s28] =	ssyncset.done $0x0  }
0x2b: {  	[sflag:s28] =	ssyncadd.s32 $0xFFFFFC00  }
0x2c: {  	[hbm:s14], [sflag:s6] =	dma.local [spmem:s23], $0x400  }
0x2d: {  	_ =	swait.ge [sflag:s28], $0x400  }
0x2e: {  	[sflag:s28] =	ssyncset.done $0x0  }
0x2f: {  	[sflag:s28] =	ssyncadd.s32 $0xFFFFFC00  }
0x30: {  	[hbm:s15], [sflag:s6] =	dma.local [spmem:s24], $0x400  }
0x31: {  	_ =	swait.ge [sflag:s28], $0x400  }
0x32: {  	[sflag:s28] =	ssyncset.done $0x0  }
0x33: {  	[sflag:s28] =	ssyncadd.s32 $0xFFFFFC00  }
0x34: {  	[hbm:s16], [sflag:s6] =	dma.local [spmem:s25], $0x400  }
0x35: {  	_ =	swait.ge [sflag:s28], $0x400  }
0x36: {  	s8 =	sadd.s32 $0x1, s8;
	s10 =	rddreg [dreg:$0x5]  }
0x37: {  	p0 =	sne.s32 s8, s10  }
.Ltmp1:
0x38: {  	_ = 	snop;
	(pc) =	sbr.rel @!p0 .LBB2_7-.Ltmp1, $3  }
0x39: {  	_ =	sdelay $0x1  }
0x3a: {  	[sflag:s28] =	ssyncset.done $0x0  }
0x3b: {  	[sflag:s28] =	ssyncadd.s32 $0xFFFFFC00  }
.LBB2_1:
0x3c: {  	s10 =	simm.s32 $0x100;
	s9 =	simm.s32 $0x0  }
.LBB2_2:
0x3d: {  	p0 =	sne.s32 s10, $0x7F00;
	[tilespmem:s9+$0x7650] =	vst v0;
	s6 =	smov.u32 s10;
	s10 =	sadd.s32 $0x100, s10  }
.Ltmp2:
0x3e: {  	[tilespmem:s9+$0x7640] =	vst v0;
	(pc) =	sbr.rel @p0 .LBB2_2-.Ltmp2, $3  }
0x3f: {  	[tilespmem:s9+$0x7620] =	vst v0  }
0x40: {  	[tilespmem:s9+$0x7630] =	vst v0;
	_ =	sdelay $0x1  }
0x41: {  	s9 =	sshra.s32 s6, $0x2  }
0x42: {  	[tilespmem:s9+$0x7650] =	vst v0  }
0x43: {  	[tilespmem:s9+$0x7640] =	vst v0  }
0x44: {  	[tilespmem:s9+$0x7620] =	vst v0  }
0x45: {  	[tilespmem:s9+$0x7630] =	vst v0  }
0x46: {  	[spmem:s4] =	stream.linear.scatter [tilespmem:s26], [sflag:$0x5], $0x2000, $0x38;
	[tilespmem:$0x13620] =	vst v63  }
0x47: {  	_ =	swait.ge [sflag:s28], $0x2000  }
0x48: {  	[sflag:s28] =	ssyncset.done $0x0  }
0x49: {  	s6 =	rddreg [dreg:$0x6];
	[sflag:s28] =	ssyncadd.s32 $0xFFFFE000  }
0x4a: {  	[spmem:s6] =	stream.linear.scatter [tilespmem:s26], [sflag:$0x5], $0x2000, $0x38;
	[tilespmem:$0x13620] =	vst v63  }
0x4b: {  	_ =	swait.ge [sflag:s28], $0x2000  }
0x4c: {  	[sflag:s28] =	ssyncset.done $0x0  }
0x4d: {  	s10 =	rddreg [dreg:$0x7];
	[sflag:s28] =	ssyncadd.s32 $0xFFFFE000  }
0x4e: {  	[spmem:s10] =	stream.linear.scatter [tilespmem:s26], [sflag:$0x5], $0x2000, $0x38;
	[tilespmem:$0x13620] =	vst v63  }
0x4f: {  	_ =	swait.ge [sflag:s28], $0x2000  }
0x50: {  	[sflag:s28] =	ssyncset.done $0x0  }
0x51: {  	s9 =	rddreg [dreg:$0x8];
	[sflag:s28] =	ssyncadd.s32 $0xFFFFE000  }
0x52: {  	[spmem:s9] =	stream.linear.scatter [tilespmem:s26], [sflag:$0x5], $0x2000, $0x38;
	[tilespmem:$0x13620] =	vst v63  }
0x53: {  	_ =	swait.ge [sflag:s28], $0x2000  }
0x54: {  	[sflag:s28] =	ssyncset.done $0x0  }
0x55: {  	[sflag:s28] =	ssyncadd.s32 $0xFFFFE000  }
0x56: {  	[spmem:s12] =	stream.linear.scatter [tilespmem:s26], [sflag:$0x5], $0x2000, $0x38;
	[tilespmem:$0x13620] =	vst v63  }
0x57: {  	_ =	swait.ge [sflag:s28], $0x2000  }
0x58: {  	[sflag:s28] =	ssyncset.done $0x0  }
0x59: {  	[sflag:s28] =	ssyncadd.s32 $0xFFFFE000  }
0x5a: {  	[bflag:$0x0] =	sbarrier.arrive $0xFFFF  }
0x5b: {  	s9 =	simm.s32 $0x0;
	s10 =	rddreg [dreg:$0x3]  }
0x5c: {  	[tilespmem:s9], [sflag:$0x5] =	stream.linear.gather [hbm4b:s10+s9], $0x4E20, $0x38;
	[tilespmem:$0x13620] =	vst v63  }
0x5d: {  	_ =	swait.ge [sflag:s28], $0x4E20  }
0x5e: {  	[sflag:s28] =	ssyncset.done $0x0  }
0x5f: {  	[sflag:s28] =	ssyncadd.s32 $0xFFFFB1E0  }
0x60: {  	[tilespmem:s29], [sflag:$0x1] =	stream.linear.gather [hbm4b:s11+s9], $0x1400, $0x38;
	[tilespmem:$0x13620] =	vst v63  }
0x61: {  	_ =	swait.ge [sflag:s30], $0x1400  }
0x62: {  	[sflag:s30] =	ssyncset.done $0x0  }
0x63: {  	[sflag:s30] =	ssyncadd.s32 $0xFFFFEC00  }
0x64: {  	[spmem:s2] =	stream.indirect.scatter.add.f32 [tilespmem:s29], [sflag:$0x3], $0x40, s9, s31, $0xb8;
	[tilespmem:$0x13620] =	vst v63  }
0x65: {  	_ = 	snop  }
0x66: {  	[tilespmem:s1], [sflag:$0x2] =	stream.linear.gather [hbm4b:s20+s9], $0x1400, $0x38;
	[tilespmem:$0x13620] =	vst v63  }
0x67: {  	_ =	swait.ge [sflag:s0], $0x1400  }
0x68: {  	[sflag:s0] =	ssyncset.done $0x0  }
0x69: {  	[sflag:s0] =	ssyncadd.s32 $0xFFFFEC00  }
0x6a: {  	_ =	swait.ge [sflag:s5], $0x1400  }
0x6b: {  	[sflag:s5] =	ssyncset.done $0x0  }
0x6c: {  	[sflag:s5] =	ssyncadd.s32 $0xFFFFEC00  }
0x6d: {  	[spmem:s2] =	stream.indirect.scatter.add.f32 [tilespmem:s1], [sflag:$0x4], $0x40, s31, s31, $0xb8;
	[tilespmem:$0x13620] =	vst v63  }
0x6e: {  	s10 =	simm.s32 $0xA0  }
0x6f: {  	[tilespmem:s29], [sflag:$0x1] =	stream.linear.gather [hbm4b:s17+s9], $0x1400, $0x38;
	[tilespmem:$0x13620] =	vst v63  }
.LBB2_4:
0x70: {  	_ =	swait.ge [sflag:s30], $0x1400  }
0x71: {  	[sflag:s30] =	ssyncset.done $0x0  }
0x72: {  	[sflag:s30] =	ssyncadd.s32 $0xFFFFEC00  }
0x73: {  	_ =	swait.ge [sflag:s7], $0x1400  }
0x74: {  	[sflag:s7] =	ssyncset.done $0x0  }
0x75: {  	[sflag:s7] =	ssyncadd.s32 $0xFFFFEC00  }
0x76: {  	[spmem:s2] =	stream.indirect.scatter.add.f32 [tilespmem:s29], [sflag:$0x3], $0x40, s10, s31, $0xb8;
	[tilespmem:$0x13620] =	vst v63  }
0x77: {  	s6 =	sadd.s32 s9, s19  }
0x78: {  	[tilespmem:s1], [sflag:$0x2] =	stream.linear.gather [hbm4b:s6+s3], $0x1400, $0x38;
	[tilespmem:$0x13620] =	vst v63  }
0x79: {  	_ =	swait.ge [sflag:s0], $0x1400  }
0x7a: {  	p0 =	seq.s32 s9, $0x26700;
	[sflag:s0] =	ssyncset.done $0x0  }
.Ltmp3:
0x7b: {  	[sflag:s0] =	ssyncadd.s32 $0xFFFFEC00;
	(pc) =	sbr.rel @p0 .LBB2_6-.Ltmp3, $4  }
0x7c: {  	_ =	swait.ge [sflag:s5], $0x1400  }
0x7d: {  	[sflag:s5] =	ssyncset.done $0x0  }
0x7e: {  	s6 =	sadd.s32 $0x50, s10;
	[sflag:s5] =	ssyncadd.s32 $0xFFFFEC00  }
0x7f: {  	[spmem:s2] =	stream.indirect.scatter.add.f32 [tilespmem:s1], [sflag:$0x4], $0x40, s6, s31, $0xb8;
	[tilespmem:$0x13620] =	vst v63  }
.Ltmp4:
0x80: {  	(pc) =	sbr.rel .LBB2_4-.Ltmp4, $3  }
0x81: {  	_ =	sdelay $0x1  }
0x82: {  	s6 =	sadd.s32 s9, s18;
	s10 =	sadd.s32 $0xA0, s10;
	s9 =	sadd.s32 $0x500, s9  }
0x83: {  	[tilespmem:s29], [sflag:$0x1] =	stream.linear.gather [hbm4b:s6+s3], $0x1400, $0x38;
	[tilespmem:$0x13620] =	vst v63  }
.LBB2_7:
0x84: {  	_ =	sfence.sel $0x180000  }
0x85: {  	[bflag:$0x0] =	sbarrier.arrive $0xFFFF  }
0x86: {  	_ =	strace $0x90000047  }
0x87: {  	s0 =	stileid.u32;
	[bflag:$0x2] =	sbarrier.arrive $0xFFFF  }
0x88: {  	p0 =	sne.s32 s0, $0x0;
	s0 =	rddreg [dreg:$0x2]  }
0x89: {  	s0 =	sadd.s32 @!p0 $0x100000, s0  }
0x8a: {  	[sflag:s0] =	ssyncadd.tile.s32 @!p0 $0x1;
	_ =	shalt  }
.Lfunc_end2:
_tile_overlayer_lowered:
.L_overlay_start_2:
0x8b: {  	(tag) =	ssettag $0x2  }
0x8c: {  	s0 =	rddreg [dreg:$0x0];
	s2 =	stileid.u32  }
0x8d: {  	s1 =	rddreg [dreg:$0x1];
	p0 =	sne.s32 s2, $0x0  }
0x8e: {  	s3 =	rddreg [dreg:$0x2];
	[bflag:$0x3] =	sbarrier.arrive $0xFFFF;
	s2 =	simm.s32 @!p0 $0x1C05  }
0x8f: {  	[timem:s3], [sflag:s2] =	dma.local @!p0 [hbm:s0], s1  }
0x90: {  	s0 =	simm.s32 @!p0 $0x5  }
0x91: {  	_ =	swait.ge @!p0 [sflag:s0], s1  }
0x92: {  	s1 =	ssub.s32 @!p0 $0x0, s1;
	[sflag:s0] =	ssyncset.done @!p0 $0x0  }
0x93: {  	[sflag:s0] =	ssyncadd.s32 @!p0 s1  }
0x94: {  	[bflag:$0x3] =	sbarrier.arrive $0xFFFF  }
0x95: {  	_ =	shalt  }

// kernel: kernel.14.cloned.1.call-start
scs
__scs_entry_jumppad:
0x0: {  	(pc) =	sbr.rel $0x88, $3  }
0x1: {  	(tag) =	ssettag $0x0;
	lr =	simm.s32 $0x1  }
0x2: {  	[smem:$0x3F93] =	sst lr;
	_ =	strace $0xD0000000  }
0x3: {  	_ = 	snop  }
0x4: {  	_ = 	snop  }
0x5: {  	_ = 	snop  }
0x6: {  	_ = 	snop  }
0x7: {  	_ = 	snop  }
__scs_overlays_trampoline_lowered:
0x8: {  	[smem:$0x3FA2] =	sst s0  }
0x9: {  	[smem:$0x3FA3] =	sst s1  }
0xa: {  	[smem:$0x3FA4] =	sst s2  }
0xb: {  	[smem:$0x3FA5] =	sst s3  }
0xc: {  	[smem:$0x3FA6] =	sst s4  }
0xd: {  	[smem:$0x3FA7] =	sst s5  }
0xe: {  	[smem:$0x3FA8] =	sst s6  }
0xf: {  	[smem:$0x3FA9] =	sst s7  }
0x10: {  	[smem:$0x3FAA] =	sst s8  }
0x11: {  	[smem:$0x3FAB] =	sst s9;
	s0 =	simm.s32 @!p0 $0x0  }
0x12: {  	s1 =	sld [smem:$0x3F91];
	s0 =	simm.s32 @p0 $0x1  }
0x13: {  	[smem:$0x3FAC] =	sst s0;
	s0 =	simm.s32 @!p1 $0x0  }
0x14: {  	s2 =	sld [smem:$0x3F90];
	s0 =	simm.s32 @p1 $0x1  }
0x15: {  	[smem:$0x3FAD] =	sst s0;
	s0 =	simm.s32 @!p2 $0x0  }
0x16: {  	s3 =	sld [smem:$0x3FDB];
	s0 =	simm.s32 @p2 $0x1  }
0x17: {  	s4 =	simm.s32 $0x1BF5;
	[smem:$0x3FAF] =	sst s0  }
0x18: {  	s0 =	sld [smem:$0x3F92];
	_ =	swait.ge [sflag:s4], $0x0  }
0x19: {  	s7 =	sld [smem:$0x3F93]  }
0x1a: {  	s8 =	sadd.s32 $0xFFFFE003, lr  }
0x1b: {  	s9 =	sadd.s32 $0xFFFFFEF7, lr;
	s5 =	simm.s32 $0xFFFFFFFF;
	p2 =	slt.u32 s8, $0xFFFFF086  }
0x1c: {  	p1 =	slt.u32 s9, $0xF7A;
	s5 =	simm.s32 @!p2 $0x0  }
0x1d: {  	s5 =	simm.s32 @p1 $0x1;
	p0 =	seq.s32 s7, s2  }
0x1e: {  	s7 =	smul.u32 @!p0 $0xF7A, s2;
	p2 =	seq.s32 @!p0 s5, $0x0  }
0x1f: {  	s9 =	smul.u32 $0xF7A, s1;
	s8 =	simm.s32 @!p0 $0x1BF5;
	p2 =	por !p2, p0  }
0x20: {  	[sflag:s8] =	ssyncset.s32 @!p0 $0xFFFFF086;
	s6 =	sadd.s32 @!p0 s3, s7;
	s7 =	simm.s32 @!p0 $0x108  }
0x21: {  	s3 =	sadd.s32 s3, s9;
	s6 =	sadd.s32 @!p0 $0x88, s6;
	s7 =	simm.s32 @p2 $0x1082  }
0x22: {  	[simem:s7], [sflag:s8] =	dma.local @!p0 [hbm:s6], $0xF7A  }
0x23: {  	s9 =	sor.u32 $0xD0000000, s2;
	s6 =	simm.s32 $0x108;
	_ =	swait.ge @!p0 [sflag:s8], $0x0  }
0x24: {  	s3 =	sadd.s32 $0x88, s3;
	s6 =	simm.s32 @!p1 $0x1082;
	[sflag:s4] =	ssyncset.s32 $0xFFFFF086  }
0x25: {  	[simem:s6], [sflag:s4] =	dma.local [hbm:s3], $0xF7A  }
0x26: {  	[smem:$0x3F93] =	sst s1;
	(tag) =	ssettag s2;
	_ =	strace s9  }
0x27: {  	s1 =	sld [smem:$0x3FA3]  }
0x28: {  	s2 =	sld [smem:$0x3FA4]  }
0x29: {  	s4 =	sld [smem:$0x3FA6]  }
0x2a: {  	p0 =	seq.s32 s5, $0x0;
	s5 =	sld [smem:$0x3FA7]  }
0x2b: {  	s6 =	sld [smem:$0x3FA8]  }
0x2c: {  	s7 =	sld [smem:$0x3FA9]  }
0x2d: {  	s3 =	simm.s32 $0x108;
	s8 =	sld [smem:$0x3FAA]  }
0x2e: {  	s3 =	simm.s32 @!p0 $0x1082;
	s9 =	sld [smem:$0x3FAB]  }
0x2f: {  	lr =	sadd.s32 s0, s3;
	s0 =	sld [smem:$0x3FA2]  }
0x30: {  	s3 =	sld [smem:$0x3FA5]  }
0x31: {  	[smem:$0x3FAE] =	sst s10  }
0x32: {  	s10 =	sld [smem:$0x3FAC];
	_ =	sdelay $0x3  }
0x33: {  	p0 =	seq.s32 s10, $0x1;
	s10 =	sld [smem:$0x3FAE];
	_ =	sdelay $0x3  }
0x34: {  	[smem:$0x3FAE] =	sst s10  }
0x35: {  	s10 =	sld [smem:$0x3FAD];
	_ =	sdelay $0x3  }
0x36: {  	p1 =	seq.s32 s10, $0x1;
	s10 =	sld [smem:$0x3FAE];
	_ =	sdelay $0x3  }
0x37: {  	[smem:$0x3FAE] =	sst s10  }
0x38: {  	s10 =	sld [smem:$0x3FAF]  }
0x39: {  	_ = 	snop;
	(pc) =	sbr.ind lr, $3  }
0x3a: {  	_ = 	snop  }
0x3b: {  	_ = 	snop  }
0x3c: {  	p2 =	seq.s32 s10, $0x1;
	s10 =	sld [smem:$0x3FAE]  }
0x3d: {  	_ =	shalt  }
0x3e: {  	_ =	shalt  }
0x3f: {  	_ =	shalt  }
0x40: {  	_ =	shalt  }
0x41: {  	_ =	shalt  }
0x42: {  	_ =	shalt  }
0x43: {  	_ =	shalt  }
0x44: {  	_ =	shalt  }
0x45: {  	_ =	shalt  }
0x46: {  	_ =	shalt  }
0x47: {  	_ =	shalt  }
0x48: {  	_ =	shalt  }
0x49: {  	_ =	shalt  }
0x4a: {  	_ =	shalt  }
0x4b: {  	_ =	shalt  }
0x4c: {  	_ =	shalt  }
0x4d: {  	_ =	shalt  }
0x4e: {  	_ =	shalt  }
0x4f: {  	_ =	shalt  }
0x50: {  	_ =	shalt  }
0x51: {  	_ =	shalt  }
0x52: {  	_ =	shalt  }
0x53: {  	_ =	shalt  }
0x54: {  	_ =	shalt  }
0x55: {  	_ =	shalt  }
0x56: {  	_ =	shalt  }
0x57: {  	_ =	shalt  }
0x58: {  	_ =	shalt  }
0x59: {  	_ =	shalt  }
0x5a: {  	_ =	shalt  }
0x5b: {  	_ =	shalt  }
0x5c: {  	_ =	shalt  }
0x5d: {  	_ =	shalt  }
0x5e: {  	_ =	shalt  }
0x5f: {  	_ =	shalt  }
0x60: {  	_ =	shalt  }
0x61: {  	_ =	shalt  }
0x62: {  	_ =	shalt  }
0x63: {  	_ =	shalt  }
0x64: {  	_ =	shalt  }
0x65: {  	_ =	shalt  }
0x66: {  	_ =	shalt  }
0x67: {  	_ =	shalt  }
0x68: {  	_ =	shalt  }
0x69: {  	_ =	shalt  }
0x6a: {  	_ =	shalt  }
0x6b: {  	_ =	shalt  }
0x6c: {  	_ =	shalt  }
0x6d: {  	_ =	shalt  }
0x6e: {  	_ =	shalt  }
0x6f: {  	_ =	shalt  }
0x70: {  	_ =	shalt  }
0x71: {  	_ =	shalt  }
0x72: {  	_ =	shalt  }
0x73: {  	_ =	shalt  }
0x74: {  	_ =	shalt  }
0x75: {  	_ =	shalt  }
0x76: {  	_ =	shalt  }
0x77: {  	_ =	shalt  }
0x78: {  	_ =	shalt  }
0x79: {  	_ =	shalt  }
0x7a: {  	_ =	shalt  }
0x7b: {  	_ =	shalt  }
0x7c: {  	_ =	shalt  }
0x7d: {  	_ =	shalt  }
0x7e: {  	_ =	shalt  }
0x7f: {  	_ =	shalt  }
0x80: {  	_ =	shalt  }
0x81: {  	_ =	shalt  }
0x82: {  	_ =	shalt  }
0x83: {  	_ =	shalt  }
0x84: {  	_ =	shalt  }
0x85: {  	_ =	shalt  }
0x86: {  	_ =	shalt  }
0x87: {  	_ =	shalt  }
.Lfunc_end0:
.L_simem_size_0:
called_computation.1_lowered:
.L_overlay_start_0:
0x88: {  	s2 =	sld [smem:$0x3FD9]  }
0x89: {  	s3 =	sld [smem:$0x3FFE];
	_ =	sdelay $0x1  }
0x8a: {  	s1 =	srdreg.scid  }
0x8b: {  	s0 =	sand.u32 $0x1, s1  }
0x8c: {  	s17 =	sshll.u32 s0, $0xA;
	s2 =	sadd.s32 s3, s2  }
0x8d: {  	s2 =	sadd.s32 s2, s17  }
0x8e: {  	[smem:$0x3FBA] =	sst s2  }
0x8f: {  	_ = 	snop  }
0x90: {  	s2 =	sld [smem:$0x3FD0];
	(tm) =	ssettm $0x1  }
0x91: {  	s18 =	sld [smem:$0x3FFB];
	_ =	sdelay $0x3  }
0x92: {  	_ =	strace s18  }
0x93: {  	s3 =	sld [smem:$0x3FFC];
	_ =	sdelay $0x3  }
0x94: {  	_ =	strace s3  }
0x95: {  	s3 =	sld [smem:$0x3FFD];
	_ =	sdelay $0x3  }
0x96: {  	_ =	strace s3  }
0x97: {  	_ =	strace $0x8FFFFFFF  }
0x98: {  	s19 =	sld [smem:$0x3FDB];
	_ =	sdelay $0x1  }
0x99: {  	s4 =	simm.s32 $_scs_section_size  }
0x9a: {  	s5 =	simm.s32 $_size__tile_overlayer_lowered;
	s6 =	simm.s32 $_tile_overlayer_lowered  }
0x9b: {  	s22 =	simm.s32 $0x1BFF;
	s21 =	sshll.u32 s6, $0x1;
	s3 =	sadd.s32 s4, s19  }
0x9c: {  	s7 =	simm.s32 $0x0;
	s20 =	sshll.u32 s5, $0x1;
	s5 =	sadd.s32 s21, s3  }
0x9d: {  	[timem:s7], [sflag:s22] =	dma.local [hbm:s5], s20  }
0x9e: {  	_ =	swait.ge [sflag:s22], s20  }
0x9f: {  	s4 =	ssub.s32 $0x0, s20;
	[sflag:s22] =	ssyncset.done $0x0  }
0xa0: {  	[sflag:s22] =	ssyncadd.s32 s4;
	_ =	sdelay $0x1  }
0xa1: {  	s23 =	simm.s32 $0x1B8B  }
0xa2: {  	_ =	swait.ge [sflag:s23], $0x1  }
0xa3: {  	[sflag:s23] =	ssyncset.done $0x0  }
0xa4: {  	s25 =	simm.s32 $0x1B8E;
	s24 =	sld [smem:$0x3FFE];
	[sflag:s23] =	ssyncadd.s32 $0xFFFFFFFF  }
0xa5: {  	s26 =	simm.s32 $execute0_lowered;
	[smem:$0x3FD2] =	sst s25  }
0xa6: {  	s5 =	sshll.u32 s26, $0x1;
	_ =	strace $0x80000049;
	[dreg:$0x1] =	wrdreg $0xFFFFFFFF  }
0xa7: {  	s28 =	simm.s32 $_size_execute0_lowered;
	s3 =	sadd.s32 s3, s5;
	[dreg:$0x0] =	wrdreg $0x0  }
0xa8: {  	s5 =	sshll.u32 s28, $0x1;
	[dreg:$0x2] =	wrdreg s3  }
0xa9: {  	[dreg:$0x3] =	wrdreg s5  }
0xaa: {  	[dreg:$0x4] =	wrdreg $0xC0  }
0xab: {  	_ =	task [dreg:s7], $0x5FFFF  }
0xac: {  	[dreg:$0x1] =	wrdreg $0xFFFFFFFF  }
0xad: {  	[dreg:$0x0] =	wrdreg $0x60  }
0xae: {  	[dreg:$0x2] =	wrdreg s2  }
0xaf: {  	[dreg:$0x3] =	wrdreg s24  }
0xb0: {  	[dreg:$0x4] =	wrdreg $0x10C400  }
0xb1: {  	[dreg:$0x5] =	wrdreg $0x9  }
0xb2: {  	_ =	task.clear_ibuf [dreg:s7], $0x6FFFF;
	_ =	strace $0x90000049  }
0xb3: {  	s29 =	simm.s32 $0x9;
	_ =	strace $0x8000004B  }
0xb4: {  	_ =	swait.ge [sflag:s29], $0x1  }
0xb5: {  	[sflag:s29] =	ssyncadd.s32 $0xFFFFFFFF  }
0xb6: {  	_ =	strace $0x9000004B  }
0xb7: {  	_ =	sfence  }
0xb8: {  	s30 =	sld [smem:$0x0];
	_ =	sdelay $0x2  }
0xb9: {  	s31 =	sshll.u32 s1, $0xD;
	s1 =	sshrl.u32 s1, $0x2  }
0xba: {  	s3 =	sand.u32 $0x4000, s31;
	s1 =	sadd.s32 s1, s30  }
0xbb: {  	s0 =	sor.u32 s3, s0;
	s1 =	sshll.u32 s1, $0x11  }
0xbc: {  	s0 =	sor.u32 s1, s0  }
0xbd: {  	s0 =	sadd.s32 $0x8F2B, s0  }
0xbe: {  	[sflag:s0] =	ssyncadd.remote.s32 $0x1  }
0xbf: {  	_ =	sfence.sel $0xFFFF  }
0xc0: {  	[dreg:$0x0] =	wrdreg $0xFFFFFFFF;
	(pc) =	sbr.abs _section_cstart, $3  }
0xc1: {  	[dreg:$0x1] =	wrdreg $0xFFFFFFFF  }
0xc2: {  	_ =	task.clear_ibuf [dreg:s7], $0x2FFFF;
	_ =	strace $0x9FFFFFFF  }
0xc3: {  	(tm) =	ssettm $0x7FFFFFFF  }
tec
execute0_lowered:
.L_overlay_start_1:
0x0: {  	(tag) =	ssettag $0x1  }
0x1: {  	s1 =	rddreg [dreg:$0x0];
	s0 =	srdreg.scid  }
0x2: {  	s13 =	stileid.u32;
	s2 =	rddreg [dreg:$0x1]  }
0x3: {  	s3 =	rddreg [dreg:$0x2];
	s4 =	simm.s32 $0x0;
	s28 =	simm.s32 $0xEC40  }
0x4: {  	s29 =	simm.s32 $0x7;
	s0 =	sand.u32 $0x1, s0;
	s6 =	smul.u32 $0x4E20, s13  }
0x5: {  	s31 =	simm.s32 $0x50;
	s30 =	simm.s32 $0x1;
	s5 =	smul.u32 $0x4E200, s0  }
0x6: {  	[smem:$0x7FF] =	sst s4;
	s20 =	smul.u32 $0x28000, s13;
	s10 =	ssub.s32 $0x2, s0  }
0x7: {  	s12 =	smul.u32 $0x138800, s13;
	s11 =	sshrl.u32 s10, $0x1;
	s7 =	sadd.s32 s6, s5  }
0x8: {  	s6 =	sshrl.u32 s6, $0x3;
	s10 =	ssub.s32 s10, s11;
	s11 =	smul.u32 $0xFA, s13  }
0x9: {  	_ =	strace $0x8000004A;
	s9 =	sadd.s32 s6, s2;
	s6 =	smul.u32 $0x1388000, s0  }
0xa: {  	s5 =	sadd.s32 $0x519E00, s2;
	s7 =	sshrl.u32 s7, $0x3;
	s0 =	smul.u32 $0xA0000, s0  }
0xb: {  	s10 =	smax.u32 s10, $0x1;
	s8 =	sadd.s32 s7, s2;
	s2 =	sadd.s32 $0x4F1E00, s2  }
0xc: {  	s7 =	sshrl.u32 s20, $0x2;
	s22 =	sadd.s32 $0x4E8000, s9;
	[dreg:$0x8] =	wrdreg s10  }
0xd: {  	s9 =	simm.s32 $0xB040;
	s10 =	simm.s32 $0xD840;
	s7 =	sadd.s32 s7, s3  }
0xe: {  	s21 =	sadd.s32 s12, s6;
	s8 =	sadd.s32 $0x9FBE00, s8;
	[dreg:$0x5] =	wrdreg s22  }
0xf: {  	s12 =	smul.u32 $0xA000, s13;
	s13 =	simm.s32 $0x4;
	[dreg:$0x4] =	wrdreg s8  }
0x10: {  	s23 =	sshrl.u32 s21, $0x3;
	s15 =	sadd.s32 $0x2000, s7;
	s16 =	sadd.s32 $0x4000, s7  }
0x11: {  	s21 =	sadd.s32 $0x6000, s7;
	s8 =	sadd.s32 s5, s23;
	[dreg:$0x9] =	wrdreg s15  }
0x12: {  	s24 =	sadd.s32 s0, s12;
	s25 =	sadd.s32 $0x2000, s12;
	[dreg:$0xa] =	wrdreg s16  }
0x13: {  	s17 =	sadd.s32 $0x4000, s12;
	s18 =	sadd.s32 $0x6000, s12;
	s19 =	sadd.s32 $0x8000, s12  }
0x14: {  	[dreg:$0xf] =	wrdreg s21;
	s22 =	sadd.s32 s12, s3;
	s12 =	simm.s32 $0x2  }
0x15: {  	s16 =	simm.s32 $0x0;
	[dreg:$0x6] =	wrdreg s8;
	s8 =	sshrl.u32 s24, $0x3  }
0x16: {  	s26 =	sadd.s32 s0, s25;
	s15 =	sadd.s32 s0, s18;
	s23 =	sadd.s32 s25, s3  }
0x17: {  	s24 =	sadd.s32 s18, s3;
	s25 =	sadd.s32 s19, s3;
	s8 =	sadd.s32 s2, s8  }
0x18: {  	s14 =	sshrl.u32 s26, $0x3;
	s15 =	sshrl.u32 s15, $0x3;
	s26 =	sshrl.u32 s23, $0x3  }
0x19: {  	s24 =	sshrl.u32 s24, $0x3;
	s25 =	sshrl.u32 s25, $0x3;
	[dreg:$0x7] =	wrdreg s8  }
0x1a: {  	s8 =	sadd.s32 s2, s14;
	s14 =	sadd.s32 s0, s17;
	s0 =	sadd.s32 s0, s19  }
0x1b: {  	s20 =	sadd.s32 s2, s15;
	[dreg:$0x11] =	wrdreg s26;
	s26 =	sadd.s32 $0x8000, s7  }
0x1c: {  	s15 =	simm.s32 $0x6;
	[dreg:$0xb] =	wrdreg s8;
	s14 =	sshrl.u32 s14, $0x3  }
.Ltmp0:
0x1d: {  	s0 =	sshrl.u32 s0, $0x3;
	[dreg:$0xd] =	wrdreg s20;
	(pc) =	sbr.rel .LBB2_1-.Ltmp0, $4  }
0x1e: {  	s8 =	sadd.s32 s17, s3;
	s14 =	sadd.s32 s2, s14;
	s0 =	sadd.s32 s2, s0  }
0x1f: {  	s23 =	sshrl.u32 s8, $0x3;
	s2 =	simm.s32 $0x9C40;
	[dreg:$0xc] =	wrdreg s14  }
0x20: {  	s8 =	simm.s32 $0x3;
	[dreg:$0xe] =	wrdreg s0;
	s0 =	sshrl.u32 s22, $0x3  }
0x21: {  	v0 =	vimm.f32 $0.0e+00;
	s14 =	simm.s32 $0x5;
	[dreg:$0x10] =	wrdreg s0;
	s0 =	simm.s32 $0xC440  }
.LBB2_10:
0x22: {  	_ =	swait.ge [sflag:s15], $0x1400  }
0x23: {  	[sflag:s15] =	ssyncset.done $0x0  }
0x24: {  	[sflag:s15] =	ssyncadd.s32 $0xFFFFEC00  }
0x25: {  	s17 =	stileid.u32;
	[bflag:$0x0] =	sbarrier.arrive $0xFFFF  }
0x26: {  	s17 =	sshll.u32 s17, $0x6;
	s18 =	rddreg [dreg:$0x7]  }
0x27: {  	s17 =	sor.u32 $0x1C07, s17;
	s19 =	rddreg [dreg:$0x10]  }
0x28: {  	[hbm:s18], [sflag:s17] =	dma.local [spmem:s19], $0x400  }
0x29: {  	_ =	swait.ge [sflag:s29], $0x400  }
0x2a: {  	[sflag:s29] =	ssyncset.done $0x0;
	s21 =	rddreg [dreg:$0xb]  }
0x2b: {  	s22 =	rddreg [dreg:$0x11];
	[sflag:s29] =	ssyncadd.s32 $0xFFFFFC00  }
0x2c: {  	[hbm:s21], [sflag:s17] =	dma.local [spmem:s22], $0x400  }
0x2d: {  	_ =	swait.ge [sflag:s29], $0x400  }
0x2e: {  	[sflag:s29] =	ssyncset.done $0x0  }
0x2f: {  	s19 =	rddreg [dreg:$0xc];
	[sflag:s29] =	ssyncadd.s32 $0xFFFFFC00  }
0x30: {  	[hbm:s19], [sflag:s17] =	dma.local [spmem:s23], $0x400  }
0x31: {  	_ =	swait.ge [sflag:s29], $0x400  }
0x32: {  	[sflag:s29] =	ssyncset.done $0x0  }
0x33: {  	s20 =	rddreg [dreg:$0xd];
	[sflag:s29] =	ssyncadd.s32 $0xFFFFFC00  }
0x34: {  	[hbm:s20], [sflag:s17] =	dma.local [spmem:s24], $0x400  }
0x35: {  	_ =	swait.ge [sflag:s29], $0x400  }
0x36: {  	[sflag:s29] =	ssyncset.done $0x0  }
0x37: {  	s21 =	rddreg [dreg:$0xe];
	[sflag:s29] =	ssyncadd.s32 $0xFFFFFC00  }
0x38: {  	[hbm:s21], [sflag:s17] =	dma.local [spmem:s25], $0x400  }
0x39: {  	_ =	swait.ge [sflag:s29], $0x400  }
0x3a: {  	s16 =	sadd.s32 $0x1, s16;
	s22 =	rddreg [dreg:$0x8]  }
0x3b: {  	p0 =	sne.s32 s16, s22  }
.Ltmp1:
0x3c: {  	_ = 	snop;
	(pc) =	sbr.rel @!p0 .LBB2_11-.Ltmp1, $3  }
0x3d: {  	_ =	sdelay $0x1  }
0x3e: {  	[sflag:s29] =	ssyncset.done $0x0  }
0x3f: {  	[sflag:s29] =	ssyncadd.s32 $0xFFFFFC00  }
.LBB2_1:
0x40: {  	s18 =	simm.s32 $0x100;
	s17 =	simm.s32 $0x0  }
.LBB2_2:
0x41: {  	p0 =	sne.s32 s18, $0x7F00;
	[tilespmem:s17+$0xEC70] =	vst v0;
	s19 =	smov.u32 s18;
	s18 =	sadd.s32 $0x100, s18  }
.Ltmp2:
0x42: {  	[tilespmem:s17+$0xEC60] =	vst v0;
	(pc) =	sbr.rel @p0 .LBB2_2-.Ltmp2, $3  }
0x43: {  	[tilespmem:s17+$0xEC40] =	vst v0  }
0x44: {  	[tilespmem:s17+$0xEC50] =	vst v0;
	_ =	sdelay $0x1  }
0x45: {  	s17 =	sshra.s32 s19, $0x2  }
0x46: {  	[tilespmem:s17+$0xEC70] =	vst v0  }
0x47: {  	[tilespmem:s17+$0xEC60] =	vst v0  }
0x48: {  	[tilespmem:s17+$0xEC40] =	vst v0  }
0x49: {  	[tilespmem:s17+$0xEC50] =	vst v0  }
0x4a: {  	[spmem:s7] =	stream.linear.scatter [tilespmem:s28], [sflag:$0x7], $0x2000, $0x38;
	[tilespmem:$0x1AC40] =	vst v63  }
0x4b: {  	_ =	swait.ge [sflag:s29], $0x2000  }
0x4c: {  	[sflag:s29] =	ssyncset.done $0x0  }
0x4d: {  	s18 =	rddreg [dreg:$0x9];
	[sflag:s29] =	ssyncadd.s32 $0xFFFFE000  }
0x4e: {  	[spmem:s18] =	stream.linear.scatter [tilespmem:s28], [sflag:$0x7], $0x2000, $0x38;
	[tilespmem:$0x1AC40] =	vst v63  }
0x4f: {  	_ =	swait.ge [sflag:s29], $0x2000  }
0x50: {  	[sflag:s29] =	ssyncset.done $0x0  }
0x51: {  	s19 =	rddreg [dreg:$0xa];
	[sflag:s29] =	ssyncadd.s32 $0xFFFFE000  }
0x52: {  	[spmem:s19] =	stream.linear.scatter [tilespmem:s28], [sflag:$0x7], $0x2000, $0x38;
	[tilespmem:$0x1AC40] =	vst v63  }
0x53: {  	_ =	swait.ge [sflag:s29], $0x2000  }
0x54: {  	[sflag:s29] =	ssyncset.done $0x0  }
0x55: {  	s20 =	rddreg [dreg:$0xf];
	[sflag:s29] =	ssyncadd.s32 $0xFFFFE000  }
0x56: {  	[spmem:s20] =	stream.linear.scatter [tilespmem:s28], [sflag:$0x7], $0x2000, $0x38;
	[tilespmem:$0x1AC40] =	vst v63  }
0x57: {  	_ =	swait.ge [sflag:s29], $0x2000  }
0x58: {  	[sflag:s29] =	ssyncset.done $0x0  }
0x59: {  	[sflag:s29] =	ssyncadd.s32 $0xFFFFE000  }
0x5a: {  	[spmem:s26] =	stream.linear.scatter [tilespmem:s28], [sflag:$0x7], $0x2000, $0x38;
	[tilespmem:$0x1AC40] =	vst v63  }
0x5b: {  	_ =	swait.ge [sflag:s29], $0x2000  }
0x5c: {  	[sflag:s29] =	ssyncset.done $0x0  }
0x5d: {  	[sflag:s29] =	ssyncadd.s32 $0xFFFFE000  }
0x5e: {  	[bflag:$0x0] =	sbarrier.arrive $0xFFFF  }
0x5f: {  	s17 =	simm.s32 $0x0;
	s18 =	rddreg [dreg:$0x4]  }
0x60: {  	[tilespmem:s17], [sflag:$0x7] =	stream.linear.gather [hbm4b:s18+s17], $0x4E20, $0x38;
	[tilespmem:$0x1AC40] =	vst v63  }
0x61: {  	_ =	swait.ge [sflag:s29], $0x4E20  }
0x62: {  	[sflag:s29] =	ssyncset.done $0x0  }
0x63: {  	s19 =	simm.s32 $0x4E20;
	s21 =	rddreg [dreg:$0x5];
	[sflag:s29] =	ssyncadd.s32 $0xFFFFB1E0  }
0x64: {  	[tilespmem:s19], [sflag:$0x7] =	stream.linear.gather [hbm4b:s21+s17], $0x4E20, $0x38;
	[tilespmem:$0x1AC40] =	vst v63  }
0x65: {  	_ =	swait.ge [sflag:s29], $0x4E20  }
0x66: {  	[sflag:s29] =	ssyncset.done $0x0  }
0x67: {  	[sflag:s29] =	ssyncadd.s32 $0xFFFFB1E0  }
0x68: {  	[tilespmem:s2], [sflag:$0x1] =	stream.indirect.gather [hbm4b:s1+s31], $0x40, s17, s31, $0xb8;
	[tilespmem:$0x1AC40] =	vst v63  }
0x69: {  	s22 =	rddreg [dreg:$0x6]  }
0x6a: {  	[tilespmem:s0], [sflag:$0x3] =	stream.linear.gather [hbm4b:s22+s17], $0x1400, $0x38;
	[tilespmem:$0x1AC40] =	vst v63  }
.LBB2_4:
0x6b: {  	_ =	swait.ge [sflag:s30], $0x1400  }
0x6c: {  	[sflag:s30] =	ssyncset.done $0x0  }
0x6d: {  	[sflag:s30] =	ssyncadd.s32 $0xFFFFEC00  }
0x6e: {  	_ =	swait.ge [sflag:s8], $0x1400  }
0x6f: {  	[sflag:s8] =	ssyncset.done $0x0  }
0x70: {  	s18 =	simm.s32 $0x0;
	[sflag:s8] =	ssyncadd.s32 $0xFFFFEC00  }
0x71: {  	v3 =	vld [tilespmem:s18+$0xC440]  }
0x72: {  	v4 =	vld [tilespmem:s18+$0xC450]  }
0x73: {  	v2 =	vld [tilespmem:s18+$0xC460]  }
0x74: {  	v1 =	vld [tilespmem:s18+$0xC470]  }
0x75: {  	v5 =	vld [tilespmem:s18+$0x9C40]  }
0x76: {  	v7 =	vld [tilespmem:s18+$0x9C50]  }
0x77: {  	s19 =	simm.s32 $0x100;
	v6 =	vld [tilespmem:s18+$0x9C60]  }
.LBB2_5:
0x78: {  	p0 =	sne.s32 s19, $0x4F00;
	v8 =	vld [tilespmem:s18+$0x9C70]  }
0x79: {  	s20 =	sshra.s32 s19, $0x2  }
0x7a: {  	v5 =	vadd.f32 v3, v5;
	v3 =	vld [tilespmem:s20+$0xC440]  }
0x7b: {  	v7 =	vadd.f32 v4, v7;
	v4 =	vld [tilespmem:s20+$0xC450]  }
.Ltmp3:
0x7c: {  	v5 =	vmax.f32 v5, $0.0e+00;
	v6 =	vadd.f32 v2, v6;
	v2 =	vld [tilespmem:s20+$0xC460];
	(pc) =	sbr.rel @p0 .LBB2_5-.Ltmp3, $4  }
0x7d: {  	[tilespmem:s18+$0x9C40] =	vst v5;
	v7 =	vmax.f32 v7, $0.0e+00;
	v8 =	vadd.f32 v1, v8;
	v1 =	vld [tilespmem:s20+$0xC470]  }
0x7e: {  	v5 =	vld [tilespmem:s20+$0x9C40];
	[tilespmem:s18+$0x9C50] =	vst v7;
	v6 =	vmax.f32 v6, $0.0e+00  }
0x7f: {  	v7 =	vld [tilespmem:s20+$0x9C50];
	[tilespmem:s18+$0x9C60] =	vst v6;
	v8 =	vmax.f32 v8, $0.0e+00  }
0x80: {  	s19 =	sadd.s32 $0x100, s19;
	v6 =	vld [tilespmem:s20+$0x9C60];
	[tilespmem:s18+$0x9C70] =	vst v8;
	s18 =	smov.u32 s20  }
0x81: {  	v8 =	vld [tilespmem:s18+$0x9C70];
	_ =	sdelay $0x1  }
0x82: {  	v3 =	vadd.f32 v3, v5  }
0x83: {  	v4 =	vadd.f32 v4, v7  }
0x84: {  	v3 =	vmax.f32 v3, $0.0e+00;
	v2 =	vadd.f32 v2, v6  }
0x85: {  	[tilespmem:s18+$0x9C40] =	vst v3;
	v3 =	vmax.f32 v4, $0.0e+00;
	v1 =	vadd.f32 v1, v8  }
0x86: {  	[tilespmem:s18+$0x9C50] =	vst v3;
	v2 =	vmax.f32 v2, $0.0e+00  }
0x87: {  	p0 =	seq.s32 s17, $0x0;
	s22 =	smul.u32 $0x280, s17;
	[tilespmem:s18+$0x9C60] =	vst v2;
	v1 =	vmax.f32 v1, $0.0e+00  }
0x88: {  	s19 =	simm.s32 @!p0 $0x6;
	[tilespmem:s18+$0x9C70] =	vst v1;
	s18 =	sshll.u32 s17, $0x1  }
0x89: {  	s20 =	sshra.s32 s22, $0x2;
	_ =	swait.ge @!p0 [sflag:s19], $0x1400;
	s21 =	sor.u32 $0x1, s18  }
0x8a: {  	[sflag:s19] =	ssyncset.done @!p0 $0x0;
	s22 =	smul.u32 $0x140, s21;
	s21 =	sadd.s32 s11, s21  }
0x8b: {  	s20 =	sadd.s32 $0x4E20, s20;
	[sflag:s19] =	ssyncadd.s32 @!p0 $0xFFFFEC00;
	s21 =	smul.u32 $0x1400, s21  }
0x8c: {  	[spmem:s3] =	stream.indirect.scatter.add.f32 [tilespmem:s2], [sflag:$0x5], $0x40, s20, s31, $0xb8;
	[tilespmem:$0x1AC40] =	vst v63  }
0x8d: {  	s19 =	sshra.s32 s22, $0x2;
	s20 =	sadd.s32 s6, s21  }
0x8e: {  	[tilespmem:s9], [sflag:$0x2] =	stream.indirect.gather [hbm4b:s1+s31], $0x40, s19, s31, $0xb8;
	[tilespmem:$0x1AC40] =	vst v63  }
0x8f: {  	s20 =	sshrl.u32 s20, $0x3  }
0x90: {  	s22 =	simm.s32 $0x0;
	s20 =	sadd.s32 s5, s20  }
0x91: {  	[tilespmem:s10], [sflag:$0x4] =	stream.linear.gather [hbm4b:s20+s22], $0x1400, $0x38;
	[tilespmem:$0x1AC40] =	vst v63  }
0x92: {  	_ =	swait.ge [sflag:s12], $0x1400  }
0x93: {  	[sflag:s12] =	ssyncset.done $0x0  }
0x94: {  	[sflag:s12] =	ssyncadd.s32 $0xFFFFEC00  }
0x95: {  	_ =	swait.ge [sflag:s13], $0x1400  }
0x96: {  	[sflag:s13] =	ssyncset.done $0x0  }
0x97: {  	s20 =	simm.s32 $0x0;
	[sflag:s13] =	ssyncadd.s32 $0xFFFFEC00  }
0x98: {  	v3 =	vld [tilespmem:s20+$0xD840]  }
0x99: {  	v4 =	vld [tilespmem:s20+$0xD850]  }
0x9a: {  	v2 =	vld [tilespmem:s20+$0xD860]  }
0x9b: {  	v1 =	vld [tilespmem:s20+$0xD870]  }
0x9c: {  	v5 =	vld [tilespmem:s20+$0xB040]  }
0x9d: {  	v7 =	vld [tilespmem:s20+$0xB050]  }
0x9e: {  	s21 =	simm.s32 $0x100;
	v6 =	vld [tilespmem:s20+$0xB060]  }
.LBB2_7:
0x9f: {  	p0 =	sne.s32 s21, $0x4F00;
	v8 =	vld [tilespmem:s20+$0xB070]  }
0xa0: {  	s22 =	sshra.s32 s21, $0x2  }
0xa1: {  	v5 =	vadd.f32 v3, v5;
	v3 =	vld [tilespmem:s22+$0xD840]  }
0xa2: {  	v7 =	vadd.f32 v4, v7;
	v4 =	vld [tilespmem:s22+$0xD850]  }
.Ltmp4:
0xa3: {  	v5 =	vmax.f32 v5, $0.0e+00;
	v6 =	vadd.f32 v2, v6;
	v2 =	vld [tilespmem:s22+$0xD860];
	(pc) =	sbr.rel @p0 .LBB2_7-.Ltmp4, $4  }
0xa4: {  	[tilespmem:s20+$0xB040] =	vst v5;
	v7 =	vmax.f32 v7, $0.0e+00;
	v8 =	vadd.f32 v1, v8;
	v1 =	vld [tilespmem:s22+$0xD870]  }
0xa5: {  	v5 =	vld [tilespmem:s22+$0xB040];
	[tilespmem:s20+$0xB050] =	vst v7;
	v6 =	vmax.f32 v6, $0.0e+00  }
0xa6: {  	v7 =	vld [tilespmem:s22+$0xB050];
	[tilespmem:s20+$0xB060] =	vst v6;
	v8 =	vmax.f32 v8, $0.0e+00  }
0xa7: {  	s21 =	sadd.s32 $0x100, s21;
	v6 =	vld [tilespmem:s22+$0xB060];
	[tilespmem:s20+$0xB070] =	vst v8;
	s20 =	smov.u32 s22  }
0xa8: {  	v8 =	vld [tilespmem:s20+$0xB070];
	_ =	sdelay $0x1  }
0xa9: {  	v3 =	vadd.f32 v3, v5  }
0xaa: {  	v4 =	vadd.f32 v4, v7  }
0xab: {  	v3 =	vmax.f32 v3, $0.0e+00;
	v2 =	vadd.f32 v2, v6  }
0xac: {  	[tilespmem:s20+$0xB040] =	vst v3;
	v3 =	vmax.f32 v4, $0.0e+00;
	v1 =	vadd.f32 v1, v8  }
0xad: {  	[tilespmem:s20+$0xB050] =	vst v3;
	v2 =	vmax.f32 v2, $0.0e+00  }
0xae: {  	p0 =	seq.s32 s17, $0x7C;
	[tilespmem:s20+$0xB060] =	vst v2;
	v1 =	vmax.f32 v1, $0.0e+00  }
.Ltmp5:
0xaf: {  	[tilespmem:s20+$0xB070] =	vst v1;
	(pc) =	sbr.rel @p0 .LBB2_10-.Ltmp5, $4  }
0xb0: {  	_ =	swait.ge [sflag:s14], $0x1400  }
0xb1: {  	[sflag:s14] =	ssyncset.done $0x0  }
0xb2: {  	s19 =	sadd.s32 $0x4E20, s19;
	[sflag:s14] =	ssyncadd.s32 $0xFFFFEC00  }
0xb3: {  	[spmem:s3] =	stream.indirect.scatter.add.f32 [tilespmem:s9], [sflag:$0x6], $0x40, s19, s31, $0xb8;
	[tilespmem:$0x1AC40] =	vst v63  }
0xb4: {  	s18 =	sadd.s32 $0x2, s18  }
0xb5: {  	s19 =	smul.u32 $0x140, s18  }
0xb6: {  	s18 =	sadd.s32 s11, s18  }
0xb7: {  	s18 =	smul.u32 $0x1400, s18;
	s19 =	sshra.s32 s19, $0x2  }
0xb8: {  	[tilespmem:s2], [sflag:$0x1] =	stream.indirect.gather [hbm4b:s1+s31], $0x40, s19, s31, $0xb8;
	[tilespmem:$0x1AC40] =	vst v63  }
.Ltmp6:
0xb9: {  	_ = 	snop;
	(pc) =	sbr.rel .LBB2_4-.Ltmp6, $4  }
0xba: {  	s18 =	sadd.s32 s6, s18  }
0xbb: {  	s18 =	sshrl.u32 s18, $0x3  }
0xbc: {  	s17 =	sadd.s32 $0x1, s17;
	s18 =	sadd.s32 s5, s18  }
0xbd: {  	[tilespmem:s0], [sflag:$0x3] =	stream.linear.gather [hbm4b:s18+s4], $0x1400, $0x38;
	[tilespmem:$0x1AC40] =	vst v63  }
.LBB2_11:
0xbe: {  	_ =	sfence.sel $0x180000  }
0xbf: {  	[bflag:$0x0] =	sbarrier.arrive $0xFFFF  }
0xc0: {  	_ =	strace $0x9000004A  }
0xc1: {  	s0 =	stileid.u32;
	[bflag:$0x2] =	sbarrier.arrive $0xFFFF  }
0xc2: {  	p0 =	sne.s32 s0, $0x0;
	s0 =	rddreg [dreg:$0x3]  }
0xc3: {  	s0 =	sadd.s32 @!p0 $0x100000, s0  }
0xc4: {  	[sflag:s0] =	ssyncadd.tile.s32 @!p0 $0x1;
	_ =	shalt  }
.Lfunc_end2:
_tile_overlayer_lowered:
.L_overlay_start_2:
0xc5: {  	(tag) =	ssettag $0x2  }
0xc6: {  	s0 =	rddreg [dreg:$0x0];
	s2 =	stileid.u32  }
0xc7: {  	s1 =	rddreg [dreg:$0x1];
	p0 =	sne.s32 s2, $0x0  }
0xc8: {  	s3 =	rddreg [dreg:$0x2];
	[bflag:$0x3] =	sbarrier.arrive $0xFFFF;
	s2 =	simm.s32 @!p0 $0x1C07  }
0xc9: {  	[timem:s3], [sflag:s2] =	dma.local @!p0 [hbm:s0], s1  }
0xca: {  	s0 =	simm.s32 @!p0 $0x7  }
0xcb: {  	_ =	swait.ge @!p0 [sflag:s0], s1  }
0xcc: {  	s1 =	ssub.s32 @!p0 $0x0, s1;
	[sflag:s0] =	ssyncset.done @!p0 $0x0  }
0xcd: {  	[sflag:s0] =	ssyncadd.s32 @!p0 s1  }
0xce: {  	[bflag:$0x3] =	sbarrier.arrive $0xFFFF  }
0xcf: {  	_ =	shalt  }

// kernel: kernel.17.cloned.1.call-start
scs
__scs_entry_jumppad:
0x0: {  	(pc) =	sbr.rel $0x88, $3  }
0x1: {  	(tag) =	ssettag $0x0;
	lr =	simm.s32 $0x1  }
0x2: {  	[smem:$0x3F93] =	sst lr;
	_ =	strace $0xD0000000  }
0x3: {  	_ = 	snop  }
0x4: {  	_ = 	snop  }
0x5: {  	_ = 	snop  }
0x6: {  	_ = 	snop  }
0x7: {  	_ = 	snop  }
__scs_overlays_trampoline_lowered:
0x8: {  	[smem:$0x3FA2] =	sst s0  }
0x9: {  	[smem:$0x3FA3] =	sst s1  }
0xa: {  	[smem:$0x3FA4] =	sst s2  }
0xb: {  	[smem:$0x3FA5] =	sst s3  }
0xc: {  	[smem:$0x3FA6] =	sst s4  }
0xd: {  	[smem:$0x3FA7] =	sst s5  }
0xe: {  	[smem:$0x3FA8] =	sst s6  }
0xf: {  	[smem:$0x3FA9] =	sst s7  }
0x10: {  	[smem:$0x3FAA] =	sst s8  }
0x11: {  	[smem:$0x3FAB] =	sst s9;
	s0 =	simm.s32 @!p0 $0x0  }
0x12: {  	s1 =	sld [smem:$0x3F91];
	s0 =	simm.s32 @p0 $0x1  }
0x13: {  	[smem:$0x3FAC] =	sst s0;
	s0 =	simm.s32 @!p1 $0x0  }
0x14: {  	s2 =	sld [smem:$0x3F90];
	s0 =	simm.s32 @p1 $0x1  }
0x15: {  	[smem:$0x3FAD] =	sst s0;
	s0 =	simm.s32 @!p2 $0x0  }
0x16: {  	s3 =	sld [smem:$0x3FDB];
	s0 =	simm.s32 @p2 $0x1  }
0x17: {  	s4 =	simm.s32 $0x1BF5;
	[smem:$0x3FAF] =	sst s0  }
0x18: {  	s0 =	sld [smem:$0x3F92];
	_ =	swait.ge [sflag:s4], $0x0  }
0x19: {  	s7 =	sld [smem:$0x3F93]  }
0x1a: {  	s8 =	sadd.s32 $0xFFFFE003, lr  }
0x1b: {  	s9 =	sadd.s32 $0xFFFFFEF7, lr;
	s5 =	simm.s32 $0xFFFFFFFF;
	p2 =	slt.u32 s8, $0xFFFFF086  }
0x1c: {  	p1 =	slt.u32 s9, $0xF7A;
	s5 =	simm.s32 @!p2 $0x0  }
0x1d: {  	s5 =	simm.s32 @p1 $0x1;
	p0 =	seq.s32 s7, s2  }
0x1e: {  	s7 =	smul.u32 @!p0 $0xF7A, s2;
	p2 =	seq.s32 @!p0 s5, $0x0  }
0x1f: {  	s9 =	smul.u32 $0xF7A, s1;
	s8 =	simm.s32 @!p0 $0x1BF5;
	p2 =	por !p2, p0  }
0x20: {  	[sflag:s8] =	ssyncset.s32 @!p0 $0xFFFFF086;
	s6 =	sadd.s32 @!p0 s3, s7;
	s7 =	simm.s32 @!p0 $0x108  }
0x21: {  	s3 =	sadd.s32 s3, s9;
	s6 =	sadd.s32 @!p0 $0x88, s6;
	s7 =	simm.s32 @p2 $0x1082  }
0x22: {  	[simem:s7], [sflag:s8] =	dma.local @!p0 [hbm:s6], $0xF7A  }
0x23: {  	s9 =	sor.u32 $0xD0000000, s2;
	s6 =	simm.s32 $0x108;
	_ =	swait.ge @!p0 [sflag:s8], $0x0  }
0x24: {  	s3 =	sadd.s32 $0x88, s3;
	s6 =	simm.s32 @!p1 $0x1082;
	[sflag:s4] =	ssyncset.s32 $0xFFFFF086  }
0x25: {  	[simem:s6], [sflag:s4] =	dma.local [hbm:s3], $0xF7A  }
0x26: {  	[smem:$0x3F93] =	sst s1;
	(tag) =	ssettag s2;
	_ =	strace s9  }
0x27: {  	s1 =	sld [smem:$0x3FA3]  }
0x28: {  	s2 =	sld [smem:$0x3FA4]  }
0x29: {  	s4 =	sld [smem:$0x3FA6]  }
0x2a: {  	p0 =	seq.s32 s5, $0x0;
	s5 =	sld [smem:$0x3FA7]  }
0x2b: {  	s6 =	sld [smem:$0x3FA8]  }
0x2c: {  	s7 =	sld [smem:$0x3FA9]  }
0x2d: {  	s3 =	simm.s32 $0x108;
	s8 =	sld [smem:$0x3FAA]  }
0x2e: {  	s3 =	simm.s32 @!p0 $0x1082;
	s9 =	sld [smem:$0x3FAB]  }
0x2f: {  	lr =	sadd.s32 s0, s3;
	s0 =	sld [smem:$0x3FA2]  }
0x30: {  	s3 =	sld [smem:$0x3FA5]  }
0x31: {  	[smem:$0x3FAE] =	sst s10  }
0x32: {  	s10 =	sld [smem:$0x3FAC];
	_ =	sdelay $0x3  }
0x33: {  	p0 =	seq.s32 s10, $0x1;
	s10 =	sld [smem:$0x3FAE];
	_ =	sdelay $0x3  }
0x34: {  	[smem:$0x3FAE] =	sst s10  }
0x35: {  	s10 =	sld [smem:$0x3FAD];
	_ =	sdelay $0x3  }
0x36: {  	p1 =	seq.s32 s10, $0x1;
	s10 =	sld [smem:$0x3FAE];
	_ =	sdelay $0x3  }
0x37: {  	[smem:$0x3FAE] =	sst s10  }
0x38: {  	s10 =	sld [smem:$0x3FAF]  }
0x39: {  	_ = 	snop;
	(pc) =	sbr.ind lr, $3  }
0x3a: {  	_ = 	snop  }
0x3b: {  	_ = 	snop  }
0x3c: {  	p2 =	seq.s32 s10, $0x1;
	s10 =	sld [smem:$0x3FAE]  }
0x3d: {  	_ =	shalt  }
0x3e: {  	_ =	shalt  }
0x3f: {  	_ =	shalt  }
0x40: {  	_ =	shalt  }
0x41: {  	_ =	shalt  }
0x42: {  	_ =	shalt  }
0x43: {  	_ =	shalt  }
0x44: {  	_ =	shalt  }
0x45: {  	_ =	shalt  }
0x46: {  	_ =	shalt  }
0x47: {  	_ =	shalt  }
0x48: {  	_ =	shalt  }
0x49: {  	_ =	shalt  }
0x4a: {  	_ =	shalt  }
0x4b: {  	_ =	shalt  }
0x4c: {  	_ =	shalt  }
0x4d: {  	_ =	shalt  }
0x4e: {  	_ =	shalt  }
0x4f: {  	_ =	shalt  }
0x50: {  	_ =	shalt  }
0x51: {  	_ =	shalt  }
0x52: {  	_ =	shalt  }
0x53: {  	_ =	shalt  }
0x54: {  	_ =	shalt  }
0x55: {  	_ =	shalt  }
0x56: {  	_ =	shalt  }
0x57: {  	_ =	shalt  }
0x58: {  	_ =	shalt  }
0x59: {  	_ =	shalt  }
0x5a: {  	_ =	shalt  }
0x5b: {  	_ =	shalt  }
0x5c: {  	_ =	shalt  }
0x5d: {  	_ =	shalt  }
0x5e: {  	_ =	shalt  }
0x5f: {  	_ =	shalt  }
0x60: {  	_ =	shalt  }
0x61: {  	_ =	shalt  }
0x62: {  	_ =	shalt  }
0x63: {  	_ =	shalt  }
0x64: {  	_ =	shalt  }
0x65: {  	_ =	shalt  }
0x66: {  	_ =	shalt  }
0x67: {  	_ =	shalt  }
0x68: {  	_ =	shalt  }
0x69: {  	_ =	shalt  }
0x6a: {  	_ =	shalt  }
0x6b: {  	_ =	shalt  }
0x6c: {  	_ =	shalt  }
0x6d: {  	_ =	shalt  }
0x6e: {  	_ =	shalt  }
0x6f: {  	_ =	shalt  }
0x70: {  	_ =	shalt  }
0x71: {  	_ =	shalt  }
0x72: {  	_ =	shalt  }
0x73: {  	_ =	shalt  }
0x74: {  	_ =	shalt  }
0x75: {  	_ =	shalt  }
0x76: {  	_ =	shalt  }
0x77: {  	_ =	shalt  }
0x78: {  	_ =	shalt  }
0x79: {  	_ =	shalt  }
0x7a: {  	_ =	shalt  }
0x7b: {  	_ =	shalt  }
0x7c: {  	_ =	shalt  }
0x7d: {  	_ =	shalt  }
0x7e: {  	_ =	shalt  }
0x7f: {  	_ =	shalt  }
0x80: {  	_ =	shalt  }
0x81: {  	_ =	shalt  }
0x82: {  	_ =	shalt  }
0x83: {  	_ =	shalt  }
0x84: {  	_ =	shalt  }
0x85: {  	_ =	shalt  }
0x86: {  	_ =	shalt  }
0x87: {  	_ =	shalt  }
.Lfunc_end0:
.L_simem_size_0:
called_computation.2_lowered:
.L_overlay_start_0:
0x88: {  	s2 =	sld [smem:$0x3FD9]  }
0x89: {  	s3 =	sld [smem:$0x3FFE];
	_ =	sdelay $0x1  }
0x8a: {  	s1 =	srdreg.scid  }
0x8b: {  	s0 =	sand.u32 $0x1, s1  }
0x8c: {  	s17 =	sshll.u32 s0, $0xA;
	s2 =	sadd.s32 s3, s2  }
0x8d: {  	s2 =	sadd.s32 s2, s17  }
0x8e: {  	[smem:$0x3FBA] =	sst s2  }
0x8f: {  	_ = 	snop  }
0x90: {  	s2 =	sld [smem:$0x3FD0];
	(tm) =	ssettm $0x1  }
0x91: {  	s18 =	sld [smem:$0x3FFB];
	_ =	sdelay $0x3  }
0x92: {  	_ =	strace s18  }
0x93: {  	s3 =	sld [smem:$0x3FFC];
	_ =	sdelay $0x3  }
0x94: {  	_ =	strace s3  }
0x95: {  	s3 =	sld [smem:$0x3FFD];
	_ =	sdelay $0x3  }
0x96: {  	_ =	strace s3  }
0x97: {  	_ =	strace $0x8FFFFFFF  }
0x98: {  	s19 =	sld [smem:$0x3FDB];
	_ =	sdelay $0x1  }
0x99: {  	s4 =	simm.s32 $_scs_section_size  }
0x9a: {  	s5 =	simm.s32 $_size__tile_overlayer_lowered;
	s6 =	simm.s32 $_tile_overlayer_lowered  }
0x9b: {  	s22 =	simm.s32 $0x1BFF;
	s21 =	sshll.u32 s6, $0x1;
	s3 =	sadd.s32 s4, s19  }
0x9c: {  	s7 =	simm.s32 $0x0;
	s20 =	sshll.u32 s5, $0x1;
	s5 =	sadd.s32 s21, s3  }
0x9d: {  	[timem:s7], [sflag:s22] =	dma.local [hbm:s5], s20  }
0x9e: {  	_ =	swait.ge [sflag:s22], s20  }
0x9f: {  	s4 =	ssub.s32 $0x0, s20;
	[sflag:s22] =	ssyncset.done $0x0  }
0xa0: {  	[sflag:s22] =	ssyncadd.s32 s4;
	_ =	sdelay $0x1  }
0xa1: {  	s23 =	simm.s32 $0x1B8B  }
0xa2: {  	_ =	swait.ge [sflag:s23], $0x1  }
0xa3: {  	[sflag:s23] =	ssyncset.done $0x0  }
0xa4: {  	s25 =	simm.s32 $0x1B8E;
	s24 =	sld [smem:$0x3FFE];
	[sflag:s23] =	ssyncadd.s32 $0xFFFFFFFF  }
0xa5: {  	s26 =	simm.s32 $execute0_lowered;
	[smem:$0x3FD2] =	sst s25  }
0xa6: {  	s5 =	sshll.u32 s26, $0x1;
	_ =	strace $0x8000004C;
	[dreg:$0x1] =	wrdreg $0xFFFFFFFF  }
0xa7: {  	s28 =	simm.s32 $_size_execute0_lowered;
	s3 =	sadd.s32 s3, s5;
	[dreg:$0x0] =	wrdreg $0x0  }
0xa8: {  	s5 =	sshll.u32 s28, $0x1;
	[dreg:$0x2] =	wrdreg s3  }
0xa9: {  	[dreg:$0x3] =	wrdreg s5  }
0xaa: {  	[dreg:$0x4] =	wrdreg $0xC0  }
0xab: {  	_ =	task [dreg:s7], $0x5FFFF  }
0xac: {  	[dreg:$0x1] =	wrdreg $0xFFFFFFFF  }
0xad: {  	[dreg:$0x0] =	wrdreg $0x60  }
0xae: {  	[dreg:$0x2] =	wrdreg s2  }
0xaf: {  	[dreg:$0x3] =	wrdreg s24  }
0xb0: {  	[dreg:$0x4] =	wrdreg $0x10C400  }
0xb1: {  	[dreg:$0x5] =	wrdreg $0x9  }
0xb2: {  	_ =	task.clear_ibuf [dreg:s7], $0x6FFFF;
	_ =	strace $0x9000004C  }
0xb3: {  	s29 =	simm.s32 $0x9;
	_ =	strace $0x8000004E  }
0xb4: {  	_ =	swait.ge [sflag:s29], $0x1  }
0xb5: {  	[sflag:s29] =	ssyncadd.s32 $0xFFFFFFFF  }
0xb6: {  	_ =	strace $0x9000004E  }
0xb7: {  	_ =	sfence  }
0xb8: {  	s30 =	sld [smem:$0x0];
	_ =	sdelay $0x2  }
0xb9: {  	s31 =	sshll.u32 s1, $0xD;
	s1 =	sshrl.u32 s1, $0x2  }
0xba: {  	s3 =	sand.u32 $0x4000, s31;
	s1 =	sadd.s32 s1, s30  }
0xbb: {  	s0 =	sor.u32 s3, s0;
	s1 =	sshll.u32 s1, $0x11  }
0xbc: {  	s0 =	sor.u32 s1, s0  }
0xbd: {  	s0 =	sadd.s32 $0x8F2B, s0  }
0xbe: {  	[sflag:s0] =	ssyncadd.remote.s32 $0x1  }
0xbf: {  	_ =	sfence.sel $0xFFFF  }
0xc0: {  	[dreg:$0x0] =	wrdreg $0xFFFFFFFF;
	(pc) =	sbr.abs _section_cstart, $3  }
0xc1: {  	[dreg:$0x1] =	wrdreg $0xFFFFFFFF  }
0xc2: {  	_ =	task.clear_ibuf [dreg:s7], $0x2FFFF;
	_ =	strace $0x9FFFFFFF  }
0xc3: {  	(tm) =	ssettm $0x7FFFFFFF  }
tec
execute0_lowered:
.L_overlay_start_1:
0x0: {  	(tag) =	ssettag $0x1  }
0x1: {  	s1 =	rddreg [dreg:$0x0];
	s0 =	srdreg.scid  }
0x2: {  	s13 =	stileid.u32;
	s2 =	rddreg [dreg:$0x1]  }
0x3: {  	s3 =	rddreg [dreg:$0x2];
	s4 =	simm.s32 $0x0;
	s28 =	simm.s32 $0xEC40  }
0x4: {  	s29 =	simm.s32 $0x7;
	s0 =	sand.u32 $0x1, s0;
	s6 =	smul.u32 $0x4E20, s13  }
0x5: {  	s31 =	simm.s32 $0x50;
	s30 =	simm.s32 $0x1;
	s5 =	smul.u32 $0x4E200, s0  }
0x6: {  	[smem:$0x7FF] =	sst s4;
	s20 =	smul.u32 $0x28000, s13;
	s10 =	ssub.s32 $0x2, s0  }
0x7: {  	s12 =	smul.u32 $0x138800, s13;
	s11 =	sshrl.u32 s10, $0x1;
	s7 =	sadd.s32 s6, s5  }
0x8: {  	s6 =	sshrl.u32 s6, $0x3;
	s10 =	ssub.s32 s10, s11;
	s11 =	smul.u32 $0xFA, s13  }
0x9: {  	_ =	strace $0x8000004D;
	s9 =	sadd.s32 s6, s2;
	s6 =	smul.u32 $0x1388000, s0  }
0xa: {  	s5 =	sadd.s32 $0x5800, s2;
	s7 =	sshrl.u32 s7, $0x3;
	s0 =	smul.u32 $0xA0000, s0  }
0xb: {  	s10 =	smax.u32 s10, $0x1;
	s8 =	sadd.s32 s7, s2;
	s2 =	sadd.s32 $0x540000, s2  }
0xc: {  	s7 =	sshrl.u32 s20, $0x2;
	s22 =	sadd.s32 $0x4E8000, s9;
	[dreg:$0x8] =	wrdreg s10  }
0xd: {  	s9 =	simm.s32 $0xB040;
	s10 =	simm.s32 $0xD840;
	s7 =	sadd.s32 s7, s3  }
0xe: {  	s21 =	sadd.s32 s12, s6;
	s8 =	sadd.s32 $0x9FBE00, s8;
	[dreg:$0x5] =	wrdreg s22  }
0xf: {  	s12 =	smul.u32 $0xA000, s13;
	s13 =	simm.s32 $0x4;
	[dreg:$0x4] =	wrdreg s8  }
0x10: {  	s23 =	sshrl.u32 s21, $0x3;
	s15 =	sadd.s32 $0x2000, s7;
	s16 =	sadd.s32 $0x4000, s7  }
0x11: {  	s21 =	sadd.s32 $0x6000, s7;
	s8 =	sadd.s32 s5, s23;
	[dreg:$0x9] =	wrdreg s15  }
0x12: {  	s24 =	sadd.s32 s0, s12;
	s25 =	sadd.s32 $0x2000, s12;
	[dreg:$0xa] =	wrdreg s16  }
0x13: {  	s17 =	sadd.s32 $0x4000, s12;
	s18 =	sadd.s32 $0x6000, s12;
	s19 =	sadd.s32 $0x8000, s12  }
0x14: {  	[dreg:$0xf] =	wrdreg s21;
	s22 =	sadd.s32 s12, s3;
	s12 =	simm.s32 $0x2  }
0x15: {  	s16 =	simm.s32 $0x0;
	[dreg:$0x6] =	wrdreg s8;
	s8 =	sshrl.u32 s24, $0x3  }
0x16: {  	s26 =	sadd.s32 s0, s25;
	s15 =	sadd.s32 s0, s18;
	s23 =	sadd.s32 s25, s3  }
0x17: {  	s24 =	sadd.s32 s18, s3;
	s25 =	sadd.s32 s19, s3;
	s8 =	sadd.s32 s2, s8  }
0x18: {  	s14 =	sshrl.u32 s26, $0x3;
	s15 =	sshrl.u32 s15, $0x3;
	s26 =	sshrl.u32 s23, $0x3  }
0x19: {  	s24 =	sshrl.u32 s24, $0x3;
	s25 =	sshrl.u32 s25, $0x3;
	[dreg:$0x7] =	wrdreg s8  }
0x1a: {  	s8 =	sadd.s32 s2, s14;
	s14 =	sadd.s32 s0, s17;
	s0 =	sadd.s32 s0, s19  }
0x1b: {  	s20 =	sadd.s32 s2, s15;
	[dreg:$0x11] =	wrdreg s26;
	s26 =	sadd.s32 $0x8000, s7  }
0x1c: {  	s15 =	simm.s32 $0x6;
	[dreg:$0xb] =	wrdreg s8;
	s14 =	sshrl.u32 s14, $0x3  }
.Ltmp0:
0x1d: {  	s0 =	sshrl.u32 s0, $0x3;
	[dreg:$0xd] =	wrdreg s20;
	(pc) =	sbr.rel .LBB2_1-.Ltmp0, $4  }
0x1e: {  	s8 =	sadd.s32 s17, s3;
	s14 =	sadd.s32 s2, s14;
	s0 =	sadd.s32 s2, s0  }
0x1f: {  	s23 =	sshrl.u32 s8, $0x3;
	s2 =	simm.s32 $0x9C40;
	[dreg:$0xc] =	wrdreg s14  }
0x20: {  	s8 =	simm.s32 $0x3;
	[dreg:$0xe] =	wrdreg s0;
	s0 =	sshrl.u32 s22, $0x3  }
0x21: {  	v0 =	vimm.f32 $0.0e+00;
	s14 =	simm.s32 $0x5;
	[dreg:$0x10] =	wrdreg s0;
	s0 =	simm.s32 $0xC440  }
.LBB2_10:
0x22: {  	_ =	swait.ge [sflag:s15], $0x1400  }
0x23: {  	[sflag:s15] =	ssyncset.done $0x0  }
0x24: {  	[sflag:s15] =	ssyncadd.s32 $0xFFFFEC00  }
0x25: {  	s17 =	stileid.u32;
	[bflag:$0x0] =	sbarrier.arrive $0xFFFF  }
0x26: {  	s17 =	sshll.u32 s17, $0x6;
	s18 =	rddreg [dreg:$0x7]  }
0x27: {  	s17 =	sor.u32 $0x1C07, s17;
	s19 =	rddreg [dreg:$0x10]  }
0x28: {  	[hbm:s18], [sflag:s17] =	dma.local [spmem:s19], $0x400  }
0x29: {  	_ =	swait.ge [sflag:s29], $0x400  }
0x2a: {  	[sflag:s29] =	ssyncset.done $0x0;
	s21 =	rddreg [dreg:$0xb]  }
0x2b: {  	s22 =	rddreg [dreg:$0x11];
	[sflag:s29] =	ssyncadd.s32 $0xFFFFFC00  }
0x2c: {  	[hbm:s21], [sflag:s17] =	dma.local [spmem:s22], $0x400  }
0x2d: {  	_ =	swait.ge [sflag:s29], $0x400  }
0x2e: {  	[sflag:s29] =	ssyncset.done $0x0  }
0x2f: {  	s19 =	rddreg [dreg:$0xc];
	[sflag:s29] =	ssyncadd.s32 $0xFFFFFC00  }
0x30: {  	[hbm:s19], [sflag:s17] =	dma.local [spmem:s23], $0x400  }
0x31: {  	_ =	swait.ge [sflag:s29], $0x400  }
0x32: {  	[sflag:s29] =	ssyncset.done $0x0  }
0x33: {  	s20 =	rddreg [dreg:$0xd];
	[sflag:s29] =	ssyncadd.s32 $0xFFFFFC00  }
0x34: {  	[hbm:s20], [sflag:s17] =	dma.local [spmem:s24], $0x400  }
0x35: {  	_ =	swait.ge [sflag:s29], $0x400  }
0x36: {  	[sflag:s29] =	ssyncset.done $0x0  }
0x37: {  	s21 =	rddreg [dreg:$0xe];
	[sflag:s29] =	ssyncadd.s32 $0xFFFFFC00  }
0x38: {  	[hbm:s21], [sflag:s17] =	dma.local [spmem:s25], $0x400  }
0x39: {  	_ =	swait.ge [sflag:s29], $0x400  }
0x3a: {  	s16 =	sadd.s32 $0x1, s16;
	s22 =	rddreg [dreg:$0x8]  }
0x3b: {  	p0 =	sne.s32 s16, s22  }
.Ltmp1:
0x3c: {  	_ = 	snop;
	(pc) =	sbr.rel @!p0 .LBB2_11-.Ltmp1, $3  }
0x3d: {  	_ =	sdelay $0x1  }
0x3e: {  	[sflag:s29] =	ssyncset.done $0x0  }
0x3f: {  	[sflag:s29] =	ssyncadd.s32 $0xFFFFFC00  }
.LBB2_1:
0x40: {  	s18 =	simm.s32 $0x100;
	s17 =	simm.s32 $0x0  }
.LBB2_2:
0x41: {  	p0 =	sne.s32 s18, $0x7F00;
	[tilespmem:s17+$0xEC70] =	vst v0;
	s19 =	smov.u32 s18;
	s18 =	sadd.s32 $0x100, s18  }
.Ltmp2:
0x42: {  	[tilespmem:s17+$0xEC60] =	vst v0;
	(pc) =	sbr.rel @p0 .LBB2_2-.Ltmp2, $3  }
0x43: {  	[tilespmem:s17+$0xEC40] =	vst v0  }
0x44: {  	[tilespmem:s17+$0xEC50] =	vst v0;
	_ =	sdelay $0x1  }
0x45: {  	s17 =	sshra.s32 s19, $0x2  }
0x46: {  	[tilespmem:s17+$0xEC70] =	vst v0  }
0x47: {  	[tilespmem:s17+$0xEC60] =	vst v0  }
0x48: {  	[tilespmem:s17+$0xEC40] =	vst v0  }
0x49: {  	[tilespmem:s17+$0xEC50] =	vst v0  }
0x4a: {  	[spmem:s7] =	stream.linear.scatter [tilespmem:s28], [sflag:$0x7], $0x2000, $0x38;
	[tilespmem:$0x1AC40] =	vst v63  }
0x4b: {  	_ =	swait.ge [sflag:s29], $0x2000  }
0x4c: {  	[sflag:s29] =	ssyncset.done $0x0  }
0x4d: {  	s18 =	rddreg [dreg:$0x9];
	[sflag:s29] =	ssyncadd.s32 $0xFFFFE000  }
0x4e: {  	[spmem:s18] =	stream.linear.scatter [tilespmem:s28], [sflag:$0x7], $0x2000, $0x38;
	[tilespmem:$0x1AC40] =	vst v63  }
0x4f: {  	_ =	swait.ge [sflag:s29], $0x2000  }
0x50: {  	[sflag:s29] =	ssyncset.done $0x0  }
0x51: {  	s19 =	rddreg [dreg:$0xa];
	[sflag:s29] =	ssyncadd.s32 $0xFFFFE000  }
0x52: {  	[spmem:s19] =	stream.linear.scatter [tilespmem:s28], [sflag:$0x7], $0x2000, $0x38;
	[tilespmem:$0x1AC40] =	vst v63  }
0x53: {  	_ =	swait.ge [sflag:s29], $0x2000  }
0x54: {  	[sflag:s29] =	ssyncset.done $0x0  }
0x55: {  	s20 =	rddreg [dreg:$0xf];
	[sflag:s29] =	ssyncadd.s32 $0xFFFFE000  }
0x56: {  	[spmem:s20] =	stream.linear.scatter [tilespmem:s28], [sflag:$0x7], $0x2000, $0x38;
	[tilespmem:$0x1AC40] =	vst v63  }
0x57: {  	_ =	swait.ge [sflag:s29], $0x2000  }
0x58: {  	[sflag:s29] =	ssyncset.done $0x0  }
0x59: {  	[sflag:s29] =	ssyncadd.s32 $0xFFFFE000  }
0x5a: {  	[spmem:s26] =	stream.linear.scatter [tilespmem:s28], [sflag:$0x7], $0x2000, $0x38;
	[tilespmem:$0x1AC40] =	vst v63  }
0x5b: {  	_ =	swait.ge [sflag:s29], $0x2000  }
0x5c: {  	[sflag:s29] =	ssyncset.done $0x0  }
0x5d: {  	[sflag:s29] =	ssyncadd.s32 $0xFFFFE000  }
0x5e: {  	[bflag:$0x0] =	sbarrier.arrive $0xFFFF  }
0x5f: {  	s17 =	simm.s32 $0x0;
	s18 =	rddreg [dreg:$0x4]  }
0x60: {  	[tilespmem:s17], [sflag:$0x7] =	stream.linear.gather [hbm4b:s18+s17], $0x4E20, $0x38;
	[tilespmem:$0x1AC40] =	vst v63  }
0x61: {  	_ =	swait.ge [sflag:s29], $0x4E20  }
0x62: {  	[sflag:s29] =	ssyncset.done $0x0  }
0x63: {  	s19 =	simm.s32 $0x4E20;
	s21 =	rddreg [dreg:$0x5];
	[sflag:s29] =	ssyncadd.s32 $0xFFFFB1E0  }
0x64: {  	[tilespmem:s19], [sflag:$0x7] =	stream.linear.gather [hbm4b:s21+s17], $0x4E20, $0x38;
	[tilespmem:$0x1AC40] =	vst v63  }
0x65: {  	_ =	swait.ge [sflag:s29], $0x4E20  }
0x66: {  	[sflag:s29] =	ssyncset.done $0x0  }
0x67: {  	[sflag:s29] =	ssyncadd.s32 $0xFFFFB1E0  }
0x68: {  	[tilespmem:s2], [sflag:$0x1] =	stream.indirect.gather [hbm4b:s1+s31], $0x40, s17, s31, $0xb8;
	[tilespmem:$0x1AC40] =	vst v63  }
0x69: {  	s22 =	rddreg [dreg:$0x6]  }
0x6a: {  	[tilespmem:s0], [sflag:$0x3] =	stream.linear.gather [hbm4b:s22+s17], $0x1400, $0x38;
	[tilespmem:$0x1AC40] =	vst v63  }
.LBB2_4:
0x6b: {  	_ =	swait.ge [sflag:s30], $0x1400  }
0x6c: {  	[sflag:s30] =	ssyncset.done $0x0  }
0x6d: {  	[sflag:s30] =	ssyncadd.s32 $0xFFFFEC00  }
0x6e: {  	_ =	swait.ge [sflag:s8], $0x1400  }
0x6f: {  	[sflag:s8] =	ssyncset.done $0x0  }
0x70: {  	s18 =	simm.s32 $0x0;
	[sflag:s8] =	ssyncadd.s32 $0xFFFFEC00  }
0x71: {  	v3 =	vld [tilespmem:s18+$0xC440]  }
0x72: {  	v4 =	vld [tilespmem:s18+$0xC450]  }
0x73: {  	v2 =	vld [tilespmem:s18+$0xC460]  }
0x74: {  	v1 =	vld [tilespmem:s18+$0xC470]  }
0x75: {  	v5 =	vld [tilespmem:s18+$0x9C40]  }
0x76: {  	v7 =	vld [tilespmem:s18+$0x9C50]  }
0x77: {  	s19 =	simm.s32 $0x100;
	v6 =	vld [tilespmem:s18+$0x9C60]  }
.LBB2_5:
0x78: {  	p0 =	sne.s32 s19, $0x4F00;
	v8 =	vld [tilespmem:s18+$0x9C70]  }
0x79: {  	s20 =	sshra.s32 s19, $0x2  }
0x7a: {  	v5 =	vadd.f32 v3, v5;
	v3 =	vld [tilespmem:s20+$0xC440]  }
0x7b: {  	v7 =	vadd.f32 v4, v7;
	v4 =	vld [tilespmem:s20+$0xC450]  }
.Ltmp3:
0x7c: {  	v5 =	vmax.f32 v5, $0.0e+00;
	v6 =	vadd.f32 v2, v6;
	v2 =	vld [tilespmem:s20+$0xC460];
	(pc) =	sbr.rel @p0 .LBB2_5-.Ltmp3, $4  }
0x7d: {  	[tilespmem:s18+$0x9C40] =	vst v5;
	v7 =	vmax.f32 v7, $0.0e+00;
	v8 =	vadd.f32 v1, v8;
	v1 =	vld [tilespmem:s20+$0xC470]  }
0x7e: {  	v5 =	vld [tilespmem:s20+$0x9C40];
	[tilespmem:s18+$0x9C50] =	vst v7;
	v6 =	vmax.f32 v6, $0.0e+00  }
0x7f: {  	v7 =	vld [tilespmem:s20+$0x9C50];
	[tilespmem:s18+$0x9C60] =	vst v6;
	v8 =	vmax.f32 v8, $0.0e+00  }
0x80: {  	s19 =	sadd.s32 $0x100, s19;
	v6 =	vld [tilespmem:s20+$0x9C60];
	[tilespmem:s18+$0x9C70] =	vst v8;
	s18 =	smov.u32 s20  }
0x81: {  	v8 =	vld [tilespmem:s18+$0x9C70];
	_ =	sdelay $0x1  }
0x82: {  	v3 =	vadd.f32 v3, v5  }
0x83: {  	v4 =	vadd.f32 v4, v7  }
0x84: {  	v3 =	vmax.f32 v3, $0.0e+00;
	v2 =	vadd.f32 v2, v6  }
0x85: {  	[tilespmem:s18+$0x9C40] =	vst v3;
	v3 =	vmax.f32 v4, $0.0e+00;
	v1 =	vadd.f32 v1, v8  }
0x86: {  	[tilespmem:s18+$0x9C50] =	vst v3;
	v2 =	vmax.f32 v2, $0.0e+00  }
0x87: {  	p0 =	seq.s32 s17, $0x0;
	s22 =	smul.u32 $0x280, s17;
	[tilespmem:s18+$0x9C60] =	vst v2;
	v1 =	vmax.f32 v1, $0.0e+00  }
0x88: {  	s19 =	simm.s32 @!p0 $0x6;
	[tilespmem:s18+$0x9C70] =	vst v1;
	s18 =	sshll.u32 s17, $0x1  }
0x89: {  	s20 =	sshra.s32 s22, $0x2;
	_ =	swait.ge @!p0 [sflag:s19], $0x1400;
	s21 =	sor.u32 $0x1, s18  }
0x8a: {  	[sflag:s19] =	ssyncset.done @!p0 $0x0;
	s22 =	smul.u32 $0x140, s21;
	s21 =	sadd.s32 s11, s21  }
0x8b: {  	s20 =	sadd.s32 $0x4E20, s20;
	[sflag:s19] =	ssyncadd.s32 @!p0 $0xFFFFEC00;
	s21 =	smul.u32 $0x1400, s21  }
0x8c: {  	[spmem:s3] =	stream.indirect.scatter.add.f32 [tilespmem:s2], [sflag:$0x5], $0x40, s20, s31, $0xb8;
	[tilespmem:$0x1AC40] =	vst v63  }
0x8d: {  	s19 =	sshra.s32 s22, $0x2;
	s20 =	sadd.s32 s6, s21  }
0x8e: {  	[tilespmem:s9], [sflag:$0x2] =	stream.indirect.gather [hbm4b:s1+s31], $0x40, s19, s31, $0xb8;
	[tilespmem:$0x1AC40] =	vst v63  }
0x8f: {  	s20 =	sshrl.u32 s20, $0x3  }
0x90: {  	s22 =	simm.s32 $0x0;
	s20 =	sadd.s32 s5, s20  }
0x91: {  	[tilespmem:s10], [sflag:$0x4] =	stream.linear.gather [hbm4b:s20+s22], $0x1400, $0x38;
	[tilespmem:$0x1AC40] =	vst v63  }
0x92: {  	_ =	swait.ge [sflag:s12], $0x1400  }
0x93: {  	[sflag:s12] =	ssyncset.done $0x0  }
0x94: {  	[sflag:s12] =	ssyncadd.s32 $0xFFFFEC00  }
0x95: {  	_ =	swait.ge [sflag:s13], $0x1400  }
0x96: {  	[sflag:s13] =	ssyncset.done $0x0  }
0x97: {  	s20 =	simm.s32 $0x0;
	[sflag:s13] =	ssyncadd.s32 $0xFFFFEC00  }
0x98: {  	v3 =	vld [tilespmem:s20+$0xD840]  }
0x99: {  	v4 =	vld [tilespmem:s20+$0xD850]  }
0x9a: {  	v2 =	vld [tilespmem:s20+$0xD860]  }
0x9b: {  	v1 =	vld [tilespmem:s20+$0xD870]  }
0x9c: {  	v5 =	vld [tilespmem:s20+$0xB040]  }
0x9d: {  	v7 =	vld [tilespmem:s20+$0xB050]  }
0x9e: {  	s21 =	simm.s32 $0x100;
	v6 =	vld [tilespmem:s20+$0xB060]  }
.LBB2_7:
0x9f: {  	p0 =	sne.s32 s21, $0x4F00;
	v8 =	vld [tilespmem:s20+$0xB070]  }
0xa0: {  	s22 =	sshra.s32 s21, $0x2  }
0xa1: {  	v5 =	vadd.f32 v3, v5;
	v3 =	vld [tilespmem:s22+$0xD840]  }
0xa2: {  	v7 =	vadd.f32 v4, v7;
	v4 =	vld [tilespmem:s22+$0xD850]  }
.Ltmp4:
0xa3: {  	v5 =	vmax.f32 v5, $0.0e+00;
	v6 =	vadd.f32 v2, v6;
	v2 =	vld [tilespmem:s22+$0xD860];
	(pc) =	sbr.rel @p0 .LBB2_7-.Ltmp4, $4  }
0xa4: {  	[tilespmem:s20+$0xB040] =	vst v5;
	v7 =	vmax.f32 v7, $0.0e+00;
	v8 =	vadd.f32 v1, v8;
	v1 =	vld [tilespmem:s22+$0xD870]  }
0xa5: {  	v5 =	vld [tilespmem:s22+$0xB040];
	[tilespmem:s20+$0xB050] =	vst v7;
	v6 =	vmax.f32 v6, $0.0e+00  }
0xa6: {  	v7 =	vld [tilespmem:s22+$0xB050];
	[tilespmem:s20+$0xB060] =	vst v6;
	v8 =	vmax.f32 v8, $0.0e+00  }
0xa7: {  	s21 =	sadd.s32 $0x100, s21;
	v6 =	vld [tilespmem:s22+$0xB060];
	[tilespmem:s20+$0xB070] =	vst v8;
	s20 =	smov.u32 s22  }
0xa8: {  	v8 =	vld [tilespmem:s20+$0xB070];
	_ =	sdelay $0x1  }
0xa9: {  	v3 =	vadd.f32 v3, v5  }
0xaa: {  	v4 =	vadd.f32 v4, v7  }
0xab: {  	v3 =	vmax.f32 v3, $0.0e+00;
	v2 =	vadd.f32 v2, v6  }
0xac: {  	[tilespmem:s20+$0xB040] =	vst v3;
	v3 =	vmax.f32 v4, $0.0e+00;
	v1 =	vadd.f32 v1, v8  }
0xad: {  	[tilespmem:s20+$0xB050] =	vst v3;
	v2 =	vmax.f32 v2, $0.0e+00  }
0xae: {  	p0 =	seq.s32 s17, $0x7C;
	[tilespmem:s20+$0xB060] =	vst v2;
	v1 =	vmax.f32 v1, $0.0e+00  }
.Ltmp5:
0xaf: {  	[tilespmem:s20+$0xB070] =	vst v1;
	(pc) =	sbr.rel @p0 .LBB2_10-.Ltmp5, $4  }
0xb0: {  	_ =	swait.ge [sflag:s14], $0x1400  }
0xb1: {  	[sflag:s14] =	ssyncset.done $0x0  }
0xb2: {  	s19 =	sadd.s32 $0x4E20, s19;
	[sflag:s14] =	ssyncadd.s32 $0xFFFFEC00  }
0xb3: {  	[spmem:s3] =	stream.indirect.scatter.add.f32 [tilespmem:s9], [sflag:$0x6], $0x40, s19, s31, $0xb8;
	[tilespmem:$0x1AC40] =	vst v63  }
0xb4: {  	s18 =	sadd.s32 $0x2, s18  }
0xb5: {  	s19 =	smul.u32 $0x140, s18  }
0xb6: {  	s18 =	sadd.s32 s11, s18  }
0xb7: {  	s18 =	smul.u32 $0x1400, s18;
	s19 =	sshra.s32 s19, $0x2  }
0xb8: {  	[tilespmem:s2], [sflag:$0x1] =	stream.indirect.gather [hbm4b:s1+s31], $0x40, s19, s31, $0xb8;
	[tilespmem:$0x1AC40] =	vst v63  }
.Ltmp6:
0xb9: {  	_ = 	snop;
	(pc) =	sbr.rel .LBB2_4-.Ltmp6, $4  }
0xba: {  	s18 =	sadd.s32 s6, s18  }
0xbb: {  	s18 =	sshrl.u32 s18, $0x3  }
0xbc: {  	s17 =	sadd.s32 $0x1, s17;
	s18 =	sadd.s32 s5, s18  }
0xbd: {  	[tilespmem:s0], [sflag:$0x3] =	stream.linear.gather [hbm4b:s18+s4], $0x1400, $0x38;
	[tilespmem:$0x1AC40] =	vst v63  }
.LBB2_11:
0xbe: {  	_ =	sfence.sel $0x180000  }
0xbf: {  	[bflag:$0x0] =	sbarrier.arrive $0xFFFF  }
0xc0: {  	_ =	strace $0x9000004D  }
0xc1: {  	s0 =	stileid.u32;
	[bflag:$0x2] =	sbarrier.arrive $0xFFFF  }
0xc2: {  	p0 =	sne.s32 s0, $0x0;
	s0 =	rddreg [dreg:$0x3]  }
0xc3: {  	s0 =	sadd.s32 @!p0 $0x100000, s0  }
0xc4: {  	[sflag:s0] =	ssyncadd.tile.s32 @!p0 $0x1;
	_ =	shalt  }
.Lfunc_end2:
_tile_overlayer_lowered:
.L_overlay_start_2:
0xc5: {  	(tag) =	ssettag $0x2  }
0xc6: {  	s0 =	rddreg [dreg:$0x0];
	s2 =	stileid.u32  }
0xc7: {  	s1 =	rddreg [dreg:$0x1];
	p0 =	sne.s32 s2, $0x0  }
0xc8: {  	s3 =	rddreg [dreg:$0x2];
	[bflag:$0x3] =	sbarrier.arrive $0xFFFF;
	s2 =	simm.s32 @!p0 $0x1C07  }
0xc9: {  	[timem:s3], [sflag:s2] =	dma.local @!p0 [hbm:s0], s1  }
0xca: {  	s0 =	simm.s32 @!p0 $0x7  }
0xcb: {  	_ =	swait.ge @!p0 [sflag:s0], s1  }
0xcc: {  	s1 =	ssub.s32 @!p0 $0x0, s1;
	[sflag:s0] =	ssyncset.done @!p0 $0x0  }
0xcd: {  	[sflag:s0] =	ssyncadd.s32 @!p0 s1  }
0xce: {  	[bflag:$0x3] =	sbarrier.arrive $0xFFFF  }
0xcf: {  	_ =	shalt  }

</sc_bundles>
